<compile_context>
chip_gen: v7x
topology: tpu7x:2x2x1
jax: 0.10.2.dev20260603
libtpu: 0.0.44.dev20260713+nightly
codegen_flags: <defaults>
</compile_context>

<pallas_src>
import functools

import jax
import jax.numpy as jnp
from jax import lax
from jax.experimental import pallas as pl
from jax.experimental.pallas import tpu as pltpu
from jax.experimental.pallas import tpu_sc as plsc

NN = 10000
EE = 320000
GG = 64
NW = 32
EPW = EE // NW
CH = 125
NCH = EPW // CH
RPS = 624
DW = 16
NBUF = 8
KPF = 7

_R = 2000
_GRID = NN // _R


def _sc_mesh():
    return plsc.VectorSubcoreMesh(core_axis_name="c", subcore_axis_name="s")


def _striped_copy(s, mk_src, mk_dst):
    base = pl.multiple_of(s * RPS, 8)

    @pl.when(s < 15)
    def _main():
        pltpu.sync_copy(mk_src(base, RPS), mk_dst(base, RPS))

    @pl.when(s == 15)
    def _tail():
        pltpu.sync_copy(mk_src(15 * RPS, NN - 15 * RPS),
                        mk_dst(15 * RPS, NN - 15 * RPS))


@functools.partial(
    pl.kernel,
    out_type=jax.ShapeDtypeStruct((2, NN, DW), jnp.float32),
    mesh=_sc_mesh(),
    scratch_types=[
        pltpu.VMEM((NCH, CH), jnp.int32),
        pltpu.VMEM((CH, DW), jnp.float32),
        pltpu.VMEM_SHARED((NN, DW), jnp.float32),
    ],
    compiler_params=pltpu.CompilerParams(use_tc_tiling_on_sc=False),
)
def _deg_kernel(ei, ones_hbm, zeros_hbm, out, idx_v, ones_v, deg_sh):
    c = lax.axis_index("c")
    s = lax.axis_index("s")
    w = c * 16 + s
    _striped_copy(s, lambda b, n: zeros_hbm.at[pl.ds(b, n)],
                  lambda b, n: deg_sh.at[pl.ds(b, n)])
    pltpu.sync_copy(ones_hbm, ones_v)
    pltpu.sync_copy(ei.at[1, w], idx_v)
    plsc.subcore_barrier()

    def step(j, carry):
        pltpu.sync_copy(ones_v, deg_sh.at[idx_v.at[j]], add=True)
        return carry

    lax.fori_loop(0, NCH, step, 0)
    plsc.subcore_barrier()
    _striped_copy(s, lambda b, n: deg_sh.at[pl.ds(b, n)],
                  lambda b, n: out.at[c, pl.ds(b, n)])


def _make_agg(F):
    @functools.partial(
        pl.kernel,
        out_type=jax.ShapeDtypeStruct((2, NN, F), jnp.float32),
        mesh=_sc_mesh(),
        scratch_types=[
            pltpu.VMEM((NCH, CH), jnp.int32),
            pltpu.VMEM((NCH, CH), jnp.int32),
            pltpu.VMEM((NBUF, CH, F), jnp.float32),
            pltpu.VMEM_SHARED((NN, F), jnp.float32),
            [pltpu.SemaphoreType.DMA] * NBUF,
            [pltpu.SemaphoreType.DMA] * NBUF,
        ],
        compiler_params=pltpu.CompilerParams(use_tc_tiling_on_sc=False),
    )
    def agg(hs, ei, zeros_hbm, out, srci_v, dsti_v, rows_v, agg_sh, gsems,
            ssems):
        c = lax.axis_index("c")
        s = lax.axis_index("s")
        w = c * 16 + s
        _striped_copy(s, lambda b, n: zeros_hbm.at[pl.ds(b, n)],
                      lambda b, n: agg_sh.at[pl.ds(b, n)])
        pltpu.sync_copy(ei.at[0, w], srci_v)
        pltpu.sync_copy(ei.at[1, w], dsti_v)
        plsc.subcore_barrier()

        for b in range(KPF):
            pltpu.async_copy(hs.at[srci_v.at[b]], rows_v.at[b], gsems[b])

        def outer(j0, carry):
            for r in range(NBUF):
                j = j0 * NBUF + r
                nb = (r + KPF) % NBUF
                pltpu.make_async_copy(
                    hs.at[srci_v.at[j]], rows_v.at[r], gsems[r]).wait()
                pltpu.async_copy(rows_v.at[r], agg_sh.at[dsti_v.at[j]],
                                 ssems[r], add=True)
                nxt = j + KPF

                @pl.when(nxt < NCH)
                def _prefetch():
                    @pl.when(j >= NBUF - KPF)
                    def _drain():
                        pltpu.make_async_copy(
                            rows_v.at[nb], agg_sh.at[dsti_v.at[0]],
                            ssems[nb]).wait()

                    pltpu.async_copy(hs.at[srci_v.at[nxt]], rows_v.at[nb],
                                     gsems[nb])
            return carry

        lax.fori_loop(0, NCH // NBUF, outer, 0)
        for b in range(NBUF):
            pltpu.make_async_copy(rows_v.at[b], agg_sh.at[dsti_v.at[0]],
                                  ssems[b]).wait()
        plsc.subcore_barrier()
        _striped_copy(s, lambda b, n: agg_sh.at[pl.ds(b, n)],
                      lambda b, n: out.at[c, pl.ds(b, n)])

    return agg


_agg32 = _make_agg(32)
_agg64 = _make_agg(64)


def _mm1_body(x, w1, h1):
    h1[...] = jnp.dot(x[...], w1[...], preferred_element_type=jnp.float32)


def _mm1(x, w1):
    return pl.pallas_call(
        _mm1_body,
        grid=(_GRID,),
        in_specs=[
            pl.BlockSpec((_R, 128), lambda i: (i, 0)),
            pl.BlockSpec((128, 32), lambda i: (0, 0)),
        ],
        out_specs=pl.BlockSpec((_R, 32), lambda i: (i, 0)),
        out_shape=jax.ShapeDtypeStruct((NN, 32), jnp.float32),
    )(x, w1)


def _dinv_col(degp):
    deg = degp[0, :, 0:1] + degp[1, :, 0:1] + 1.0
    return lax.rsqrt(deg)


def _scale1_body(degp, h1, hs1):
    hs1[...] = h1[...] * _dinv_col(degp)


def _scale1(degp, h1):
    return pl.pallas_call(
        _scale1_body,
        grid=(_GRID,),
        in_specs=[
            pl.BlockSpec((2, _R, DW), lambda i: (0, i, 0)),
            pl.BlockSpec((_R, 32), lambda i: (i, 0)),
        ],
        out_specs=pl.BlockSpec((_R, 32), lambda i: (i, 0)),
        out_shape=jax.ShapeDtypeStruct((NN, 32), jnp.float32),
    )(degp, h1)


def _mid_body(degp, p1, hs1, b1, w2, hs2):
    dinv = _dinv_col(degp)
    t = (p1[0] + p1[1] + hs1[...]) * dinv + b1[...]
    t = jnp.maximum(t, 0.0)
    h = jnp.dot(t, w2[...], preferred_element_type=jnp.float32)
    hs2[...] = h * dinv


def _mid(degp, p1, hs1, b1, w2):
    return pl.pallas_call(
        _mid_body,
        grid=(_GRID,),
        in_specs=[
            pl.BlockSpec((2, _R, DW), lambda i: (0, i, 0)),
            pl.BlockSpec((2, _R, 32), lambda i: (0, i, 0)),
            pl.BlockSpec((_R, 32), lambda i: (i, 0)),
            pl.BlockSpec((1, 32), lambda i: (0, 0)),
            pl.BlockSpec((32, 64), lambda i: (0, 0)),
        ],
        out_specs=pl.BlockSpec((_R, 64), lambda i: (i, 0)),
        out_shape=jax.ShapeDtypeStruct((NN, 64), jnp.float32),
    )(degp, p1, hs1, b1, w2)


def _head_body(degp, p2, hs2, b2, batchf, wfc, bfc, wfc2, bfc2, out,
               sums_sc, cnts_sc):
    i = pl.program_id(0)

    @pl.when(i == 0)
    def _init():
        sums_sc[...] = jnp.zeros_like(sums_sc)
        cnts_sc[...] = jnp.zeros_like(cnts_sc)

    dinv = _dinv_col(degp)
    h = (p2[0] + p2[1] + hs2[...]) * dinv + b2[...]
    h = jnp.maximum(h, 0.0)
    gids = lax.broadcasted_iota(jnp.int32, (1, GG), 1).astype(jnp.float32)
    onehot = jnp.where(batchf[...] == gids, 1.0, 0.0)
    sums_sc[...] += lax.dot_general(
        onehot, h, (((0,), (0,)), ((), ())),
        precision="highest", preferred_element_type=jnp.float32)
    ones_col = jnp.ones((_R, 1), jnp.float32)
    cnts_sc[...] += lax.dot_general(
        onehot, ones_col, (((0,), (0,)), ((), ())),
        precision="highest", preferred_element_type=jnp.float32)

    @pl.when(i == _GRID - 1)
    def _fin():
        pooled = sums_sc[...] / jnp.maximum(cnts_sc[...], 1.0)
        r = jnp.dot(pooled, wfc[...], preferred_element_type=jnp.float32) + bfc[...]
        r = jnp.maximum(r, 0.0)
        out[...] = jnp.dot(r, wfc2[...], preferred_element_type=jnp.float32) + bfc2[...]


def _head(degp, p2, hs2, b2, batchf, wfc, bfc, wfc2, bfc2):
    return pl.pallas_call(
        _head_body,
        grid=(_GRID,),
        in_specs=[
            pl.BlockSpec((2, _R, DW), lambda i: (0, i, 0)),
            pl.BlockSpec((2, _R, 64), lambda i: (0, i, 0)),
            pl.BlockSpec((_R, 64), lambda i: (i, 0)),
            pl.BlockSpec((1, 64), lambda i: (0, 0)),
            pl.BlockSpec((_R, 1), lambda i: (i, 0)),
            pl.BlockSpec((64, 8), lambda i: (0, 0)),
            pl.BlockSpec((1, 8), lambda i: (0, 0)),
            pl.BlockSpec((8, 1), lambda i: (0, 0)),
            pl.BlockSpec((1, 1), lambda i: (0, 0)),
        ],
        out_specs=pl.BlockSpec((GG, 1), lambda i: (0, 0)),
        out_shape=jax.ShapeDtypeStruct((GG, 1), jnp.float32),
        scratch_shapes=[
            pltpu.VMEM((GG, 64), jnp.float32),
            pltpu.VMEM((GG, 1), jnp.float32),
        ],
    )(degp, p2, hs2, b2, batchf, wfc, bfc, wfc2, bfc2)


def kernel(x, edge_index, batch, W1, b1, W2, b2, Wfc, bfc, Wfc2, bfc2):
    ei = edge_index.astype(jnp.int32).reshape(2, NW, NCH, CH)
    batchf = batch.astype(jnp.float32).reshape(NN, 1)
    ones16 = jnp.ones((CH, DW), jnp.float32)
    z16 = jnp.zeros((NN, DW), jnp.float32)
    z32 = jnp.zeros((NN, 32), jnp.float32)
    z64 = jnp.zeros((NN, 64), jnp.float32)

    degp = _deg_kernel(ei, ones16, z16)
    h1 = _mm1(x, W1)
    hs1 = _scale1(degp, h1)
    p1 = _agg32(hs1, ei, z32)
    hs2 = _mid(degp, p1, hs1, b1.reshape(1, 32), W2)
    p2 = _agg64(hs2, ei, z64)
    out = _head(degp, p2, hs2, b2.reshape(1, 64), batchf,
                Wfc, bfc.reshape(1, 8), Wfc2, bfc2.reshape(1, 1))
    return out.reshape(-1)

# --- scband reference (transcript-rebuilt; emitter-appended) ---
"""Pipeline reference for scband-gcn-80779744903364 (READ-ONLY COPY).

The authoritative reference and input builder live on the scoring server;
editing this copy changes nothing except your own understanding.
"""

import jax, jax.numpy as jnp
import numpy as np

N = 10000
E = 320000
F_IN = 128
G = 64

def setup_inputs(seed: int = 0) -> dict:
    key = jax.random.key(seed)
    ks = jax.random.split(key, 12)
    x = jax.random.normal(ks[0], (N, F_IN), dtype=jnp.float32)
    edge_index = jax.random.randint(ks[1], (2, E), 0, N, dtype=jnp.int64)
    batch = jnp.sort(jax.random.randint(ks[2], (N,), 0, G, dtype=jnp.int64))
    W1 = jax.random.normal(ks[3], (F_IN, 32), dtype=jnp.float32) * (1.0 / np.sqrt(F_IN))
    b1 = jnp.zeros((32,), dtype=jnp.float32)
    W2 = jax.random.normal(ks[4], (32, 64), dtype=jnp.float32) * (1.0 / np.sqrt(32))
    b2 = jnp.zeros((64,), dtype=jnp.float32)
    Wfc = jax.random.normal(ks[5], (64, 8), dtype=jnp.float32) * (1.0 / np.sqrt(64))
    bfc = jnp.zeros((8,), dtype=jnp.float32)
    Wfc2 = jax.random.normal(ks[6], (8, 1), dtype=jnp.float32) * (1.0 / np.sqrt(8))
    bfc2 = jnp.zeros((1,), dtype=jnp.float32)
    return {"x": x, "edge_index": edge_index, "batch": batch, "W1": W1, "b1": b1, "W2": W2, "b2": b2, "Wfc": Wfc, "bfc": bfc, "Wfc2": Wfc2, "bfc2": bfc2}

def _gcn_conv(x, edge_index, W, b, num_nodes):
    # PyG GCNConv: x' = D^{-1/2} (A + I) D^{-1/2} (X W) + b
    h = x @ W
    src = edge_index[0]
    dst = edge_index[1]
    loop = jnp.arange(num_nodes, dtype=src.dtype)
    src = jnp.concatenate([src, loop])
    dst = jnp.concatenate([dst, loop])
    deg = jnp.zeros((num_nodes,), dtype=h.dtype).at[dst].add(1.0)
    dinv = jax.lax.rsqrt(jnp.maximum(deg, 1.0))
    norm = dinv[src] * dinv[dst]
    msgs = jnp.take(h, src, axis=0) * norm[:, None]
    out = jnp.zeros((num_nodes, h.shape[1]), dtype=h.dtype).at[dst].add(msgs)
    return out + b

def reference(x, edge_index, batch, W1, b1, W2, b2, Wfc, bfc, Wfc2, bfc2):
    h = jax.nn.relu(_gcn_conv(x, edge_index, W1, b1, N))
    h = jax.nn.relu(_gcn_conv(h, edge_index, W2, b2, N))
    sums = jax.ops.segment_sum(h, batch, num_segments=G)
    counts = jax.ops.segment_sum(jnp.ones((N,), dtype=h.dtype), batch, num_segments=G)
    pooled = sums / jnp.maximum(counts, 1.0)[:, None]
    h = jax.nn.relu(pooled @ Wfc + bfc)
    out = (h @ Wfc2 + bfc2).reshape(-1)
    return out

if __name__ == "__main__":
    import jax
    _d = setup_inputs()
    print(jax.jit(kernel)(*tuple(_d.values())))

</pallas_src>

<mosaic_0001>
#map = affine_map<(d0, d1) -> (0, 0)>
#map1 = affine_map<(d0, d1) -> (0, 0, 0, 0)>
#map2 = affine_map<(d0, d1) -> (0, 0, 0)>
module attributes {stable_mosaic.version = 14 : i64} {
  func.func @agg(%arg0: i32, %arg1: i32, %arg2: memref<10000x32xf32, #tpu.memory_space<hbm>>, %arg3: memref<2x32x80x125xi32, #tpu.memory_space<hbm>>, %arg4: memref<10000x32xf32, #tpu.memory_space<hbm>>, %arg5: memref<2x10000x32xf32, #tpu.memory_space<hbm>>, %arg6: memref<80x125xi32, #tpu.memory_space<vmem>>, %arg7: memref<80x125xi32, #tpu.memory_space<vmem>>, %arg8: memref<8x125x32xf32, #tpu.memory_space<vmem>>, %arg9: memref<10000x32xf32, #tpu.memory_space<vmem_shared>>, %arg10: memref<!tpu.dma_semaphore, #tpu.memory_space<semaphore_mem>>, %arg11: memref<!tpu.dma_semaphore, #tpu.memory_space<semaphore_mem>>, %arg12: memref<!tpu.dma_semaphore, #tpu.memory_space<semaphore_mem>>, %arg13: memref<!tpu.dma_semaphore, #tpu.memory_space<semaphore_mem>>, %arg14: memref<!tpu.dma_semaphore, #tpu.memory_space<semaphore_mem>>, %arg15: memref<!tpu.dma_semaphore, #tpu.memory_space<semaphore_mem>>, %arg16: memref<!tpu.dma_semaphore, #tpu.memory_space<semaphore_mem>>, %arg17: memref<!tpu.dma_semaphore, #tpu.memory_space<semaphore_mem>>, %arg18: memref<!tpu.dma_semaphore, #tpu.memory_space<semaphore_mem>>, %arg19: memref<!tpu.dma_semaphore, #tpu.memory_space<semaphore_mem>>, %arg20: memref<!tpu.dma_semaphore, #tpu.memory_space<semaphore_mem>>, %arg21: memref<!tpu.dma_semaphore, #tpu.memory_space<semaphore_mem>>, %arg22: memref<!tpu.dma_semaphore, #tpu.memory_space<semaphore_mem>>, %arg23: memref<!tpu.dma_semaphore, #tpu.memory_space<semaphore_mem>>, %arg24: memref<!tpu.dma_semaphore, #tpu.memory_space<semaphore_mem>>, %arg25: memref<!tpu.dma_semaphore, #tpu.memory_space<semaphore_mem>>) attributes {dimension_semantics = [#tpu.dimension_semantics<core_parallel>, #tpu.dimension_semantics<subcore_parallel>], iteration_bounds = array<i64: 2, 16>, scalar_prefetch = 0 : i64, scratch_operands = 20 : i64, tpu.core_type = #tpu.core_type<sc_vector_subcore>, window_params = [{transform_indices = #map}, {transform_indices = #map1}, {transform_indices = #map}, {transform_indices = #map2}]} {
    %mul3A = arith.constant 16 : i32
    %mul3A_0 = arith.muli %arg0, %mul3A : i32
    %add3A = arith.addi %mul3A_0, %arg1 : i32
    %mul3A_1 = arith.constant 624 : i32
    %mul3A_2 = arith.muli %arg1, %mul3A_1 : i32
    %multiple_of3A = tpu.assume_multiple %mul3A_2, 8 : i32
    %lt3A = arith.constant 15 : i32
    %lt3A_3 = arith.cmpi slt, %arg1, %lt3A : i32
    %convert_element_type3A = arith.extui %lt3A_3 : i1 to i32
    %cond3A = arith.constant 0 : i32
    %cond3A_4 = arith.cmpi ne, %convert_element_type3A, %cond3A : i32
    scf.if %cond3A_4 {
      "tpu.region"() ({
        %run_scoped3A_207 = tpu.sem_alloc : memref<!tpu.dma_semaphore, #tpu.memory_space<semaphore_mem>>
        %dma_start3A_208 = arith.constant 0 : i32
        %dma_start3A_209 = tpu.memref_slice %arg9[%multiple_of3A, %dma_start3A_208] : memref<10000x32xf32, #tpu.memory_space<vmem_shared>> -> memref<624x32xf32, #tpu.memory_space<vmem_shared>>
        %dma_start3A_210 = arith.constant 0 : i32
        %dma_start3A_211 = tpu.memref_slice %arg4[%multiple_of3A, %dma_start3A_210] : memref<10000x32xf32, #tpu.memory_space<hbm>> -> memref<624x32xf32, #tpu.memory_space<hbm>>
        tpu.enqueue_dma source(%dma_start3A_211 : memref<624x32xf32, #tpu.memory_space<hbm>>) target(%dma_start3A_209 : memref<624x32xf32, #tpu.memory_space<vmem_shared>>) target_semaphore(%run_scoped3A_207 : memref<!tpu.dma_semaphore, #tpu.memory_space<semaphore_mem>>)
        %dma_wait3A_212 = arith.constant 0 : i32
        %dma_wait3A_213 = tpu.memref_slice %arg9[%multiple_of3A, %dma_wait3A_212] : memref<10000x32xf32, #tpu.memory_space<vmem_shared>> -> memref<624x32xf32, #tpu.memory_space<vmem_shared>>
        %dma_wait3A_214 = arith.constant 0 : i32
        %dma_wait3A_215 = tpu.memref_slice %arg4[%multiple_of3A, %dma_wait3A_214] : memref<10000x32xf32, #tpu.memory_space<hbm>> -> memref<624x32xf32, #tpu.memory_space<hbm>>
        tpu.wait_dma2 semaphore(%run_scoped3A_207 : memref<!tpu.dma_semaphore, #tpu.memory_space<semaphore_mem>>) src(%dma_wait3A_215 : memref<624x32xf32, #tpu.memory_space<hbm>>) dst(%dma_wait3A_213 : memref<624x32xf32, #tpu.memory_space<vmem_shared>>)
        tpu.yield
      }) : () -> ()
    } else {
    }
    %eq3A = arith.constant 15 : i32
    %eq3A_5 = arith.cmpi eq, %arg1, %eq3A : i32
    %convert_element_type3A_6 = arith.extui %eq3A_5 : i1 to i32
    %cond3A_7 = arith.constant 0 : i32
    %cond3A_8 = arith.cmpi ne, %convert_element_type3A_6, %cond3A_7 : i32
    scf.if %cond3A_8 {
      "tpu.region"() ({
        %run_scoped3A_207 = tpu.sem_alloc : memref<!tpu.dma_semaphore, #tpu.memory_space<semaphore_mem>>
        %dma_start3A_208 = arith.constant 9360 : i32
        %dma_start3A_209 = arith.constant 0 : i32
        %dma_start3A_210 = tpu.memref_slice %arg9[%dma_start3A_208, %dma_start3A_209] : memref<10000x32xf32, #tpu.memory_space<vmem_shared>> -> memref<640x32xf32, #tpu.memory_space<vmem_shared>>
        %dma_start3A_211 = arith.constant 9360 : i32
        %dma_start3A_212 = arith.constant 0 : i32
        %dma_start3A_213 = tpu.memref_slice %arg4[%dma_start3A_211, %dma_start3A_212] : memref<10000x32xf32, #tpu.memory_space<hbm>> -> memref<640x32xf32, #tpu.memory_space<hbm>>
        tpu.enqueue_dma source(%dma_start3A_213 : memref<640x32xf32, #tpu.memory_space<hbm>>) target(%dma_start3A_210 : memref<640x32xf32, #tpu.memory_space<vmem_shared>>) target_semaphore(%run_scoped3A_207 : memref<!tpu.dma_semaphore, #tpu.memory_space<semaphore_mem>>)
        %dma_wait3A_214 = arith.constant 9360 : i32
        %dma_wait3A_215 = arith.constant 0 : i32
        %dma_wait3A_216 = tpu.memref_slice %arg9[%dma_wait3A_214, %dma_wait3A_215] : memref<10000x32xf32, #tpu.memory_space<vmem_shared>> -> memref<640x32xf32, #tpu.memory_space<vmem_shared>>
        %dma_wait3A_217 = arith.constant 9360 : i32
        %dma_wait3A_218 = arith.constant 0 : i32
        %dma_wait3A_219 = tpu.memref_slice %arg4[%dma_wait3A_217, %dma_wait3A_218] : memref<10000x32xf32, #tpu.memory_space<hbm>> -> memref<640x32xf32, #tpu.memory_space<hbm>>
        tpu.wait_dma2 semaphore(%run_scoped3A_207 : memref<!tpu.dma_semaphore, #tpu.memory_space<semaphore_mem>>) src(%dma_wait3A_219 : memref<640x32xf32, #tpu.memory_space<hbm>>) dst(%dma_wait3A_216 : memref<640x32xf32, #tpu.memory_space<vmem_shared>>)
        tpu.yield
      }) : () -> ()
    } else {
    }
    %run_scoped3A = arith.constant 0 : i32
    "tpu.region"() ({
      %run_scoped3A_207 = tpu.sem_alloc : memref<!tpu.dma_semaphore, #tpu.memory_space<semaphore_mem>>
      %dma_start3A_208 = arith.constant 0 : i32
      %dma_start3A_209 = arith.constant 0 : i32
      %dma_start3A_210 = tpu.memref_slice %arg3[%run_scoped3A, %add3A, %dma_start3A_208, %dma_start3A_209] : memref<2x32x80x125xi32, #tpu.memory_space<hbm>> -> memref<1x1x80x125xi32, #tpu.memory_space<hbm>>
      %dma_start3A_211 = tpu.memref_squeeze %dma_start3A_210 : memref<1x1x80x125xi32, #tpu.memory_space<hbm>> -> memref<80x125xi32, #tpu.memory_space<hbm>>
      %dma_start3A_212 = arith.constant 0 : i32
      %dma_start3A_213 = arith.constant 0 : i32
      %dma_start3A_214 = tpu.memref_slice %arg3[%run_scoped3A, %add3A, %dma_start3A_212, %dma_start3A_213] : memref<2x32x80x125xi32, #tpu.memory_space<hbm>> -> memref<1x1x80x125xi32, #tpu.memory_space<hbm>>
      %dma_start3A_215 = tpu.memref_squeeze %dma_start3A_214 : memref<1x1x80x125xi32, #tpu.memory_space<hbm>> -> memref<80x125xi32, #tpu.memory_space<hbm>>
      tpu.enqueue_dma source(%dma_start3A_215 : memref<80x125xi32, #tpu.memory_space<hbm>>) target(%arg6 : memref<80x125xi32, #tpu.memory_space<vmem>>) target_semaphore(%run_scoped3A_207 : memref<!tpu.dma_semaphore, #tpu.memory_space<semaphore_mem>>)
      %dma_wait3A_216 = arith.constant 0 : i32
      %dma_wait3A_217 = arith.constant 0 : i32
      %dma_wait3A_218 = tpu.memref_slice %arg3[%run_scoped3A, %add3A, %dma_wait3A_216, %dma_wait3A_217] : memref<2x32x80x125xi32, #tpu.memory_space<hbm>> -> memref<1x1x80x125xi32, #tpu.memory_space<hbm>>
      %dma_wait3A_219 = tpu.memref_squeeze %dma_wait3A_218 : memref<1x1x80x125xi32, #tpu.memory_space<hbm>> -> memref<80x125xi32, #tpu.memory_space<hbm>>
      %dma_wait3A_220 = arith.constant 0 : i32
      %dma_wait3A_221 = arith.constant 0 : i32
      %dma_wait3A_222 = tpu.memref_slice %arg3[%run_scoped3A, %add3A, %dma_wait3A_220, %dma_wait3A_221] : memref<2x32x80x125xi32, #tpu.memory_space<hbm>> -> memref<1x1x80x125xi32, #tpu.memory_space<hbm>>
      %dma_wait3A_223 = tpu.memref_squeeze %dma_wait3A_222 : memref<1x1x80x125xi32, #tpu.memory_space<hbm>> -> memref<80x125xi32, #tpu.memory_space<hbm>>
      tpu.wait_dma2 semaphore(%run_scoped3A_207 : memref<!tpu.dma_semaphore, #tpu.memory_space<semaphore_mem>>) src(%dma_wait3A_223 : memref<80x125xi32, #tpu.memory_space<hbm>>) dst(%arg6 : memref<80x125xi32, #tpu.memory_space<vmem>>)
      tpu.yield
    }) : () -> ()
    %run_scoped3A_9 = arith.constant 1 : i32
    "tpu.region"() ({
      %run_scoped3A_207 = tpu.sem_alloc : memref<!tpu.dma_semaphore, #tpu.memory_space<semaphore_mem>>
      %dma_start3A_208 = arith.constant 0 : i32
      %dma_start3A_209 = arith.constant 0 : i32
      %dma_start3A_210 = tpu.memref_slice %arg3[%run_scoped3A_9, %add3A, %dma_start3A_208, %dma_start3A_209] : memref<2x32x80x125xi32, #tpu.memory_space<hbm>> -> memref<1x1x80x125xi32, #tpu.memory_space<hbm>>
      %dma_start3A_211 = tpu.memref_squeeze %dma_start3A_210 : memref<1x1x80x125xi32, #tpu.memory_space<hbm>> -> memref<80x125xi32, #tpu.memory_space<hbm>>
      %dma_start3A_212 = arith.constant 0 : i32
      %dma_start3A_213 = arith.constant 0 : i32
      %dma_start3A_214 = tpu.memref_slice %arg3[%run_scoped3A_9, %add3A, %dma_start3A_212, %dma_start3A_213] : memref<2x32x80x125xi32, #tpu.memory_space<hbm>> -> memref<1x1x80x125xi32, #tpu.memory_space<hbm>>
      %dma_start3A_215 = tpu.memref_squeeze %dma_start3A_214 : memref<1x1x80x125xi32, #tpu.memory_space<hbm>> -> memref<80x125xi32, #tpu.memory_space<hbm>>
      tpu.enqueue_dma source(%dma_start3A_215 : memref<80x125xi32, #tpu.memory_space<hbm>>) target(%arg7 : memref<80x125xi32, #tpu.memory_space<vmem>>) target_semaphore(%run_scoped3A_207 : memref<!tpu.dma_semaphore, #tpu.memory_space<semaphore_mem>>)
      %dma_wait3A_216 = arith.constant 0 : i32
      %dma_wait3A_217 = arith.constant 0 : i32
      %dma_wait3A_218 = tpu.memref_slice %arg3[%run_scoped3A_9, %add3A, %dma_wait3A_216, %dma_wait3A_217] : memref<2x32x80x125xi32, #tpu.memory_space<hbm>> -> memref<1x1x80x125xi32, #tpu.memory_space<hbm>>
      %dma_wait3A_219 = tpu.memref_squeeze %dma_wait3A_218 : memref<1x1x80x125xi32, #tpu.memory_space<hbm>> -> memref<80x125xi32, #tpu.memory_space<hbm>>
      %dma_wait3A_220 = arith.constant 0 : i32
      %dma_wait3A_221 = arith.constant 0 : i32
      %dma_wait3A_222 = tpu.memref_slice %arg3[%run_scoped3A_9, %add3A, %dma_wait3A_220, %dma_wait3A_221] : memref<2x32x80x125xi32, #tpu.memory_space<hbm>> -> memref<1x1x80x125xi32, #tpu.memory_space<hbm>>
      %dma_wait3A_223 = tpu.memref_squeeze %dma_wait3A_222 : memref<1x1x80x125xi32, #tpu.memory_space<hbm>> -> memref<80x125xi32, #tpu.memory_space<hbm>>
      tpu.wait_dma2 semaphore(%run_scoped3A_207 : memref<!tpu.dma_semaphore, #tpu.memory_space<semaphore_mem>>) src(%dma_wait3A_223 : memref<80x125xi32, #tpu.memory_space<hbm>>) dst(%arg7 : memref<80x125xi32, #tpu.memory_space<vmem>>)
      tpu.yield
    }) : () -> ()
    %barrier3A = arith.constant 0 : index
    tpu.barrier barrier_id(%barrier3A)
    %dma_start3A = arith.constant 0 : i32
    %dma_start3A_10 = arith.constant 0 : i32
    %dma_start3A_11 = arith.constant 0 : i32
    %dma_start3A_12 = arith.constant 0 : i32
    %dma_start3A_13 = tpu.memref_slice %arg8[%dma_start3A_10, %dma_start3A_11, %dma_start3A_12] : memref<8x125x32xf32, #tpu.memory_space<vmem>> -> memref<1x125x32xf32, #tpu.memory_space<vmem>>
    %dma_start3A_14 = tpu.memref_squeeze %dma_start3A_13 : memref<1x125x32xf32, #tpu.memory_space<vmem>> -> memref<125x32xf32, #tpu.memory_space<vmem>>
    %dma_start3A_15 = arith.constant 0 : i32
    %dma_start3A_16 = tpu.memref_slice %arg6[%dma_start3A, %dma_start3A_15] : memref<80x125xi32, #tpu.memory_space<vmem>> -> memref<1x125xi32, #tpu.memory_space<vmem>>
    %dma_start3A_17 = tpu.memref_squeeze %dma_start3A_16 : memref<1x125xi32, #tpu.memory_space<vmem>> -> memref<125xi32, #tpu.memory_space<vmem>>
    %dma_start3A_18 = arith.constant 0 : i32
    %dma_start3A_19 = arith.constant 0 : i32
    %dma_start3A_20 = tpu.memref_slice %arg2[%dma_start3A_18, %dma_start3A_19] : memref<10000x32xf32, #tpu.memory_space<hbm>> -> memref<10000x32xf32, #tpu.memory_space<hbm>>
    tpu.enqueue_indirect_dma source(%dma_start3A_20 : memref<10000x32xf32, #tpu.memory_space<hbm>>) target(%dma_start3A_14 : memref<125x32xf32, #tpu.memory_space<vmem>>) offsets(%dma_start3A_17 : memref<125xi32, #tpu.memory_space<vmem>>) semaphore(%arg10 : memref<!tpu.dma_semaphore, #tpu.memory_space<semaphore_mem>>)
    %dma_start3A_21 = arith.constant 1 : i32
    %dma_start3A_22 = arith.constant 1 : i32
    %dma_start3A_23 = arith.constant 0 : i32
    %dma_start3A_24 = arith.constant 0 : i32
    %dma_start3A_25 = tpu.memref_slice %arg8[%dma_start3A_22, %dma_start3A_23, %dma_start3A_24] : memref<8x125x32xf32, #tpu.memory_space<vmem>> -> memref<1x125x32xf32, #tpu.memory_space<vmem>>
    %dma_start3A_26 = tpu.memref_squeeze %dma_start3A_25 : memref<1x125x32xf32, #tpu.memory_space<vmem>> -> memref<125x32xf32, #tpu.memory_space<vmem>>
    %dma_start3A_27 = arith.constant 0 : i32
    %dma_start3A_28 = tpu.memref_slice %arg6[%dma_start3A_21, %dma_start3A_27] : memref<80x125xi32, #tpu.memory_space<vmem>> -> memref<1x125xi32, #tpu.memory_space<vmem>>
    %dma_start3A_29 = tpu.memref_squeeze %dma_start3A_28 : memref<1x125xi32, #tpu.memory_space<vmem>> -> memref<125xi32, #tpu.memory_space<vmem>>
    %dma_start3A_30 = arith.constant 0 : i32
    %dma_start3A_31 = arith.constant 0 : i32
    %dma_start3A_32 = tpu.memref_slice %arg2[%dma_start3A_30, %dma_start3A_31] : memref<10000x32xf32, #tpu.memory_space<hbm>> -> memref<10000x32xf32, #tpu.memory_space<hbm>>
    tpu.enqueue_indirect_dma source(%dma_start3A_32 : memref<10000x32xf32, #tpu.memory_space<hbm>>) target(%dma_start3A_26 : memref<125x32xf32, #tpu.memory_space<vmem>>) offsets(%dma_start3A_29 : memref<125xi32, #tpu.memory_space<vmem>>) semaphore(%arg11 : memref<!tpu.dma_semaphore, #tpu.memory_space<semaphore_mem>>)
    %dma_start3A_33 = arith.constant 2 : i32
    %dma_start3A_34 = arith.constant 2 : i32
    %dma_start3A_35 = arith.constant 0 : i32
    %dma_start3A_36 = arith.constant 0 : i32
    %dma_start3A_37 = tpu.memref_slice %arg8[%dma_start3A_34, %dma_start3A_35, %dma_start3A_36] : memref<8x125x32xf32, #tpu.memory_space<vmem>> -> memref<1x125x32xf32, #tpu.memory_space<vmem>>
    %dma_start3A_38 = tpu.memref_squeeze %dma_start3A_37 : memref<1x125x32xf32, #tpu.memory_space<vmem>> -> memref<125x32xf32, #tpu.memory_space<vmem>>
    %dma_start3A_39 = arith.constant 0 : i32
    %dma_start3A_40 = tpu.memref_slice %arg6[%dma_start3A_33, %dma_start3A_39] : memref<80x125xi32, #tpu.memory_space<vmem>> -> memref<1x125xi32, #tpu.memory_space<vmem>>
    %dma_start3A_41 = tpu.memref_squeeze %dma_start3A_40 : memref<1x125xi32, #tpu.memory_space<vmem>> -> memref<125xi32, #tpu.memory_space<vmem>>
    %dma_start3A_42 = arith.constant 0 : i32
    %dma_start3A_43 = arith.constant 0 : i32
    %dma_start3A_44 = tpu.memref_slice %arg2[%dma_start3A_42, %dma_start3A_43] : memref<10000x32xf32, #tpu.memory_space<hbm>> -> memref<10000x32xf32, #tpu.memory_space<hbm>>
    tpu.enqueue_indirect_dma source(%dma_start3A_44 : memref<10000x32xf32, #tpu.memory_space<hbm>>) target(%dma_start3A_38 : memref<125x32xf32, #tpu.memory_space<vmem>>) offsets(%dma_start3A_41 : memref<125xi32, #tpu.memory_space<vmem>>) semaphore(%arg12 : memref<!tpu.dma_semaphore, #tpu.memory_space<semaphore_mem>>)
    %dma_start3A_45 = arith.constant 3 : i32
    %dma_start3A_46 = arith.constant 3 : i32
    %dma_start3A_47 = arith.constant 0 : i32
    %dma_start3A_48 = arith.constant 0 : i32
    %dma_start3A_49 = tpu.memref_slice %arg8[%dma_start3A_46, %dma_start3A_47, %dma_start3A_48] : memref<8x125x32xf32, #tpu.memory_space<vmem>> -> memref<1x125x32xf32, #tpu.memory_space<vmem>>
    %dma_start3A_50 = tpu.memref_squeeze %dma_start3A_49 : memref<1x125x32xf32, #tpu.memory_space<vmem>> -> memref<125x32xf32, #tpu.memory_space<vmem>>
    %dma_start3A_51 = arith.constant 0 : i32
    %dma_start3A_52 = tpu.memref_slice %arg6[%dma_start3A_45, %dma_start3A_51] : memref<80x125xi32, #tpu.memory_space<vmem>> -> memref<1x125xi32, #tpu.memory_space<vmem>>
    %dma_start3A_53 = tpu.memref_squeeze %dma_start3A_52 : memref<1x125xi32, #tpu.memory_space<vmem>> -> memref<125xi32, #tpu.memory_space<vmem>>
    %dma_start3A_54 = arith.constant 0 : i32
    %dma_start3A_55 = arith.constant 0 : i32
    %dma_start3A_56 = tpu.memref_slice %arg2[%dma_start3A_54, %dma_start3A_55] : memref<10000x32xf32, #tpu.memory_space<hbm>> -> memref<10000x32xf32, #tpu.memory_space<hbm>>
    tpu.enqueue_indirect_dma source(%dma_start3A_56 : memref<10000x32xf32, #tpu.memory_space<hbm>>) target(%dma_start3A_50 : memref<125x32xf32, #tpu.memory_space<vmem>>) offsets(%dma_start3A_53 : memref<125xi32, #tpu.memory_space<vmem>>) semaphore(%arg13 : memref<!tpu.dma_semaphore, #tpu.memory_space<semaphore_mem>>)
    %dma_start3A_57 = arith.constant 4 : i32
    %dma_start3A_58 = arith.constant 4 : i32
    %dma_start3A_59 = arith.constant 0 : i32
    %dma_start3A_60 = arith.constant 0 : i32
    %dma_start3A_61 = tpu.memref_slice %arg8[%dma_start3A_58, %dma_start3A_59, %dma_start3A_60] : memref<8x125x32xf32, #tpu.memory_space<vmem>> -> memref<1x125x32xf32, #tpu.memory_space<vmem>>
    %dma_start3A_62 = tpu.memref_squeeze %dma_start3A_61 : memref<1x125x32xf32, #tpu.memory_space<vmem>> -> memref<125x32xf32, #tpu.memory_space<vmem>>
    %dma_start3A_63 = arith.constant 0 : i32
    %dma_start3A_64 = tpu.memref_slice %arg6[%dma_start3A_57, %dma_start3A_63] : memref<80x125xi32, #tpu.memory_space<vmem>> -> memref<1x125xi32, #tpu.memory_space<vmem>>
    %dma_start3A_65 = tpu.memref_squeeze %dma_start3A_64 : memref<1x125xi32, #tpu.memory_space<vmem>> -> memref<125xi32, #tpu.memory_space<vmem>>
    %dma_start3A_66 = arith.constant 0 : i32
    %dma_start3A_67 = arith.constant 0 : i32
    %dma_start3A_68 = tpu.memref_slice %arg2[%dma_start3A_66, %dma_start3A_67] : memref<10000x32xf32, #tpu.memory_space<hbm>> -> memref<10000x32xf32, #tpu.memory_space<hbm>>
    tpu.enqueue_indirect_dma source(%dma_start3A_68 : memref<10000x32xf32, #tpu.memory_space<hbm>>) target(%dma_start3A_62 : memref<125x32xf32, #tpu.memory_space<vmem>>) offsets(%dma_start3A_65 : memref<125xi32, #tpu.memory_space<vmem>>) semaphore(%arg14 : memref<!tpu.dma_semaphore, #tpu.memory_space<semaphore_mem>>)
    %dma_start3A_69 = arith.constant 5 : i32
    %dma_start3A_70 = arith.constant 5 : i32
    %dma_start3A_71 = arith.constant 0 : i32
    %dma_start3A_72 = arith.constant 0 : i32
    %dma_start3A_73 = tpu.memref_slice %arg8[%dma_start3A_70, %dma_start3A_71, %dma_start3A_72] : memref<8x125x32xf32, #tpu.memory_space<vmem>> -> memref<1x125x32xf32, #tpu.memory_space<vmem>>
    %dma_start3A_74 = tpu.memref_squeeze %dma_start3A_73 : memref<1x125x32xf32, #tpu.memory_space<vmem>> -> memref<125x32xf32, #tpu.memory_space<vmem>>
    %dma_start3A_75 = arith.constant 0 : i32
    %dma_start3A_76 = tpu.memref_slice %arg6[%dma_start3A_69, %dma_start3A_75] : memref<80x125xi32, #tpu.memory_space<vmem>> -> memref<1x125xi32, #tpu.memory_space<vmem>>
    %dma_start3A_77 = tpu.memref_squeeze %dma_start3A_76 : memref<1x125xi32, #tpu.memory_space<vmem>> -> memref<125xi32, #tpu.memory_space<vmem>>
    %dma_start3A_78 = arith.constant 0 : i32
    %dma_start3A_79 = arith.constant 0 : i32
    %dma_start3A_80 = tpu.memref_slice %arg2[%dma_start3A_78, %dma_start3A_79] : memref<10000x32xf32, #tpu.memory_space<hbm>> -> memref<10000x32xf32, #tpu.memory_space<hbm>>
    tpu.enqueue_indirect_dma source(%dma_start3A_80 : memref<10000x32xf32, #tpu.memory_space<hbm>>) target(%dma_start3A_74 : memref<125x32xf32, #tpu.memory_space<vmem>>) offsets(%dma_start3A_77 : memref<125xi32, #tpu.memory_space<vmem>>) semaphore(%arg15 : memref<!tpu.dma_semaphore, #tpu.memory_space<semaphore_mem>>)
    %dma_start3A_81 = arith.constant 6 : i32
    %dma_start3A_82 = arith.constant 6 : i32
    %dma_start3A_83 = arith.constant 0 : i32
    %dma_start3A_84 = arith.constant 0 : i32
    %dma_start3A_85 = tpu.memref_slice %arg8[%dma_start3A_82, %dma_start3A_83, %dma_start3A_84] : memref<8x125x32xf32, #tpu.memory_space<vmem>> -> memref<1x125x32xf32, #tpu.memory_space<vmem>>
    %dma_start3A_86 = tpu.memref_squeeze %dma_start3A_85 : memref<1x125x32xf32, #tpu.memory_space<vmem>> -> memref<125x32xf32, #tpu.memory_space<vmem>>
    %dma_start3A_87 = arith.constant 0 : i32
    %dma_start3A_88 = tpu.memref_slice %arg6[%dma_start3A_81, %dma_start3A_87] : memref<80x125xi32, #tpu.memory_space<vmem>> -> memref<1x125xi32, #tpu.memory_space<vmem>>
    %dma_start3A_89 = tpu.memref_squeeze %dma_start3A_88 : memref<1x125xi32, #tpu.memory_space<vmem>> -> memref<125xi32, #tpu.memory_space<vmem>>
    %dma_start3A_90 = arith.constant 0 : i32
    %dma_start3A_91 = arith.constant 0 : i32
    %dma_start3A_92 = tpu.memref_slice %arg2[%dma_start3A_90, %dma_start3A_91] : memref<10000x32xf32, #tpu.memory_space<hbm>> -> memref<10000x32xf32, #tpu.memory_space<hbm>>
    tpu.enqueue_indirect_dma source(%dma_start3A_92 : memref<10000x32xf32, #tpu.memory_space<hbm>>) target(%dma_start3A_86 : memref<125x32xf32, #tpu.memory_space<vmem>>) offsets(%dma_start3A_89 : memref<125xi32, #tpu.memory_space<vmem>>) semaphore(%arg16 : memref<!tpu.dma_semaphore, #tpu.memory_space<semaphore_mem>>)
    %scan3A = arith.constant 0 : i32
    %scan3A_93 = arith.constant 0 : i32
    %scan3A_94 = arith.constant 10 : i32
    %scan3A_95 = arith.addi %scan3A_93, %scan3A_94 : i32
    %scan3A_96 = arith.constant 1 : i32
    scf.for %scan3A_207 = %scan3A_93 to %scan3A_95 step %scan3A_96  : i32 {
      %mul3A_208 = arith.constant 8 : i32
      %mul3A_209 = arith.muli %scan3A_207, %mul3A_208 : i32
      %add3A_210 = arith.constant 0 : i32
      %add3A_211 = arith.addi %mul3A_209, %add3A_210 : i32
      %dma_wait3A_212 = arith.constant 0 : i32
      %dma_wait3A_213 = arith.constant 0 : i32
      %dma_wait3A_214 = arith.constant 0 : i32
      %dma_wait3A_215 = tpu.memref_slice %arg8[%dma_wait3A_212, %dma_wait3A_213, %dma_wait3A_214] : memref<8x125x32xf32, #tpu.memory_space<vmem>> -> memref<1x125x32xf32, #tpu.memory_space<vmem>>
      %dma_wait3A_216 = tpu.memref_squeeze %dma_wait3A_215 : memref<1x125x32xf32, #tpu.memory_space<vmem>> -> memref<125x32xf32, #tpu.memory_space<vmem>>
      %dma_wait3A_217 = arith.constant 0 : i32
      %dma_wait3A_218 = tpu.memref_slice %arg6[%add3A_211, %dma_wait3A_217] : memref<80x125xi32, #tpu.memory_space<vmem>> -> memref<1x125xi32, #tpu.memory_space<vmem>>
      %dma_wait3A_219 = tpu.memref_squeeze %dma_wait3A_218 : memref<1x125xi32, #tpu.memory_space<vmem>> -> memref<125xi32, #tpu.memory_space<vmem>>
      %dma_wait3A_220 = arith.constant 0 : i32
      %dma_wait3A_221 = arith.constant 0 : i32
      %dma_wait3A_222 = tpu.memref_slice %arg2[%dma_wait3A_220, %dma_wait3A_221] : memref<10000x32xf32, #tpu.memory_space<hbm>> -> memref<10000x32xf32, #tpu.memory_space<hbm>>
      tpu.wait_indirect_dma semaphore(%arg10 : memref<!tpu.dma_semaphore, #tpu.memory_space<semaphore_mem>>) src(%dma_wait3A_222 : memref<10000x32xf32, #tpu.memory_space<hbm>>) dst(%dma_wait3A_216 : memref<125x32xf32, #tpu.memory_space<vmem>>)
      %dma_start3A_223 = arith.constant 0 : i32
      %dma_start3A_224 = arith.constant 0 : i32
      %dma_start3A_225 = arith.constant 0 : i32
      %dma_start3A_226 = tpu.memref_slice %arg8[%dma_start3A_223, %dma_start3A_224, %dma_start3A_225] : memref<8x125x32xf32, #tpu.memory_space<vmem>> -> memref<1x125x32xf32, #tpu.memory_space<vmem>>
      %dma_start3A_227 = tpu.memref_squeeze %dma_start3A_226 : memref<1x125x32xf32, #tpu.memory_space<vmem>> -> memref<125x32xf32, #tpu.memory_space<vmem>>
      %dma_start3A_228 = arith.constant 0 : i32
      %dma_start3A_229 = tpu.memref_slice %arg7[%add3A_211, %dma_start3A_228] : memref<80x125xi32, #tpu.memory_space<vmem>> -> memref<1x125xi32, #tpu.memory_space<vmem>>
      %dma_start3A_230 = tpu.memref_squeeze %dma_start3A_229 : memref<1x125xi32, #tpu.memory_space<vmem>> -> memref<125xi32, #tpu.memory_space<vmem>>
      %dma_start3A_231 = arith.constant 0 : i32
      %dma_start3A_232 = arith.constant 0 : i32
      %dma_start3A_233 = tpu.memref_slice %arg9[%dma_start3A_231, %dma_start3A_232] : memref<10000x32xf32, #tpu.memory_space<vmem_shared>> -> memref<10000x32xf32, #tpu.memory_space<vmem_shared>>
      tpu.enqueue_indirect_dma source(%dma_start3A_227 : memref<125x32xf32, #tpu.memory_space<vmem>>) target(%dma_start3A_233 : memref<10000x32xf32, #tpu.memory_space<vmem_shared>>) offsets(%dma_start3A_230 : memref<125xi32, #tpu.memory_space<vmem>>) semaphore(%arg18 : memref<!tpu.dma_semaphore, #tpu.memory_space<semaphore_mem>>) {add = true}
      %add3A_234 = arith.constant 7 : i32
      %add3A_235 = arith.addi %add3A_211, %add3A_234 : i32
      %lt3A_236 = arith.constant 80 : i32
      %lt3A_237 = arith.cmpi slt, %add3A_235, %lt3A_236 : i32
      %convert_element_type3A_238 = arith.extui %lt3A_237 : i1 to i32
      %cond3A_239 = arith.constant 0 : i32
      %cond3A_240 = arith.cmpi ne, %convert_element_type3A_238, %cond3A_239 : i32
      scf.if %cond3A_240 {
        %ge3A = arith.constant 1 : i32
        %ge3A_472 = arith.cmpi sge, %add3A_211, %ge3A : i32
        %convert_element_type3A_473 = arith.extui %ge3A_472 : i1 to i32
        %cond3A_474 = arith.constant 0 : i32
        %cond3A_475 = arith.cmpi ne, %convert_element_type3A_473, %cond3A_474 : i32
        scf.if %cond3A_475 {
          %dma_wait3A_487 = arith.constant 7 : i32
          %dma_wait3A_488 = arith.constant 0 : i32
          %dma_wait3A_489 = arith.constant 0 : i32
          %dma_wait3A_490 = arith.constant 0 : i32
          %dma_wait3A_491 = tpu.memref_slice %arg8[%dma_wait3A_487, %dma_wait3A_489, %dma_wait3A_490] : memref<8x125x32xf32, #tpu.memory_space<vmem>> -> memref<1x125x32xf32, #tpu.memory_space<vmem>>
          %dma_wait3A_492 = tpu.memref_squeeze %dma_wait3A_491 : memref<1x125x32xf32, #tpu.memory_space<vmem>> -> memref<125x32xf32, #tpu.memory_space<vmem>>
          %dma_wait3A_493 = arith.constant 0 : i32
          %dma_wait3A_494 = tpu.memref_slice %arg7[%dma_wait3A_488, %dma_wait3A_493] : memref<80x125xi32, #tpu.memory_space<vmem>> -> memref<1x125xi32, #tpu.memory_space<vmem>>
          %dma_wait3A_495 = tpu.memref_squeeze %dma_wait3A_494 : memref<1x125xi32, #tpu.memory_space<vmem>> -> memref<125xi32, #tpu.memory_space<vmem>>
          %dma_wait3A_496 = arith.constant 0 : i32
          %dma_wait3A_497 = arith.constant 0 : i32
          %dma_wait3A_498 = tpu.memref_slice %arg9[%dma_wait3A_496, %dma_wait3A_497] : memref<10000x32xf32, #tpu.memory_space<vmem_shared>> -> memref<10000x32xf32, #tpu.memory_space<vmem_shared>>
          tpu.wait_indirect_dma semaphore(%arg25 : memref<!tpu.dma_semaphore, #tpu.memory_space<semaphore_mem>>) src(%dma_wait3A_492 : memref<125x32xf32, #tpu.memory_space<vmem>>) dst(%dma_wait3A_498 : memref<10000x32xf32, #tpu.memory_space<vmem_shared>>)
        } else {
        }
        %dma_start3A_476 = arith.constant 7 : i32
        %dma_start3A_477 = arith.constant 0 : i32
        %dma_start3A_478 = arith.constant 0 : i32
        %dma_start3A_479 = tpu.memref_slice %arg8[%dma_start3A_476, %dma_start3A_477, %dma_start3A_478] : memref<8x125x32xf32, #tpu.memory_space<vmem>> -> memref<1x125x32xf32, #tpu.memory_space<vmem>>
        %dma_start3A_480 = tpu.memref_squeeze %dma_start3A_479 : memref<1x125x32xf32, #tpu.memory_space<vmem>> -> memref<125x32xf32, #tpu.memory_space<vmem>>
        %dma_start3A_481 = arith.constant 0 : i32
        %dma_start3A_482 = tpu.memref_slice %arg6[%add3A_235, %dma_start3A_481] : memref<80x125xi32, #tpu.memory_space<vmem>> -> memref<1x125xi32, #tpu.memory_space<vmem>>
        %dma_start3A_483 = tpu.memref_squeeze %dma_start3A_482 : memref<1x125xi32, #tpu.memory_space<vmem>> -> memref<125xi32, #tpu.memory_space<vmem>>
        %dma_start3A_484 = arith.constant 0 : i32
        %dma_start3A_485 = arith.constant 0 : i32
        %dma_start3A_486 = tpu.memref_slice %arg2[%dma_start3A_484, %dma_start3A_485] : memref<10000x32xf32, #tpu.memory_space<hbm>> -> memref<10000x32xf32, #tpu.memory_space<hbm>>
        tpu.enqueue_indirect_dma source(%dma_start3A_486 : memref<10000x32xf32, #tpu.memory_space<hbm>>) target(%dma_start3A_480 : memref<125x32xf32, #tpu.memory_space<vmem>>) offsets(%dma_start3A_483 : memref<125xi32, #tpu.memory_space<vmem>>) semaphore(%arg17 : memref<!tpu.dma_semaphore, #tpu.memory_space<semaphore_mem>>)
      } else {
      }
      %mul3A_241 = arith.constant 8 : i32
      %mul3A_242 = arith.muli %scan3A_207, %mul3A_241 : i32
      %add3A_243 = arith.constant 1 : i32
      %add3A_244 = arith.addi %mul3A_242, %add3A_243 : i32
      %dma_wait3A_245 = arith.constant 1 : i32
      %dma_wait3A_246 = arith.constant 0 : i32
      %dma_wait3A_247 = arith.constant 0 : i32
      %dma_wait3A_248 = tpu.memref_slice %arg8[%dma_wait3A_245, %dma_wait3A_246, %dma_wait3A_247] : memref<8x125x32xf32, #tpu.memory_space<vmem>> -> memref<1x125x32xf32, #tpu.memory_space<vmem>>
      %dma_wait3A_249 = tpu.memref_squeeze %dma_wait3A_248 : memref<1x125x32xf32, #tpu.memory_space<vmem>> -> memref<125x32xf32, #tpu.memory_space<vmem>>
      %dma_wait3A_250 = arith.constant 0 : i32
      %dma_wait3A_251 = tpu.memref_slice %arg6[%add3A_244, %dma_wait3A_250] : memref<80x125xi32, #tpu.memory_space<vmem>> -> memref<1x125xi32, #tpu.memory_space<vmem>>
      %dma_wait3A_252 = tpu.memref_squeeze %dma_wait3A_251 : memref<1x125xi32, #tpu.memory_space<vmem>> -> memref<125xi32, #tpu.memory_space<vmem>>
      %dma_wait3A_253 = arith.constant 0 : i32
      %dma_wait3A_254 = arith.constant 0 : i32
      %dma_wait3A_255 = tpu.memref_slice %arg2[%dma_wait3A_253, %dma_wait3A_254] : memref<10000x32xf32, #tpu.memory_space<hbm>> -> memref<10000x32xf32, #tpu.memory_space<hbm>>
      tpu.wait_indirect_dma semaphore(%arg11 : memref<!tpu.dma_semaphore, #tpu.memory_space<semaphore_mem>>) src(%dma_wait3A_255 : memref<10000x32xf32, #tpu.memory_space<hbm>>) dst(%dma_wait3A_249 : memref<125x32xf32, #tpu.memory_space<vmem>>)
      %dma_start3A_256 = arith.constant 1 : i32
      %dma_start3A_257 = arith.constant 0 : i32
      %dma_start3A_258 = arith.constant 0 : i32
      %dma_start3A_259 = tpu.memref_slice %arg8[%dma_start3A_256, %dma_start3A_257, %dma_start3A_258] : memref<8x125x32xf32, #tpu.memory_space<vmem>> -> memref<1x125x32xf32, #tpu.memory_space<vmem>>
      %dma_start3A_260 = tpu.memref_squeeze %dma_start3A_259 : memref<1x125x32xf32, #tpu.memory_space<vmem>> -> memref<125x32xf32, #tpu.memory_space<vmem>>
      %dma_start3A_261 = arith.constant 0 : i32
      %dma_start3A_262 = tpu.memref_slice %arg7[%add3A_244, %dma_start3A_261] : memref<80x125xi32, #tpu.memory_space<vmem>> -> memref<1x125xi32, #tpu.memory_space<vmem>>
      %dma_start3A_263 = tpu.memref_squeeze %dma_start3A_262 : memref<1x125xi32, #tpu.memory_space<vmem>> -> memref<125xi32, #tpu.memory_space<vmem>>
      %dma_start3A_264 = arith.constant 0 : i32
      %dma_start3A_265 = arith.constant 0 : i32
      %dma_start3A_266 = tpu.memref_slice %arg9[%dma_start3A_264, %dma_start3A_265] : memref<10000x32xf32, #tpu.memory_space<vmem_shared>> -> memref<10000x32xf32, #tpu.memory_space<vmem_shared>>
      tpu.enqueue_indirect_dma source(%dma_start3A_260 : memref<125x32xf32, #tpu.memory_space<vmem>>) target(%dma_start3A_266 : memref<10000x32xf32, #tpu.memory_space<vmem_shared>>) offsets(%dma_start3A_263 : memref<125xi32, #tpu.memory_space<vmem>>) semaphore(%arg19 : memref<!tpu.dma_semaphore, #tpu.memory_space<semaphore_mem>>) {add = true}
      %add3A_267 = arith.constant 7 : i32
      %add3A_268 = arith.addi %add3A_244, %add3A_267 : i32
      %lt3A_269 = arith.constant 80 : i32
      %lt3A_270 = arith.cmpi slt, %add3A_268, %lt3A_269 : i32
      %convert_element_type3A_271 = arith.extui %lt3A_270 : i1 to i32
      %cond3A_272 = arith.constant 0 : i32
      %cond3A_273 = arith.cmpi ne, %convert_element_type3A_271, %cond3A_272 : i32
      scf.if %cond3A_273 {
        %ge3A = arith.constant 1 : i32
        %ge3A_472 = arith.cmpi sge, %add3A_244, %ge3A : i32
        %convert_element_type3A_473 = arith.extui %ge3A_472 : i1 to i32
        %cond3A_474 = arith.constant 0 : i32
        %cond3A_475 = arith.cmpi ne, %convert_element_type3A_473, %cond3A_474 : i32
        scf.if %cond3A_475 {
          %dma_wait3A_487 = arith.constant 0 : i32
          %dma_wait3A_488 = arith.constant 0 : i32
          %dma_wait3A_489 = arith.constant 0 : i32
          %dma_wait3A_490 = arith.constant 0 : i32
          %dma_wait3A_491 = tpu.memref_slice %arg8[%dma_wait3A_487, %dma_wait3A_489, %dma_wait3A_490] : memref<8x125x32xf32, #tpu.memory_space<vmem>> -> memref<1x125x32xf32, #tpu.memory_space<vmem>>
          %dma_wait3A_492 = tpu.memref_squeeze %dma_wait3A_491 : memref<1x125x32xf32, #tpu.memory_space<vmem>> -> memref<125x32xf32, #tpu.memory_space<vmem>>
          %dma_wait3A_493 = arith.constant 0 : i32
          %dma_wait3A_494 = tpu.memref_slice %arg7[%dma_wait3A_488, %dma_wait3A_493] : memref<80x125xi32, #tpu.memory_space<vmem>> -> memref<1x125xi32, #tpu.memory_space<vmem>>
          %dma_wait3A_495 = tpu.memref_squeeze %dma_wait3A_494 : memref<1x125xi32, #tpu.memory_space<vmem>> -> memref<125xi32, #tpu.memory_space<vmem>>
          %dma_wait3A_496 = arith.constant 0 : i32
          %dma_wait3A_497 = arith.constant 0 : i32
          %dma_wait3A_498 = tpu.memref_slice %arg9[%dma_wait3A_496, %dma_wait3A_497] : memref<10000x32xf32, #tpu.memory_space<vmem_shared>> -> memref<10000x32xf32, #tpu.memory_space<vmem_shared>>
          tpu.wait_indirect_dma semaphore(%arg18 : memref<!tpu.dma_semaphore, #tpu.memory_space<semaphore_mem>>) src(%dma_wait3A_492 : memref<125x32xf32, #tpu.memory_space<vmem>>) dst(%dma_wait3A_498 : memref<10000x32xf32, #tpu.memory_space<vmem_shared>>)
        } else {
        }
        %dma_start3A_476 = arith.constant 0 : i32
        %dma_start3A_477 = arith.constant 0 : i32
        %dma_start3A_478 = arith.constant 0 : i32
        %dma_start3A_479 = tpu.memref_slice %arg8[%dma_start3A_476, %dma_start3A_477, %dma_start3A_478] : memref<8x125x32xf32, #tpu.memory_space<vmem>> -> memref<1x125x32xf32, #tpu.memory_space<vmem>>
        %dma_start3A_480 = tpu.memref_squeeze %dma_start3A_479 : memref<1x125x32xf32, #tpu.memory_space<vmem>> -> memref<125x32xf32, #tpu.memory_space<vmem>>
        %dma_start3A_481 = arith.constant 0 : i32
        %dma_start3A_482 = tpu.memref_slice %arg6[%add3A_268, %dma_start3A_481] : memref<80x125xi32, #tpu.memory_space<vmem>> -> memref<1x125xi32, #tpu.memory_space<vmem>>
        %dma_start3A_483 = tpu.memref_squeeze %dma_start3A_482 : memref<1x125xi32, #tpu.memory_space<vmem>> -> memref<125xi32, #tpu.memory_space<vmem>>
        %dma_start3A_484 = arith.constant 0 : i32
        %dma_start3A_485 = arith.constant 0 : i32
        %dma_start3A_486 = tpu.memref_slice %arg2[%dma_start3A_484, %dma_start3A_485] : memref<10000x32xf32, #tpu.memory_space<hbm>> -> memref<10000x32xf32, #tpu.memory_space<hbm>>
        tpu.enqueue_indirect_dma source(%dma_start3A_486 : memref<10000x32xf32, #tpu.memory_space<hbm>>) target(%dma_start3A_480 : memref<125x32xf32, #tpu.memory_space<vmem>>) offsets(%dma_start3A_483 : memref<125xi32, #tpu.memory_space<vmem>>) semaphore(%arg10 : memref<!tpu.dma_semaphore, #tpu.memory_space<semaphore_mem>>)
      } else {
      }
      %mul3A_274 = arith.constant 8 : i32
      %mul3A_275 = arith.muli %scan3A_207, %mul3A_274 : i32
      %add3A_276 = arith.constant 2 : i32
      %add3A_277 = arith.addi %mul3A_275, %add3A_276 : i32
      %dma_wait3A_278 = arith.constant 2 : i32
      %dma_wait3A_279 = arith.constant 0 : i32
      %dma_wait3A_280 = arith.constant 0 : i32
      %dma_wait3A_281 = tpu.memref_slice %arg8[%dma_wait3A_278, %dma_wait3A_279, %dma_wait3A_280] : memref<8x125x32xf32, #tpu.memory_space<vmem>> -> memref<1x125x32xf32, #tpu.memory_space<vmem>>
      %dma_wait3A_282 = tpu.memref_squeeze %dma_wait3A_281 : memref<1x125x32xf32, #tpu.memory_space<vmem>> -> memref<125x32xf32, #tpu.memory_space<vmem>>
      %dma_wait3A_283 = arith.constant 0 : i32
      %dma_wait3A_284 = tpu.memref_slice %arg6[%add3A_277, %dma_wait3A_283] : memref<80x125xi32, #tpu.memory_space<vmem>> -> memref<1x125xi32, #tpu.memory_space<vmem>>
      %dma_wait3A_285 = tpu.memref_squeeze %dma_wait3A_284 : memref<1x125xi32, #tpu.memory_space<vmem>> -> memref<125xi32, #tpu.memory_space<vmem>>
      %dma_wait3A_286 = arith.constant 0 : i32
      %dma_wait3A_287 = arith.constant 0 : i32
      %dma_wait3A_288 = tpu.memref_slice %arg2[%dma_wait3A_286, %dma_wait3A_287] : memref<10000x32xf32, #tpu.memory_space<hbm>> -> memref<10000x32xf32, #tpu.memory_space<hbm>>
      tpu.wait_indirect_dma semaphore(%arg12 : memref<!tpu.dma_semaphore, #tpu.memory_space<semaphore_mem>>) src(%dma_wait3A_288 : memref<10000x32xf32, #tpu.memory_space<hbm>>) dst(%dma_wait3A_282 : memref<125x32xf32, #tpu.memory_space<vmem>>)
      %dma_start3A_289 = arith.constant 2 : i32
      %dma_start3A_290 = arith.constant 0 : i32
      %dma_start3A_291 = arith.constant 0 : i32
      %dma_start3A_292 = tpu.memref_slice %arg8[%dma_start3A_289, %dma_start3A_290, %dma_start3A_291] : memref<8x125x32xf32, #tpu.memory_space<vmem>> -> memref<1x125x32xf32, #tpu.memory_space<vmem>>
      %dma_start3A_293 = tpu.memref_squeeze %dma_start3A_292 : memref<1x125x32xf32, #tpu.memory_space<vmem>> -> memref<125x32xf32, #tpu.memory_space<vmem>>
      %dma_start3A_294 = arith.constant 0 : i32
      %dma_start3A_295 = tpu.memref_slice %arg7[%add3A_277, %dma_start3A_294] : memref<80x125xi32, #tpu.memory_space<vmem>> -> memref<1x125xi32, #tpu.memory_space<vmem>>
      %dma_start3A_296 = tpu.memref_squeeze %dma_start3A_295 : memref<1x125xi32, #tpu.memory_space<vmem>> -> memref<125xi32, #tpu.memory_space<vmem>>
      %dma_start3A_297 = arith.constant 0 : i32
      %dma_start3A_298 = arith.constant 0 : i32
      %dma_start3A_299 = tpu.memref_slice %arg9[%dma_start3A_297, %dma_start3A_298] : memref<10000x32xf32, #tpu.memory_space<vmem_shared>> -> memref<10000x32xf32, #tpu.memory_space<vmem_shared>>
      tpu.enqueue_indirect_dma source(%dma_start3A_293 : memref<125x32xf32, #tpu.memory_space<vmem>>) target(%dma_start3A_299 : memref<10000x32xf32, #tpu.memory_space<vmem_shared>>) offsets(%dma_start3A_296 : memref<125xi32, #tpu.memory_space<vmem>>) semaphore(%arg20 : memref<!tpu.dma_semaphore, #tpu.memory_space<semaphore_mem>>) {add = true}
      %add3A_300 = arith.constant 7 : i32
      %add3A_301 = arith.addi %add3A_277, %add3A_300 : i32
      %lt3A_302 = arith.constant 80 : i32
      %lt3A_303 = arith.cmpi slt, %add3A_301, %lt3A_302 : i32
      %convert_element_type3A_304 = arith.extui %lt3A_303 : i1 to i32
      %cond3A_305 = arith.constant 0 : i32
      %cond3A_306 = arith.cmpi ne, %convert_element_type3A_304, %cond3A_305 : i32
      scf.if %cond3A_306 {
        %ge3A = arith.constant 1 : i32
        %ge3A_472 = arith.cmpi sge, %add3A_277, %ge3A : i32
        %convert_element_type3A_473 = arith.extui %ge3A_472 : i1 to i32
        %cond3A_474 = arith.constant 0 : i32
        %cond3A_475 = arith.cmpi ne, %convert_element_type3A_473, %cond3A_474 : i32
        scf.if %cond3A_475 {
          %dma_wait3A_487 = arith.constant 1 : i32
          %dma_wait3A_488 = arith.constant 0 : i32
          %dma_wait3A_489 = arith.constant 0 : i32
          %dma_wait3A_490 = arith.constant 0 : i32
          %dma_wait3A_491 = tpu.memref_slice %arg8[%dma_wait3A_487, %dma_wait3A_489, %dma_wait3A_490] : memref<8x125x32xf32, #tpu.memory_space<vmem>> -> memref<1x125x32xf32, #tpu.memory_space<vmem>>
          %dma_wait3A_492 = tpu.memref_squeeze %dma_wait3A_491 : memref<1x125x32xf32, #tpu.memory_space<vmem>> -> memref<125x32xf32, #tpu.memory_space<vmem>>
          %dma_wait3A_493 = arith.constant 0 : i32
          %dma_wait3A_494 = tpu.memref_slice %arg7[%dma_wait3A_488, %dma_wait3A_493] : memref<80x125xi32, #tpu.memory_space<vmem>> -> memref<1x125xi32, #tpu.memory_space<vmem>>
          %dma_wait3A_495 = tpu.memref_squeeze %dma_wait3A_494 : memref<1x125xi32, #tpu.memory_space<vmem>> -> memref<125xi32, #tpu.memory_space<vmem>>
          %dma_wait3A_496 = arith.constant 0 : i32
          %dma_wait3A_497 = arith.constant 0 : i32
          %dma_wait3A_498 = tpu.memref_slice %arg9[%dma_wait3A_496, %dma_wait3A_497] : memref<10000x32xf32, #tpu.memory_space<vmem_shared>> -> memref<10000x32xf32, #tpu.memory_space<vmem_shared>>
          tpu.wait_indirect_dma semaphore(%arg19 : memref<!tpu.dma_semaphore, #tpu.memory_space<semaphore_mem>>) src(%dma_wait3A_492 : memref<125x32xf32, #tpu.memory_space<vmem>>) dst(%dma_wait3A_498 : memref<10000x32xf32, #tpu.memory_space<vmem_shared>>)
        } else {
        }
        %dma_start3A_476 = arith.constant 1 : i32
        %dma_start3A_477 = arith.constant 0 : i32
        %dma_start3A_478 = arith.constant 0 : i32
        %dma_start3A_479 = tpu.memref_slice %arg8[%dma_start3A_476, %dma_start3A_477, %dma_start3A_478] : memref<8x125x32xf32, #tpu.memory_space<vmem>> -> memref<1x125x32xf32, #tpu.memory_space<vmem>>
        %dma_start3A_480 = tpu.memref_squeeze %dma_start3A_479 : memref<1x125x32xf32, #tpu.memory_space<vmem>> -> memref<125x32xf32, #tpu.memory_space<vmem>>
        %dma_start3A_481 = arith.constant 0 : i32
        %dma_start3A_482 = tpu.memref_slice %arg6[%add3A_301, %dma_start3A_481] : memref<80x125xi32, #tpu.memory_space<vmem>> -> memref<1x125xi32, #tpu.memory_space<vmem>>
        %dma_start3A_483 = tpu.memref_squeeze %dma_start3A_482 : memref<1x125xi32, #tpu.memory_space<vmem>> -> memref<125xi32, #tpu.memory_space<vmem>>
        %dma_start3A_484 = arith.constant 0 : i32
        %dma_start3A_485 = arith.constant 0 : i32
        %dma_start3A_486 = tpu.memref_slice %arg2[%dma_start3A_484, %dma_start3A_485] : memref<10000x32xf32, #tpu.memory_space<hbm>> -> memref<10000x32xf32, #tpu.memory_space<hbm>>
        tpu.enqueue_indirect_dma source(%dma_start3A_486 : memref<10000x32xf32, #tpu.memory_space<hbm>>) target(%dma_start3A_480 : memref<125x32xf32, #tpu.memory_space<vmem>>) offsets(%dma_start3A_483 : memref<125xi32, #tpu.memory_space<vmem>>) semaphore(%arg11 : memref<!tpu.dma_semaphore, #tpu.memory_space<semaphore_mem>>)
      } else {
      }
      %mul3A_307 = arith.constant 8 : i32
      %mul3A_308 = arith.muli %scan3A_207, %mul3A_307 : i32
      %add3A_309 = arith.constant 3 : i32
      %add3A_310 = arith.addi %mul3A_308, %add3A_309 : i32
      %dma_wait3A_311 = arith.constant 3 : i32
      %dma_wait3A_312 = arith.constant 0 : i32
      %dma_wait3A_313 = arith.constant 0 : i32
      %dma_wait3A_314 = tpu.memref_slice %arg8[%dma_wait3A_311, %dma_wait3A_312, %dma_wait3A_313] : memref<8x125x32xf32, #tpu.memory_space<vmem>> -> memref<1x125x32xf32, #tpu.memory_space<vmem>>
      %dma_wait3A_315 = tpu.memref_squeeze %dma_wait3A_314 : memref<1x125x32xf32, #tpu.memory_space<vmem>> -> memref<125x32xf32, #tpu.memory_space<vmem>>
      %dma_wait3A_316 = arith.constant 0 : i32
      %dma_wait3A_317 = tpu.memref_slice %arg6[%add3A_310, %dma_wait3A_316] : memref<80x125xi32, #tpu.memory_space<vmem>> -> memref<1x125xi32, #tpu.memory_space<vmem>>
      %dma_wait3A_318 = tpu.memref_squeeze %dma_wait3A_317 : memref<1x125xi32, #tpu.memory_space<vmem>> -> memref<125xi32, #tpu.memory_space<vmem>>
      %dma_wait3A_319 = arith.constant 0 : i32
      %dma_wait3A_320 = arith.constant 0 : i32
      %dma_wait3A_321 = tpu.memref_slice %arg2[%dma_wait3A_319, %dma_wait3A_320] : memref<10000x32xf32, #tpu.memory_space<hbm>> -> memref<10000x32xf32, #tpu.memory_space<hbm>>
      tpu.wait_indirect_dma semaphore(%arg13 : memref<!tpu.dma_semaphore, #tpu.memory_space<semaphore_mem>>) src(%dma_wait3A_321 : memref<10000x32xf32, #tpu.memory_space<hbm>>) dst(%dma_wait3A_315 : memref<125x32xf32, #tpu.memory_space<vmem>>)
      %dma_start3A_322 = arith.constant 3 : i32
      %dma_start3A_323 = arith.constant 0 : i32
      %dma_start3A_324 = arith.constant 0 : i32
      %dma_start3A_325 = tpu.memref_slice %arg8[%dma_start3A_322, %dma_start3A_323, %dma_start3A_324] : memref<8x125x32xf32, #tpu.memory_space<vmem>> -> memref<1x125x32xf32, #tpu.memory_space<vmem>>
      %dma_start3A_326 = tpu.memref_squeeze %dma_start3A_325 : memref<1x125x32xf32, #tpu.memory_space<vmem>> -> memref<125x32xf32, #tpu.memory_space<vmem>>
      %dma_start3A_327 = arith.constant 0 : i32
      %dma_start3A_328 = tpu.memref_slice %arg7[%add3A_310, %dma_start3A_327] : memref<80x125xi32, #tpu.memory_space<vmem>> -> memref<1x125xi32, #tpu.memory_space<vmem>>
      %dma_start3A_329 = tpu.memref_squeeze %dma_start3A_328 : memref<1x125xi32, #tpu.memory_space<vmem>> -> memref<125xi32, #tpu.memory_space<vmem>>
      %dma_start3A_330 = arith.constant 0 : i32
      %dma_start3A_331 = arith.constant 0 : i32
      %dma_start3A_332 = tpu.memref_slice %arg9[%dma_start3A_330, %dma_start3A_331] : memref<10000x32xf32, #tpu.memory_space<vmem_shared>> -> memref<10000x32xf32, #tpu.memory_space<vmem_shared>>
      tpu.enqueue_indirect_dma source(%dma_start3A_326 : memref<125x32xf32, #tpu.memory_space<vmem>>) target(%dma_start3A_332 : memref<10000x32xf32, #tpu.memory_space<vmem_shared>>) offsets(%dma_start3A_329 : memref<125xi32, #tpu.memory_space<vmem>>) semaphore(%arg21 : memref<!tpu.dma_semaphore, #tpu.memory_space<semaphore_mem>>) {add = true}
      %add3A_333 = arith.constant 7 : i32
      %add3A_334 = arith.addi %add3A_310, %add3A_333 : i32
      %lt3A_335 = arith.constant 80 : i32
      %lt3A_336 = arith.cmpi slt, %add3A_334, %lt3A_335 : i32
      %convert_element_type3A_337 = arith.extui %lt3A_336 : i1 to i32
      %cond3A_338 = arith.constant 0 : i32
      %cond3A_339 = arith.cmpi ne, %convert_element_type3A_337, %cond3A_338 : i32
      scf.if %cond3A_339 {
        %ge3A = arith.constant 1 : i32
        %ge3A_472 = arith.cmpi sge, %add3A_310, %ge3A : i32
        %convert_element_type3A_473 = arith.extui %ge3A_472 : i1 to i32
        %cond3A_474 = arith.constant 0 : i32
        %cond3A_475 = arith.cmpi ne, %convert_element_type3A_473, %cond3A_474 : i32
        scf.if %cond3A_475 {
          %dma_wait3A_487 = arith.constant 2 : i32
          %dma_wait3A_488 = arith.constant 0 : i32
          %dma_wait3A_489 = arith.constant 0 : i32
          %dma_wait3A_490 = arith.constant 0 : i32
          %dma_wait3A_491 = tpu.memref_slice %arg8[%dma_wait3A_487, %dma_wait3A_489, %dma_wait3A_490] : memref<8x125x32xf32, #tpu.memory_space<vmem>> -> memref<1x125x32xf32, #tpu.memory_space<vmem>>
          %dma_wait3A_492 = tpu.memref_squeeze %dma_wait3A_491 : memref<1x125x32xf32, #tpu.memory_space<vmem>> -> memref<125x32xf32, #tpu.memory_space<vmem>>
          %dma_wait3A_493 = arith.constant 0 : i32
          %dma_wait3A_494 = tpu.memref_slice %arg7[%dma_wait3A_488, %dma_wait3A_493] : memref<80x125xi32, #tpu.memory_space<vmem>> -> memref<1x125xi32, #tpu.memory_space<vmem>>
          %dma_wait3A_495 = tpu.memref_squeeze %dma_wait3A_494 : memref<1x125xi32, #tpu.memory_space<vmem>> -> memref<125xi32, #tpu.memory_space<vmem>>
          %dma_wait3A_496 = arith.constant 0 : i32
          %dma_wait3A_497 = arith.constant 0 : i32
          %dma_wait3A_498 = tpu.memref_slice %arg9[%dma_wait3A_496, %dma_wait3A_497] : memref<10000x32xf32, #tpu.memory_space<vmem_shared>> -> memref<10000x32xf32, #tpu.memory_space<vmem_shared>>
          tpu.wait_indirect_dma semaphore(%arg20 : memref<!tpu.dma_semaphore, #tpu.memory_space<semaphore_mem>>) src(%dma_wait3A_492 : memref<125x32xf32, #tpu.memory_space<vmem>>) dst(%dma_wait3A_498 : memref<10000x32xf32, #tpu.memory_space<vmem_shared>>)
        } else {
        }
        %dma_start3A_476 = arith.constant 2 : i32
        %dma_start3A_477 = arith.constant 0 : i32
        %dma_start3A_478 = arith.constant 0 : i32
        %dma_start3A_479 = tpu.memref_slice %arg8[%dma_start3A_476, %dma_start3A_477, %dma_start3A_478] : memref<8x125x32xf32, #tpu.memory_space<vmem>> -> memref<1x125x32xf32, #tpu.memory_space<vmem>>
        %dma_start3A_480 = tpu.memref_squeeze %dma_start3A_479 : memref<1x125x32xf32, #tpu.memory_space<vmem>> -> memref<125x32xf32, #tpu.memory_space<vmem>>
        %dma_start3A_481 = arith.constant 0 : i32
        %dma_start3A_482 = tpu.memref_slice %arg6[%add3A_334, %dma_start3A_481] : memref<80x125xi32, #tpu.memory_space<vmem>> -> memref<1x125xi32, #tpu.memory_space<vmem>>
        %dma_start3A_483 = tpu.memref_squeeze %dma_start3A_482 : memref<1x125xi32, #tpu.memory_space<vmem>> -> memref<125xi32, #tpu.memory_space<vmem>>
        %dma_start3A_484 = arith.constant 0 : i32
        %dma_start3A_485 = arith.constant 0 : i32
        %dma_start3A_486 = tpu.memref_slice %arg2[%dma_start3A_484, %dma_start3A_485] : memref<10000x32xf32, #tpu.memory_space<hbm>> -> memref<10000x32xf32, #tpu.memory_space<hbm>>
        tpu.enqueue_indirect_dma source(%dma_start3A_486 : memref<10000x32xf32, #tpu.memory_space<hbm>>) target(%dma_start3A_480 : memref<125x32xf32, #tpu.memory_space<vmem>>) offsets(%dma_start3A_483 : memref<125xi32, #tpu.memory_space<vmem>>) semaphore(%arg12 : memref<!tpu.dma_semaphore, #tpu.memory_space<semaphore_mem>>)
      } else {
      }
      %mul3A_340 = arith.constant 8 : i32
      %mul3A_341 = arith.muli %scan3A_207, %mul3A_340 : i32
      %add3A_342 = arith.constant 4 : i32
      %add3A_343 = arith.addi %mul3A_341, %add3A_342 : i32
      %dma_wait3A_344 = arith.constant 4 : i32
      %dma_wait3A_345 = arith.constant 0 : i32
      %dma_wait3A_346 = arith.constant 0 : i32
      %dma_wait3A_347 = tpu.memref_slice %arg8[%dma_wait3A_344, %dma_wait3A_345, %dma_wait3A_346] : memref<8x125x32xf32, #tpu.memory_space<vmem>> -> memref<1x125x32xf32, #tpu.memory_space<vmem>>
      %dma_wait3A_348 = tpu.memref_squeeze %dma_wait3A_347 : memref<1x125x32xf32, #tpu.memory_space<vmem>> -> memref<125x32xf32, #tpu.memory_space<vmem>>
      %dma_wait3A_349 = arith.constant 0 : i32
      %dma_wait3A_350 = tpu.memref_slice %arg6[%add3A_343, %dma_wait3A_349] : memref<80x125xi32, #tpu.memory_space<vmem>> -> memref<1x125xi32, #tpu.memory_space<vmem>>
      %dma_wait3A_351 = tpu.memref_squeeze %dma_wait3A_350 : memref<1x125xi32, #tpu.memory_space<vmem>> -> memref<125xi32, #tpu.memory_space<vmem>>
      %dma_wait3A_352 = arith.constant 0 : i32
      %dma_wait3A_353 = arith.constant 0 : i32
      %dma_wait3A_354 = tpu.memref_slice %arg2[%dma_wait3A_352, %dma_wait3A_353] : memref<10000x32xf32, #tpu.memory_space<hbm>> -> memref<10000x32xf32, #tpu.memory_space<hbm>>
      tpu.wait_indirect_dma semaphore(%arg14 : memref<!tpu.dma_semaphore, #tpu.memory_space<semaphore_mem>>) src(%dma_wait3A_354 : memref<10000x32xf32, #tpu.memory_space<hbm>>) dst(%dma_wait3A_348 : memref<125x32xf32, #tpu.memory_space<vmem>>)
      %dma_start3A_355 = arith.constant 4 : i32
      %dma_start3A_356 = arith.constant 0 : i32
      %dma_start3A_357 = arith.constant 0 : i32
      %dma_start3A_358 = tpu.memref_slice %arg8[%dma_start3A_355, %dma_start3A_356, %dma_start3A_357] : memref<8x125x32xf32, #tpu.memory_space<vmem>> -> memref<1x125x32xf32, #tpu.memory_space<vmem>>
      %dma_start3A_359 = tpu.memref_squeeze %dma_start3A_358 : memref<1x125x32xf32, #tpu.memory_space<vmem>> -> memref<125x32xf32, #tpu.memory_space<vmem>>
      %dma_start3A_360 = arith.constant 0 : i32
      %dma_start3A_361 = tpu.memref_slice %arg7[%add3A_343, %dma_start3A_360] : memref<80x125xi32, #tpu.memory_space<vmem>> -> memref<1x125xi32, #tpu.memory_space<vmem>>
      %dma_start3A_362 = tpu.memref_squeeze %dma_start3A_361 : memref<1x125xi32, #tpu.memory_space<vmem>> -> memref<125xi32, #tpu.memory_space<vmem>>
      %dma_start3A_363 = arith.constant 0 : i32
      %dma_start3A_364 = arith.constant 0 : i32
      %dma_start3A_365 = tpu.memref_slice %arg9[%dma_start3A_363, %dma_start3A_364] : memref<10000x32xf32, #tpu.memory_space<vmem_shared>> -> memref<10000x32xf32, #tpu.memory_space<vmem_shared>>
      tpu.enqueue_indirect_dma source(%dma_start3A_359 : memref<125x32xf32, #tpu.memory_space<vmem>>) target(%dma_start3A_365 : memref<10000x32xf32, #tpu.memory_space<vmem_shared>>) offsets(%dma_start3A_362 : memref<125xi32, #tpu.memory_space<vmem>>) semaphore(%arg22 : memref<!tpu.dma_semaphore, #tpu.memory_space<semaphore_mem>>) {add = true}
      %add3A_366 = arith.constant 7 : i32
      %add3A_367 = arith.addi %add3A_343, %add3A_366 : i32
      %lt3A_368 = arith.constant 80 : i32
      %lt3A_369 = arith.cmpi slt, %add3A_367, %lt3A_368 : i32
      %convert_element_type3A_370 = arith.extui %lt3A_369 : i1 to i32
      %cond3A_371 = arith.constant 0 : i32
      %cond3A_372 = arith.cmpi ne, %convert_element_type3A_370, %cond3A_371 : i32
      scf.if %cond3A_372 {
        %ge3A = arith.constant 1 : i32
        %ge3A_472 = arith.cmpi sge, %add3A_343, %ge3A : i32
        %convert_element_type3A_473 = arith.extui %ge3A_472 : i1 to i32
        %cond3A_474 = arith.constant 0 : i32
        %cond3A_475 = arith.cmpi ne, %convert_element_type3A_473, %cond3A_474 : i32
        scf.if %cond3A_475 {
          %dma_wait3A_487 = arith.constant 3 : i32
          %dma_wait3A_488 = arith.constant 0 : i32
          %dma_wait3A_489 = arith.constant 0 : i32
          %dma_wait3A_490 = arith.constant 0 : i32
          %dma_wait3A_491 = tpu.memref_slice %arg8[%dma_wait3A_487, %dma_wait3A_489, %dma_wait3A_490] : memref<8x125x32xf32, #tpu.memory_space<vmem>> -> memref<1x125x32xf32, #tpu.memory_space<vmem>>
          %dma_wait3A_492 = tpu.memref_squeeze %dma_wait3A_491 : memref<1x125x32xf32, #tpu.memory_space<vmem>> -> memref<125x32xf32, #tpu.memory_space<vmem>>
          %dma_wait3A_493 = arith.constant 0 : i32
          %dma_wait3A_494 = tpu.memref_slice %arg7[%dma_wait3A_488, %dma_wait3A_493] : memref<80x125xi32, #tpu.memory_space<vmem>> -> memref<1x125xi32, #tpu.memory_space<vmem>>
          %dma_wait3A_495 = tpu.memref_squeeze %dma_wait3A_494 : memref<1x125xi32, #tpu.memory_space<vmem>> -> memref<125xi32, #tpu.memory_space<vmem>>
          %dma_wait3A_496 = arith.constant 0 : i32
          %dma_wait3A_497 = arith.constant 0 : i32
          %dma_wait3A_498 = tpu.memref_slice %arg9[%dma_wait3A_496, %dma_wait3A_497] : memref<10000x32xf32, #tpu.memory_space<vmem_shared>> -> memref<10000x32xf32, #tpu.memory_space<vmem_shared>>
          tpu.wait_indirect_dma semaphore(%arg21 : memref<!tpu.dma_semaphore, #tpu.memory_space<semaphore_mem>>) src(%dma_wait3A_492 : memref<125x32xf32, #tpu.memory_space<vmem>>) dst(%dma_wait3A_498 : memref<10000x32xf32, #tpu.memory_space<vmem_shared>>)
        } else {
        }
        %dma_start3A_476 = arith.constant 3 : i32
        %dma_start3A_477 = arith.constant 0 : i32
        %dma_start3A_478 = arith.constant 0 : i32
        %dma_start3A_479 = tpu.memref_slice %arg8[%dma_start3A_476, %dma_start3A_477, %dma_start3A_478] : memref<8x125x32xf32, #tpu.memory_space<vmem>> -> memref<1x125x32xf32, #tpu.memory_space<vmem>>
        %dma_start3A_480 = tpu.memref_squeeze %dma_start3A_479 : memref<1x125x32xf32, #tpu.memory_space<vmem>> -> memref<125x32xf32, #tpu.memory_space<vmem>>
        %dma_start3A_481 = arith.constant 0 : i32
        %dma_start3A_482 = tpu.memref_slice %arg6[%add3A_367, %dma_start3A_481] : memref<80x125xi32, #tpu.memory_space<vmem>> -> memref<1x125xi32, #tpu.memory_space<vmem>>
        %dma_start3A_483 = tpu.memref_squeeze %dma_start3A_482 : memref<1x125xi32, #tpu.memory_space<vmem>> -> memref<125xi32, #tpu.memory_space<vmem>>
        %dma_start3A_484 = arith.constant 0 : i32
        %dma_start3A_485 = arith.constant 0 : i32
        %dma_start3A_486 = tpu.memref_slice %arg2[%dma_start3A_484, %dma_start3A_485] : memref<10000x32xf32, #tpu.memory_space<hbm>> -> memref<10000x32xf32, #tpu.memory_space<hbm>>
        tpu.enqueue_indirect_dma source(%dma_start3A_486 : memref<10000x32xf32, #tpu.memory_space<hbm>>) target(%dma_start3A_480 : memref<125x32xf32, #tpu.memory_space<vmem>>) offsets(%dma_start3A_483 : memref<125xi32, #tpu.memory_space<vmem>>) semaphore(%arg13 : memref<!tpu.dma_semaphore, #tpu.memory_space<semaphore_mem>>)
      } else {
      }
      %mul3A_373 = arith.constant 8 : i32
      %mul3A_374 = arith.muli %scan3A_207, %mul3A_373 : i32
      %add3A_375 = arith.constant 5 : i32
      %add3A_376 = arith.addi %mul3A_374, %add3A_375 : i32
      %dma_wait3A_377 = arith.constant 5 : i32
      %dma_wait3A_378 = arith.constant 0 : i32
      %dma_wait3A_379 = arith.constant 0 : i32
      %dma_wait3A_380 = tpu.memref_slice %arg8[%dma_wait3A_377, %dma_wait3A_378, %dma_wait3A_379] : memref<8x125x32xf32, #tpu.memory_space<vmem>> -> memref<1x125x32xf32, #tpu.memory_space<vmem>>
      %dma_wait3A_381 = tpu.memref_squeeze %dma_wait3A_380 : memref<1x125x32xf32, #tpu.memory_space<vmem>> -> memref<125x32xf32, #tpu.memory_space<vmem>>
      %dma_wait3A_382 = arith.constant 0 : i32
      %dma_wait3A_383 = tpu.memref_slice %arg6[%add3A_376, %dma_wait3A_382] : memref<80x125xi32, #tpu.memory_space<vmem>> -> memref<1x125xi32, #tpu.memory_space<vmem>>
      %dma_wait3A_384 = tpu.memref_squeeze %dma_wait3A_383 : memref<1x125xi32, #tpu.memory_space<vmem>> -> memref<125xi32, #tpu.memory_space<vmem>>
      %dma_wait3A_385 = arith.constant 0 : i32
      %dma_wait3A_386 = arith.constant 0 : i32
      %dma_wait3A_387 = tpu.memref_slice %arg2[%dma_wait3A_385, %dma_wait3A_386] : memref<10000x32xf32, #tpu.memory_space<hbm>> -> memref<10000x32xf32, #tpu.memory_space<hbm>>
      tpu.wait_indirect_dma semaphore(%arg15 : memref<!tpu.dma_semaphore, #tpu.memory_space<semaphore_mem>>) src(%dma_wait3A_387 : memref<10000x32xf32, #tpu.memory_space<hbm>>) dst(%dma_wait3A_381 : memref<125x32xf32, #tpu.memory_space<vmem>>)
      %dma_start3A_388 = arith.constant 5 : i32
      %dma_start3A_389 = arith.constant 0 : i32
      %dma_start3A_390 = arith.constant 0 : i32
      %dma_start3A_391 = tpu.memref_slice %arg8[%dma_start3A_388, %dma_start3A_389, %dma_start3A_390] : memref<8x125x32xf32, #tpu.memory_space<vmem>> -> memref<1x125x32xf32, #tpu.memory_space<vmem>>
      %dma_start3A_392 = tpu.memref_squeeze %dma_start3A_391 : memref<1x125x32xf32, #tpu.memory_space<vmem>> -> memref<125x32xf32, #tpu.memory_space<vmem>>
      %dma_start3A_393 = arith.constant 0 : i32
      %dma_start3A_394 = tpu.memref_slice %arg7[%add3A_376, %dma_start3A_393] : memref<80x125xi32, #tpu.memory_space<vmem>> -> memref<1x125xi32, #tpu.memory_space<vmem>>
      %dma_start3A_395 = tpu.memref_squeeze %dma_start3A_394 : memref<1x125xi32, #tpu.memory_space<vmem>> -> memref<125xi32, #tpu.memory_space<vmem>>
      %dma_start3A_396 = arith.constant 0 : i32
      %dma_start3A_397 = arith.constant 0 : i32
      %dma_start3A_398 = tpu.memref_slice %arg9[%dma_start3A_396, %dma_start3A_397] : memref<10000x32xf32, #tpu.memory_space<vmem_shared>> -> memref<10000x32xf32, #tpu.memory_space<vmem_shared>>
      tpu.enqueue_indirect_dma source(%dma_start3A_392 : memref<125x32xf32, #tpu.memory_space<vmem>>) target(%dma_start3A_398 : memref<10000x32xf32, #tpu.memory_space<vmem_shared>>) offsets(%dma_start3A_395 : memref<125xi32, #tpu.memory_space<vmem>>) semaphore(%arg23 : memref<!tpu.dma_semaphore, #tpu.memory_space<semaphore_mem>>) {add = true}
      %add3A_399 = arith.constant 7 : i32
      %add3A_400 = arith.addi %add3A_376, %add3A_399 : i32
      %lt3A_401 = arith.constant 80 : i32
      %lt3A_402 = arith.cmpi slt, %add3A_400, %lt3A_401 : i32
      %convert_element_type3A_403 = arith.extui %lt3A_402 : i1 to i32
      %cond3A_404 = arith.constant 0 : i32
      %cond3A_405 = arith.cmpi ne, %convert_element_type3A_403, %cond3A_404 : i32
      scf.if %cond3A_405 {
        %ge3A = arith.constant 1 : i32
        %ge3A_472 = arith.cmpi sge, %add3A_376, %ge3A : i32
        %convert_element_type3A_473 = arith.extui %ge3A_472 : i1 to i32
        %cond3A_474 = arith.constant 0 : i32
        %cond3A_475 = arith.cmpi ne, %convert_element_type3A_473, %cond3A_474 : i32
        scf.if %cond3A_475 {
          %dma_wait3A_487 = arith.constant 4 : i32
          %dma_wait3A_488 = arith.constant 0 : i32
          %dma_wait3A_489 = arith.constant 0 : i32
          %dma_wait3A_490 = arith.constant 0 : i32
          %dma_wait3A_491 = tpu.memref_slice %arg8[%dma_wait3A_487, %dma_wait3A_489, %dma_wait3A_490] : memref<8x125x32xf32, #tpu.memory_space<vmem>> -> memref<1x125x32xf32, #tpu.memory_space<vmem>>
          %dma_wait3A_492 = tpu.memref_squeeze %dma_wait3A_491 : memref<1x125x32xf32, #tpu.memory_space<vmem>> -> memref<125x32xf32, #tpu.memory_space<vmem>>
          %dma_wait3A_493 = arith.constant 0 : i32
          %dma_wait3A_494 = tpu.memref_slice %arg7[%dma_wait3A_488, %dma_wait3A_493] : memref<80x125xi32, #tpu.memory_space<vmem>> -> memref<1x125xi32, #tpu.memory_space<vmem>>
          %dma_wait3A_495 = tpu.memref_squeeze %dma_wait3A_494 : memref<1x125xi32, #tpu.memory_space<vmem>> -> memref<125xi32, #tpu.memory_space<vmem>>
          %dma_wait3A_496 = arith.constant 0 : i32
          %dma_wait3A_497 = arith.constant 0 : i32
          %dma_wait3A_498 = tpu.memref_slice %arg9[%dma_wait3A_496, %dma_wait3A_497] : memref<10000x32xf32, #tpu.memory_space<vmem_shared>> -> memref<10000x32xf32, #tpu.memory_space<vmem_shared>>
          tpu.wait_indirect_dma semaphore(%arg22 : memref<!tpu.dma_semaphore, #tpu.memory_space<semaphore_mem>>) src(%dma_wait3A_492 : memref<125x32xf32, #tpu.memory_space<vmem>>) dst(%dma_wait3A_498 : memref<10000x32xf32, #tpu.memory_space<vmem_shared>>)
        } else {
        }
        %dma_start3A_476 = arith.constant 4 : i32
        %dma_start3A_477 = arith.constant 0 : i32
        %dma_start3A_478 = arith.constant 0 : i32
        %dma_start3A_479 = tpu.memref_slice %arg8[%dma_start3A_476, %dma_start3A_477, %dma_start3A_478] : memref<8x125x32xf32, #tpu.memory_space<vmem>> -> memref<1x125x32xf32, #tpu.memory_space<vmem>>
        %dma_start3A_480 = tpu.memref_squeeze %dma_start3A_479 : memref<1x125x32xf32, #tpu.memory_space<vmem>> -> memref<125x32xf32, #tpu.memory_space<vmem>>
        %dma_start3A_481 = arith.constant 0 : i32
        %dma_start3A_482 = tpu.memref_slice %arg6[%add3A_400, %dma_start3A_481] : memref<80x125xi32, #tpu.memory_space<vmem>> -> memref<1x125xi32, #tpu.memory_space<vmem>>
        %dma_start3A_483 = tpu.memref_squeeze %dma_start3A_482 : memref<1x125xi32, #tpu.memory_space<vmem>> -> memref<125xi32, #tpu.memory_space<vmem>>
        %dma_start3A_484 = arith.constant 0 : i32
        %dma_start3A_485 = arith.constant 0 : i32
        %dma_start3A_486 = tpu.memref_slice %arg2[%dma_start3A_484, %dma_start3A_485] : memref<10000x32xf32, #tpu.memory_space<hbm>> -> memref<10000x32xf32, #tpu.memory_space<hbm>>
        tpu.enqueue_indirect_dma source(%dma_start3A_486 : memref<10000x32xf32, #tpu.memory_space<hbm>>) target(%dma_start3A_480 : memref<125x32xf32, #tpu.memory_space<vmem>>) offsets(%dma_start3A_483 : memref<125xi32, #tpu.memory_space<vmem>>) semaphore(%arg14 : memref<!tpu.dma_semaphore, #tpu.memory_space<semaphore_mem>>)
      } else {
      }
      %mul3A_406 = arith.constant 8 : i32
      %mul3A_407 = arith.muli %scan3A_207, %mul3A_406 : i32
      %add3A_408 = arith.constant 6 : i32
      %add3A_409 = arith.addi %mul3A_407, %add3A_408 : i32
      %dma_wait3A_410 = arith.constant 6 : i32
      %dma_wait3A_411 = arith.constant 0 : i32
      %dma_wait3A_412 = arith.constant 0 : i32
      %dma_wait3A_413 = tpu.memref_slice %arg8[%dma_wait3A_410, %dma_wait3A_411, %dma_wait3A_412] : memref<8x125x32xf32, #tpu.memory_space<vmem>> -> memref<1x125x32xf32, #tpu.memory_space<vmem>>
      %dma_wait3A_414 = tpu.memref_squeeze %dma_wait3A_413 : memref<1x125x32xf32, #tpu.memory_space<vmem>> -> memref<125x32xf32, #tpu.memory_space<vmem>>
      %dma_wait3A_415 = arith.constant 0 : i32
      %dma_wait3A_416 = tpu.memref_slice %arg6[%add3A_409, %dma_wait3A_415] : memref<80x125xi32, #tpu.memory_space<vmem>> -> memref<1x125xi32, #tpu.memory_space<vmem>>
      %dma_wait3A_417 = tpu.memref_squeeze %dma_wait3A_416 : memref<1x125xi32, #tpu.memory_space<vmem>> -> memref<125xi32, #tpu.memory_space<vmem>>
      %dma_wait3A_418 = arith.constant 0 : i32
      %dma_wait3A_419 = arith.constant 0 : i32
      %dma_wait3A_420 = tpu.memref_slice %arg2[%dma_wait3A_418, %dma_wait3A_419] : memref<10000x32xf32, #tpu.memory_space<hbm>> -> memref<10000x32xf32, #tpu.memory_space<hbm>>
      tpu.wait_indirect_dma semaphore(%arg16 : memref<!tpu.dma_semaphore, #tpu.memory_space<semaphore_mem>>) src(%dma_wait3A_420 : memref<10000x32xf32, #tpu.memory_space<hbm>>) dst(%dma_wait3A_414 : memref<125x32xf32, #tpu.memory_space<vmem>>)
      %dma_start3A_421 = arith.constant 6 : i32
      %dma_start3A_422 = arith.constant 0 : i32
      %dma_start3A_423 = arith.constant 0 : i32
      %dma_start3A_424 = tpu.memref_slice %arg8[%dma_start3A_421, %dma_start3A_422, %dma_start3A_423] : memref<8x125x32xf32, #tpu.memory_space<vmem>> -> memref<1x125x32xf32, #tpu.memory_space<vmem>>
      %dma_start3A_425 = tpu.memref_squeeze %dma_start3A_424 : memref<1x125x32xf32, #tpu.memory_space<vmem>> -> memref<125x32xf32, #tpu.memory_space<vmem>>
      %dma_start3A_426 = arith.constant 0 : i32
      %dma_start3A_427 = tpu.memref_slice %arg7[%add3A_409, %dma_start3A_426] : memref<80x125xi32, #tpu.memory_space<vmem>> -> memref<1x125xi32, #tpu.memory_space<vmem>>
      %dma_start3A_428 = tpu.memref_squeeze %dma_start3A_427 : memref<1x125xi32, #tpu.memory_space<vmem>> -> memref<125xi32, #tpu.memory_space<vmem>>
      %dma_start3A_429 = arith.constant 0 : i32
      %dma_start3A_430 = arith.constant 0 : i32
      %dma_start3A_431 = tpu.memref_slice %arg9[%dma_start3A_429, %dma_start3A_430] : memref<10000x32xf32, #tpu.memory_space<vmem_shared>> -> memref<10000x32xf32, #tpu.memory_space<vmem_shared>>
      tpu.enqueue_indirect_dma source(%dma_start3A_425 : memref<125x32xf32, #tpu.memory_space<vmem>>) target(%dma_start3A_431 : memref<10000x32xf32, #tpu.memory_space<vmem_shared>>) offsets(%dma_start3A_428 : memref<125xi32, #tpu.memory_space<vmem>>) semaphore(%arg24 : memref<!tpu.dma_semaphore, #tpu.memory_space<semaphore_mem>>) {add = true}
      %add3A_432 = arith.constant 7 : i32
      %add3A_433 = arith.addi %add3A_409, %add3A_432 : i32
      %lt3A_434 = arith.constant 80 : i32
      %lt3A_435 = arith.cmpi slt, %add3A_433, %lt3A_434 : i32
      %convert_element_type3A_436 = arith.extui %lt3A_435 : i1 to i32
      %cond3A_437 = arith.constant 0 : i32
      %cond3A_438 = arith.cmpi ne, %convert_element_type3A_436, %cond3A_437 : i32
      scf.if %cond3A_438 {
        %ge3A = arith.constant 1 : i32
        %ge3A_472 = arith.cmpi sge, %add3A_409, %ge3A : i32
        %convert_element_type3A_473 = arith.extui %ge3A_472 : i1 to i32
        %cond3A_474 = arith.constant 0 : i32
        %cond3A_475 = arith.cmpi ne, %convert_element_type3A_473, %cond3A_474 : i32
        scf.if %cond3A_475 {
          %dma_wait3A_487 = arith.constant 5 : i32
          %dma_wait3A_488 = arith.constant 0 : i32
          %dma_wait3A_489 = arith.constant 0 : i32
          %dma_wait3A_490 = arith.constant 0 : i32
          %dma_wait3A_491 = tpu.memref_slice %arg8[%dma_wait3A_487, %dma_wait3A_489, %dma_wait3A_490] : memref<8x125x32xf32, #tpu.memory_space<vmem>> -> memref<1x125x32xf32, #tpu.memory_space<vmem>>
          %dma_wait3A_492 = tpu.memref_squeeze %dma_wait3A_491 : memref<1x125x32xf32, #tpu.memory_space<vmem>> -> memref<125x32xf32, #tpu.memory_space<vmem>>
          %dma_wait3A_493 = arith.constant 0 : i32
          %dma_wait3A_494 = tpu.memref_slice %arg7[%dma_wait3A_488, %dma_wait3A_493] : memref<80x125xi32, #tpu.memory_space<vmem>> -> memref<1x125xi32, #tpu.memory_space<vmem>>
          %dma_wait3A_495 = tpu.memref_squeeze %dma_wait3A_494 : memref<1x125xi32, #tpu.memory_space<vmem>> -> memref<125xi32, #tpu.memory_space<vmem>>
          %dma_wait3A_496 = arith.constant 0 : i32
          %dma_wait3A_497 = arith.constant 0 : i32
          %dma_wait3A_498 = tpu.memref_slice %arg9[%dma_wait3A_496, %dma_wait3A_497] : memref<10000x32xf32, #tpu.memory_space<vmem_shared>> -> memref<10000x32xf32, #tpu.memory_space<vmem_shared>>
          tpu.wait_indirect_dma semaphore(%arg23 : memref<!tpu.dma_semaphore, #tpu.memory_space<semaphore_mem>>) src(%dma_wait3A_492 : memref<125x32xf32, #tpu.memory_space<vmem>>) dst(%dma_wait3A_498 : memref<10000x32xf32, #tpu.memory_space<vmem_shared>>)
        } else {
        }
        %dma_start3A_476 = arith.constant 5 : i32
        %dma_start3A_477 = arith.constant 0 : i32
        %dma_start3A_478 = arith.constant 0 : i32
        %dma_start3A_479 = tpu.memref_slice %arg8[%dma_start3A_476, %dma_start3A_477, %dma_start3A_478] : memref<8x125x32xf32, #tpu.memory_space<vmem>> -> memref<1x125x32xf32, #tpu.memory_space<vmem>>
        %dma_start3A_480 = tpu.memref_squeeze %dma_start3A_479 : memref<1x125x32xf32, #tpu.memory_space<vmem>> -> memref<125x32xf32, #tpu.memory_space<vmem>>
        %dma_start3A_481 = arith.constant 0 : i32
        %dma_start3A_482 = tpu.memref_slice %arg6[%add3A_433, %dma_start3A_481] : memref<80x125xi32, #tpu.memory_space<vmem>> -> memref<1x125xi32, #tpu.memory_space<vmem>>
        %dma_start3A_483 = tpu.memref_squeeze %dma_start3A_482 : memref<1x125xi32, #tpu.memory_space<vmem>> -> memref<125xi32, #tpu.memory_space<vmem>>
        %dma_start3A_484 = arith.constant 0 : i32
        %dma_start3A_485 = arith.constant 0 : i32
        %dma_start3A_486 = tpu.memref_slice %arg2[%dma_start3A_484, %dma_start3A_485] : memref<10000x32xf32, #tpu.memory_space<hbm>> -> memref<10000x32xf32, #tpu.memory_space<hbm>>
        tpu.enqueue_indirect_dma source(%dma_start3A_486 : memref<10000x32xf32, #tpu.memory_space<hbm>>) target(%dma_start3A_480 : memref<125x32xf32, #tpu.memory_space<vmem>>) offsets(%dma_start3A_483 : memref<125xi32, #tpu.memory_space<vmem>>) semaphore(%arg15 : memref<!tpu.dma_semaphore, #tpu.memory_space<semaphore_mem>>)
      } else {
      }
      %mul3A_439 = arith.constant 8 : i32
      %mul3A_440 = arith.muli %scan3A_207, %mul3A_439 : i32
      %add3A_441 = arith.constant 7 : i32
      %add3A_442 = arith.addi %mul3A_440, %add3A_441 : i32
      %dma_wait3A_443 = arith.constant 7 : i32
      %dma_wait3A_444 = arith.constant 0 : i32
      %dma_wait3A_445 = arith.constant 0 : i32
      %dma_wait3A_446 = tpu.memref_slice %arg8[%dma_wait3A_443, %dma_wait3A_444, %dma_wait3A_445] : memref<8x125x32xf32, #tpu.memory_space<vmem>> -> memref<1x125x32xf32, #tpu.memory_space<vmem>>
      %dma_wait3A_447 = tpu.memref_squeeze %dma_wait3A_446 : memref<1x125x32xf32, #tpu.memory_space<vmem>> -> memref<125x32xf32, #tpu.memory_space<vmem>>
      %dma_wait3A_448 = arith.constant 0 : i32
      %dma_wait3A_449 = tpu.memref_slice %arg6[%add3A_442, %dma_wait3A_448] : memref<80x125xi32, #tpu.memory_space<vmem>> -> memref<1x125xi32, #tpu.memory_space<vmem>>
      %dma_wait3A_450 = tpu.memref_squeeze %dma_wait3A_449 : memref<1x125xi32, #tpu.memory_space<vmem>> -> memref<125xi32, #tpu.memory_space<vmem>>
      %dma_wait3A_451 = arith.constant 0 : i32
      %dma_wait3A_452 = arith.constant 0 : i32
      %dma_wait3A_453 = tpu.memref_slice %arg2[%dma_wait3A_451, %dma_wait3A_452] : memref<10000x32xf32, #tpu.memory_space<hbm>> -> memref<10000x32xf32, #tpu.memory_space<hbm>>
      tpu.wait_indirect_dma semaphore(%arg17 : memref<!tpu.dma_semaphore, #tpu.memory_space<semaphore_mem>>) src(%dma_wait3A_453 : memref<10000x32xf32, #tpu.memory_space<hbm>>) dst(%dma_wait3A_447 : memref<125x32xf32, #tpu.memory_space<vmem>>)
      %dma_start3A_454 = arith.constant 7 : i32
      %dma_start3A_455 = arith.constant 0 : i32
      %dma_start3A_456 = arith.constant 0 : i32
      %dma_start3A_457 = tpu.memref_slice %arg8[%dma_start3A_454, %dma_start3A_455, %dma_start3A_456] : memref<8x125x32xf32, #tpu.memory_space<vmem>> -> memref<1x125x32xf32, #tpu.memory_space<vmem>>
      %dma_start3A_458 = tpu.memref_squeeze %dma_start3A_457 : memref<1x125x32xf32, #tpu.memory_space<vmem>> -> memref<125x32xf32, #tpu.memory_space<vmem>>
      %dma_start3A_459 = arith.constant 0 : i32
      %dma_start3A_460 = tpu.memref_slice %arg7[%add3A_442, %dma_start3A_459] : memref<80x125xi32, #tpu.memory_space<vmem>> -> memref<1x125xi32, #tpu.memory_space<vmem>>
      %dma_start3A_461 = tpu.memref_squeeze %dma_start3A_460 : memref<1x125xi32, #tpu.memory_space<vmem>> -> memref<125xi32, #tpu.memory_space<vmem>>
      %dma_start3A_462 = arith.constant 0 : i32
      %dma_start3A_463 = arith.constant 0 : i32
      %dma_start3A_464 = tpu.memref_slice %arg9[%dma_start3A_462, %dma_start3A_463] : memref<10000x32xf32, #tpu.memory_space<vmem_shared>> -> memref<10000x32xf32, #tpu.memory_space<vmem_shared>>
      tpu.enqueue_indirect_dma source(%dma_start3A_458 : memref<125x32xf32, #tpu.memory_space<vmem>>) target(%dma_start3A_464 : memref<10000x32xf32, #tpu.memory_space<vmem_shared>>) offsets(%dma_start3A_461 : memref<125xi32, #tpu.memory_space<vmem>>) semaphore(%arg25 : memref<!tpu.dma_semaphore, #tpu.memory_space<semaphore_mem>>) {add = true}
      %add3A_465 = arith.constant 7 : i32
      %add3A_466 = arith.addi %add3A_442, %add3A_465 : i32
      %lt3A_467 = arith.constant 80 : i32
      %lt3A_468 = arith.cmpi slt, %add3A_466, %lt3A_467 : i32
      %convert_element_type3A_469 = arith.extui %lt3A_468 : i1 to i32
      %cond3A_470 = arith.constant 0 : i32
      %cond3A_471 = arith.cmpi ne, %convert_element_type3A_469, %cond3A_470 : i32
      scf.if %cond3A_471 {
        %ge3A = arith.constant 1 : i32
        %ge3A_472 = arith.cmpi sge, %add3A_442, %ge3A : i32
        %convert_element_type3A_473 = arith.extui %ge3A_472 : i1 to i32
        %cond3A_474 = arith.constant 0 : i32
        %cond3A_475 = arith.cmpi ne, %convert_element_type3A_473, %cond3A_474 : i32
        scf.if %cond3A_475 {
          %dma_wait3A_487 = arith.constant 6 : i32
          %dma_wait3A_488 = arith.constant 0 : i32
          %dma_wait3A_489 = arith.constant 0 : i32
          %dma_wait3A_490 = arith.constant 0 : i32
          %dma_wait3A_491 = tpu.memref_slice %arg8[%dma_wait3A_487, %dma_wait3A_489, %dma_wait3A_490] : memref<8x125x32xf32, #tpu.memory_space<vmem>> -> memref<1x125x32xf32, #tpu.memory_space<vmem>>
          %dma_wait3A_492 = tpu.memref_squeeze %dma_wait3A_491 : memref<1x125x32xf32, #tpu.memory_space<vmem>> -> memref<125x32xf32, #tpu.memory_space<vmem>>
          %dma_wait3A_493 = arith.constant 0 : i32
          %dma_wait3A_494 = tpu.memref_slice %arg7[%dma_wait3A_488, %dma_wait3A_493] : memref<80x125xi32, #tpu.memory_space<vmem>> -> memref<1x125xi32, #tpu.memory_space<vmem>>
          %dma_wait3A_495 = tpu.memref_squeeze %dma_wait3A_494 : memref<1x125xi32, #tpu.memory_space<vmem>> -> memref<125xi32, #tpu.memory_space<vmem>>
          %dma_wait3A_496 = arith.constant 0 : i32
          %dma_wait3A_497 = arith.constant 0 : i32
          %dma_wait3A_498 = tpu.memref_slice %arg9[%dma_wait3A_496, %dma_wait3A_497] : memref<10000x32xf32, #tpu.memory_space<vmem_shared>> -> memref<10000x32xf32, #tpu.memory_space<vmem_shared>>
          tpu.wait_indirect_dma semaphore(%arg24 : memref<!tpu.dma_semaphore, #tpu.memory_space<semaphore_mem>>) src(%dma_wait3A_492 : memref<125x32xf32, #tpu.memory_space<vmem>>) dst(%dma_wait3A_498 : memref<10000x32xf32, #tpu.memory_space<vmem_shared>>)
        } else {
        }
        %dma_start3A_476 = arith.constant 6 : i32
        %dma_start3A_477 = arith.constant 0 : i32
        %dma_start3A_478 = arith.constant 0 : i32
        %dma_start3A_479 = tpu.memref_slice %arg8[%dma_start3A_476, %dma_start3A_477, %dma_start3A_478] : memref<8x125x32xf32, #tpu.memory_space<vmem>> -> memref<1x125x32xf32, #tpu.memory_space<vmem>>
        %dma_start3A_480 = tpu.memref_squeeze %dma_start3A_479 : memref<1x125x32xf32, #tpu.memory_space<vmem>> -> memref<125x32xf32, #tpu.memory_space<vmem>>
        %dma_start3A_481 = arith.constant 0 : i32
        %dma_start3A_482 = tpu.memref_slice %arg6[%add3A_466, %dma_start3A_481] : memref<80x125xi32, #tpu.memory_space<vmem>> -> memref<1x125xi32, #tpu.memory_space<vmem>>
        %dma_start3A_483 = tpu.memref_squeeze %dma_start3A_482 : memref<1x125xi32, #tpu.memory_space<vmem>> -> memref<125xi32, #tpu.memory_space<vmem>>
        %dma_start3A_484 = arith.constant 0 : i32
        %dma_start3A_485 = arith.constant 0 : i32
        %dma_start3A_486 = tpu.memref_slice %arg2[%dma_start3A_484, %dma_start3A_485] : memref<10000x32xf32, #tpu.memory_space<hbm>> -> memref<10000x32xf32, #tpu.memory_space<hbm>>
        tpu.enqueue_indirect_dma source(%dma_start3A_486 : memref<10000x32xf32, #tpu.memory_space<hbm>>) target(%dma_start3A_480 : memref<125x32xf32, #tpu.memory_space<vmem>>) offsets(%dma_start3A_483 : memref<125xi32, #tpu.memory_space<vmem>>) semaphore(%arg16 : memref<!tpu.dma_semaphore, #tpu.memory_space<semaphore_mem>>)
      } else {
      }
    }
    %scan3A_97 = arith.constant 10 : i32
    %dma_wait3A = arith.constant 0 : i32
    %dma_wait3A_98 = arith.constant 0 : i32
    %dma_wait3A_99 = arith.constant 0 : i32
    %dma_wait3A_100 = arith.constant 0 : i32
    %dma_wait3A_101 = tpu.memref_slice %arg8[%dma_wait3A, %dma_wait3A_99, %dma_wait3A_100] : memref<8x125x32xf32, #tpu.memory_space<vmem>> -> memref<1x125x32xf32, #tpu.memory_space<vmem>>
    %dma_wait3A_102 = tpu.memref_squeeze %dma_wait3A_101 : memref<1x125x32xf32, #tpu.memory_space<vmem>> -> memref<125x32xf32, #tpu.memory_space<vmem>>
    %dma_wait3A_103 = arith.constant 0 : i32
    %dma_wait3A_104 = tpu.memref_slice %arg7[%dma_wait3A_98, %dma_wait3A_103] : memref<80x125xi32, #tpu.memory_space<vmem>> -> memref<1x125xi32, #tpu.memory_space<vmem>>
    %dma_wait3A_105 = tpu.memref_squeeze %dma_wait3A_104 : memref<1x125xi32, #tpu.memory_space<vmem>> -> memref<125xi32, #tpu.memory_space<vmem>>
    %dma_wait3A_106 = arith.constant 0 : i32
    %dma_wait3A_107 = arith.constant 0 : i32
    %dma_wait3A_108 = tpu.memref_slice %arg9[%dma_wait3A_106, %dma_wait3A_107] : memref<10000x32xf32, #tpu.memory_space<vmem_shared>> -> memref<10000x32xf32, #tpu.memory_space<vmem_shared>>
    tpu.wait_indirect_dma semaphore(%arg18 : memref<!tpu.dma_semaphore, #tpu.memory_space<semaphore_mem>>) src(%dma_wait3A_102 : memref<125x32xf32, #tpu.memory_space<vmem>>) dst(%dma_wait3A_108 : memref<10000x32xf32, #tpu.memory_space<vmem_shared>>)
    %dma_wait3A_109 = arith.constant 1 : i32
    %dma_wait3A_110 = arith.constant 0 : i32
    %dma_wait3A_111 = arith.constant 0 : i32
    %dma_wait3A_112 = arith.constant 0 : i32
    %dma_wait3A_113 = tpu.memref_slice %arg8[%dma_wait3A_109, %dma_wait3A_111, %dma_wait3A_112] : memref<8x125x32xf32, #tpu.memory_space<vmem>> -> memref<1x125x32xf32, #tpu.memory_space<vmem>>
    %dma_wait3A_114 = tpu.memref_squeeze %dma_wait3A_113 : memref<1x125x32xf32, #tpu.memory_space<vmem>> -> memref<125x32xf32, #tpu.memory_space<vmem>>
    %dma_wait3A_115 = arith.constant 0 : i32
    %dma_wait3A_116 = tpu.memref_slice %arg7[%dma_wait3A_110, %dma_wait3A_115] : memref<80x125xi32, #tpu.memory_space<vmem>> -> memref<1x125xi32, #tpu.memory_space<vmem>>
    %dma_wait3A_117 = tpu.memref_squeeze %dma_wait3A_116 : memref<1x125xi32, #tpu.memory_space<vmem>> -> memref<125xi32, #tpu.memory_space<vmem>>
    %dma_wait3A_118 = arith.constant 0 : i32
    %dma_wait3A_119 = arith.constant 0 : i32
    %dma_wait3A_120 = tpu.memref_slice %arg9[%dma_wait3A_118, %dma_wait3A_119] : memref<10000x32xf32, #tpu.memory_space<vmem_shared>> -> memref<10000x32xf32, #tpu.memory_space<vmem_shared>>
    tpu.wait_indirect_dma semaphore(%arg19 : memref<!tpu.dma_semaphore, #tpu.memory_space<semaphore_mem>>) src(%dma_wait3A_114 : memref<125x32xf32, #tpu.memory_space<vmem>>) dst(%dma_wait3A_120 : memref<10000x32xf32, #tpu.memory_space<vmem_shared>>)
    %dma_wait3A_121 = arith.constant 2 : i32
    %dma_wait3A_122 = arith.constant 0 : i32
    %dma_wait3A_123 = arith.constant 0 : i32
    %dma_wait3A_124 = arith.constant 0 : i32
    %dma_wait3A_125 = tpu.memref_slice %arg8[%dma_wait3A_121, %dma_wait3A_123, %dma_wait3A_124] : memref<8x125x32xf32, #tpu.memory_space<vmem>> -> memref<1x125x32xf32, #tpu.memory_space<vmem>>
    %dma_wait3A_126 = tpu.memref_squeeze %dma_wait3A_125 : memref<1x125x32xf32, #tpu.memory_space<vmem>> -> memref<125x32xf32, #tpu.memory_space<vmem>>
    %dma_wait3A_127 = arith.constant 0 : i32
    %dma_wait3A_128 = tpu.memref_slice %arg7[%dma_wait3A_122, %dma_wait3A_127] : memref<80x125xi32, #tpu.memory_space<vmem>> -> memref<1x125xi32, #tpu.memory_space<vmem>>
    %dma_wait3A_129 = tpu.memref_squeeze %dma_wait3A_128 : memref<1x125xi32, #tpu.memory_space<vmem>> -> memref<125xi32, #tpu.memory_space<vmem>>
    %dma_wait3A_130 = arith.constant 0 : i32
    %dma_wait3A_131 = arith.constant 0 : i32
    %dma_wait3A_132 = tpu.memref_slice %arg9[%dma_wait3A_130, %dma_wait3A_131] : memref<10000x32xf32, #tpu.memory_space<vmem_shared>> -> memref<10000x32xf32, #tpu.memory_space<vmem_shared>>
    tpu.wait_indirect_dma semaphore(%arg20 : memref<!tpu.dma_semaphore, #tpu.memory_space<semaphore_mem>>) src(%dma_wait3A_126 : memref<125x32xf32, #tpu.memory_space<vmem>>) dst(%dma_wait3A_132 : memref<10000x32xf32, #tpu.memory_space<vmem_shared>>)
    %dma_wait3A_133 = arith.constant 3 : i32
    %dma_wait3A_134 = arith.constant 0 : i32
    %dma_wait3A_135 = arith.constant 0 : i32
    %dma_wait3A_136 = arith.constant 0 : i32
    %dma_wait3A_137 = tpu.memref_slice %arg8[%dma_wait3A_133, %dma_wait3A_135, %dma_wait3A_136] : memref<8x125x32xf32, #tpu.memory_space<vmem>> -> memref<1x125x32xf32, #tpu.memory_space<vmem>>
    %dma_wait3A_138 = tpu.memref_squeeze %dma_wait3A_137 : memref<1x125x32xf32, #tpu.memory_space<vmem>> -> memref<125x32xf32, #tpu.memory_space<vmem>>
    %dma_wait3A_139 = arith.constant 0 : i32
    %dma_wait3A_140 = tpu.memref_slice %arg7[%dma_wait3A_134, %dma_wait3A_139] : memref<80x125xi32, #tpu.memory_space<vmem>> -> memref<1x125xi32, #tpu.memory_space<vmem>>
    %dma_wait3A_141 = tpu.memref_squeeze %dma_wait3A_140 : memref<1x125xi32, #tpu.memory_space<vmem>> -> memref<125xi32, #tpu.memory_space<vmem>>
    %dma_wait3A_142 = arith.constant 0 : i32
    %dma_wait3A_143 = arith.constant 0 : i32
    %dma_wait3A_144 = tpu.memref_slice %arg9[%dma_wait3A_142, %dma_wait3A_143] : memref<10000x32xf32, #tpu.memory_space<vmem_shared>> -> memref<10000x32xf32, #tpu.memory_space<vmem_shared>>
    tpu.wait_indirect_dma semaphore(%arg21 : memref<!tpu.dma_semaphore, #tpu.memory_space<semaphore_mem>>) src(%dma_wait3A_138 : memref<125x32xf32, #tpu.memory_space<vmem>>) dst(%dma_wait3A_144 : memref<10000x32xf32, #tpu.memory_space<vmem_shared>>)
    %dma_wait3A_145 = arith.constant 4 : i32
    %dma_wait3A_146 = arith.constant 0 : i32
    %dma_wait3A_147 = arith.constant 0 : i32
    %dma_wait3A_148 = arith.constant 0 : i32
    %dma_wait3A_149 = tpu.memref_slice %arg8[%dma_wait3A_145, %dma_wait3A_147, %dma_wait3A_148] : memref<8x125x32xf32, #tpu.memory_space<vmem>> -> memref<1x125x32xf32, #tpu.memory_space<vmem>>
    %dma_wait3A_150 = tpu.memref_squeeze %dma_wait3A_149 : memref<1x125x32xf32, #tpu.memory_space<vmem>> -> memref<125x32xf32, #tpu.memory_space<vmem>>
    %dma_wait3A_151 = arith.constant 0 : i32
    %dma_wait3A_152 = tpu.memref_slice %arg7[%dma_wait3A_146, %dma_wait3A_151] : memref<80x125xi32, #tpu.memory_space<vmem>> -> memref<1x125xi32, #tpu.memory_space<vmem>>
    %dma_wait3A_153 = tpu.memref_squeeze %dma_wait3A_152 : memref<1x125xi32, #tpu.memory_space<vmem>> -> memref<125xi32, #tpu.memory_space<vmem>>
    %dma_wait3A_154 = arith.constant 0 : i32
    %dma_wait3A_155 = arith.constant 0 : i32
    %dma_wait3A_156 = tpu.memref_slice %arg9[%dma_wait3A_154, %dma_wait3A_155] : memref<10000x32xf32, #tpu.memory_space<vmem_shared>> -> memref<10000x32xf32, #tpu.memory_space<vmem_shared>>
    tpu.wait_indirect_dma semaphore(%arg22 : memref<!tpu.dma_semaphore, #tpu.memory_space<semaphore_mem>>) src(%dma_wait3A_150 : memref<125x32xf32, #tpu.memory_space<vmem>>) dst(%dma_wait3A_156 : memref<10000x32xf32, #tpu.memory_space<vmem_shared>>)
    %dma_wait3A_157 = arith.constant 5 : i32
    %dma_wait3A_158 = arith.constant 0 : i32
    %dma_wait3A_159 = arith.constant 0 : i32
    %dma_wait3A_160 = arith.constant 0 : i32
    %dma_wait3A_161 = tpu.memref_slice %arg8[%dma_wait3A_157, %dma_wait3A_159, %dma_wait3A_160] : memref<8x125x32xf32, #tpu.memory_space<vmem>> -> memref<1x125x32xf32, #tpu.memory_space<vmem>>
    %dma_wait3A_162 = tpu.memref_squeeze %dma_wait3A_161 : memref<1x125x32xf32, #tpu.memory_space<vmem>> -> memref<125x32xf32, #tpu.memory_space<vmem>>
    %dma_wait3A_163 = arith.constant 0 : i32
    %dma_wait3A_164 = tpu.memref_slice %arg7[%dma_wait3A_158, %dma_wait3A_163] : memref<80x125xi32, #tpu.memory_space<vmem>> -> memref<1x125xi32, #tpu.memory_space<vmem>>
    %dma_wait3A_165 = tpu.memref_squeeze %dma_wait3A_164 : memref<1x125xi32, #tpu.memory_space<vmem>> -> memref<125xi32, #tpu.memory_space<vmem>>
    %dma_wait3A_166 = arith.constant 0 : i32
    %dma_wait3A_167 = arith.constant 0 : i32
    %dma_wait3A_168 = tpu.memref_slice %arg9[%dma_wait3A_166, %dma_wait3A_167] : memref<10000x32xf32, #tpu.memory_space<vmem_shared>> -> memref<10000x32xf32, #tpu.memory_space<vmem_shared>>
    tpu.wait_indirect_dma semaphore(%arg23 : memref<!tpu.dma_semaphore, #tpu.memory_space<semaphore_mem>>) src(%dma_wait3A_162 : memref<125x32xf32, #tpu.memory_space<vmem>>) dst(%dma_wait3A_168 : memref<10000x32xf32, #tpu.memory_space<vmem_shared>>)
    %dma_wait3A_169 = arith.constant 6 : i32
    %dma_wait3A_170 = arith.constant 0 : i32
    %dma_wait3A_171 = arith.constant 0 : i32
    %dma_wait3A_172 = arith.constant 0 : i32
    %dma_wait3A_173 = tpu.memref_slice %arg8[%dma_wait3A_169, %dma_wait3A_171, %dma_wait3A_172] : memref<8x125x32xf32, #tpu.memory_space<vmem>> -> memref<1x125x32xf32, #tpu.memory_space<vmem>>
    %dma_wait3A_174 = tpu.memref_squeeze %dma_wait3A_173 : memref<1x125x32xf32, #tpu.memory_space<vmem>> -> memref<125x32xf32, #tpu.memory_space<vmem>>
    %dma_wait3A_175 = arith.constant 0 : i32
    %dma_wait3A_176 = tpu.memref_slice %arg7[%dma_wait3A_170, %dma_wait3A_175] : memref<80x125xi32, #tpu.memory_space<vmem>> -> memref<1x125xi32, #tpu.memory_space<vmem>>
    %dma_wait3A_177 = tpu.memref_squeeze %dma_wait3A_176 : memref<1x125xi32, #tpu.memory_space<vmem>> -> memref<125xi32, #tpu.memory_space<vmem>>
    %dma_wait3A_178 = arith.constant 0 : i32
    %dma_wait3A_179 = arith.constant 0 : i32
    %dma_wait3A_180 = tpu.memref_slice %arg9[%dma_wait3A_178, %dma_wait3A_179] : memref<10000x32xf32, #tpu.memory_space<vmem_shared>> -> memref<10000x32xf32, #tpu.memory_space<vmem_shared>>
    tpu.wait_indirect_dma semaphore(%arg24 : memref<!tpu.dma_semaphore, #tpu.memory_space<semaphore_mem>>) src(%dma_wait3A_174 : memref<125x32xf32, #tpu.memory_space<vmem>>) dst(%dma_wait3A_180 : memref<10000x32xf32, #tpu.memory_space<vmem_shared>>)
    %dma_wait3A_181 = arith.constant 7 : i32
    %dma_wait3A_182 = arith.constant 0 : i32
    %dma_wait3A_183 = arith.constant 0 : i32
    %dma_wait3A_184 = arith.constant 0 : i32
    %dma_wait3A_185 = tpu.memref_slice %arg8[%dma_wait3A_181, %dma_wait3A_183, %dma_wait3A_184] : memref<8x125x32xf32, #tpu.memory_space<vmem>> -> memref<1x125x32xf32, #tpu.memory_space<vmem>>
    %dma_wait3A_186 = tpu.memref_squeeze %dma_wait3A_185 : memref<1x125x32xf32, #tpu.memory_space<vmem>> -> memref<125x32xf32, #tpu.memory_space<vmem>>
    %dma_wait3A_187 = arith.constant 0 : i32
    %dma_wait3A_188 = tpu.memref_slice %arg7[%dma_wait3A_182, %dma_wait3A_187] : memref<80x125xi32, #tpu.memory_space<vmem>> -> memref<1x125xi32, #tpu.memory_space<vmem>>
    %dma_wait3A_189 = tpu.memref_squeeze %dma_wait3A_188 : memref<1x125xi32, #tpu.memory_space<vmem>> -> memref<125xi32, #tpu.memory_space<vmem>>
    %dma_wait3A_190 = arith.constant 0 : i32
    %dma_wait3A_191 = arith.constant 0 : i32
    %dma_wait3A_192 = tpu.memref_slice %arg9[%dma_wait3A_190, %dma_wait3A_191] : memref<10000x32xf32, #tpu.memory_space<vmem_shared>> -> memref<10000x32xf32, #tpu.memory_space<vmem_shared>>
    tpu.wait_indirect_dma semaphore(%arg25 : memref<!tpu.dma_semaphore, #tpu.memory_space<semaphore_mem>>) src(%dma_wait3A_186 : memref<125x32xf32, #tpu.memory_space<vmem>>) dst(%dma_wait3A_192 : memref<10000x32xf32, #tpu.memory_space<vmem_shared>>)
    %barrier3A_193 = arith.constant 0 : index
    tpu.barrier barrier_id(%barrier3A_193)
    %mul3A_194 = arith.constant 624 : i32
    %mul3A_195 = arith.muli %arg1, %mul3A_194 : i32
    %multiple_of3A_196 = tpu.assume_multiple %mul3A_195, 8 : i32
    %lt3A_197 = arith.constant 15 : i32
    %lt3A_198 = arith.cmpi slt, %arg1, %lt3A_197 : i32
    %convert_element_type3A_199 = arith.extui %lt3A_198 : i1 to i32
    %cond3A_200 = arith.constant 0 : i32
    %cond3A_201 = arith.cmpi ne, %convert_element_type3A_199, %cond3A_200 : i32
    scf.if %cond3A_201 {
      "tpu.region"() ({
        %run_scoped3A_207 = tpu.sem_alloc : memref<!tpu.dma_semaphore, #tpu.memory_space<semaphore_mem>>
        %dma_start3A_208 = arith.constant 0 : i32
        %dma_start3A_209 = tpu.memref_slice %arg5[%arg0, %multiple_of3A_196, %dma_start3A_208] : memref<2x10000x32xf32, #tpu.memory_space<hbm>> -> memref<1x624x32xf32, #tpu.memory_space<hbm>>
        %dma_start3A_210 = tpu.memref_squeeze %dma_start3A_209 : memref<1x624x32xf32, #tpu.memory_space<hbm>> -> memref<624x32xf32, #tpu.memory_space<hbm>>
        %dma_start3A_211 = arith.constant 0 : i32
        %dma_start3A_212 = tpu.memref_slice %arg9[%multiple_of3A_196, %dma_start3A_211] : memref<10000x32xf32, #tpu.memory_space<vmem_shared>> -> memref<624x32xf32, #tpu.memory_space<vmem_shared>>
        tpu.enqueue_dma source(%dma_start3A_212 : memref<624x32xf32, #tpu.memory_space<vmem_shared>>) target(%dma_start3A_210 : memref<624x32xf32, #tpu.memory_space<hbm>>) target_semaphore(%run_scoped3A_207 : memref<!tpu.dma_semaphore, #tpu.memory_space<semaphore_mem>>)
        %dma_wait3A_213 = arith.constant 0 : i32
        %dma_wait3A_214 = tpu.memref_slice %arg5[%arg0, %multiple_of3A_196, %dma_wait3A_213] : memref<2x10000x32xf32, #tpu.memory_space<hbm>> -> memref<1x624x32xf32, #tpu.memory_space<hbm>>
        %dma_wait3A_215 = tpu.memref_squeeze %dma_wait3A_214 : memref<1x624x32xf32, #tpu.memory_space<hbm>> -> memref<624x32xf32, #tpu.memory_space<hbm>>
        %dma_wait3A_216 = arith.constant 0 : i32
        %dma_wait3A_217 = tpu.memref_slice %arg9[%multiple_of3A_196, %dma_wait3A_216] : memref<10000x32xf32, #tpu.memory_space<vmem_shared>> -> memref<624x32xf32, #tpu.memory_space<vmem_shared>>
        tpu.wait_dma2 semaphore(%run_scoped3A_207 : memref<!tpu.dma_semaphore, #tpu.memory_space<semaphore_mem>>) src(%dma_wait3A_217 : memref<624x32xf32, #tpu.memory_space<vmem_shared>>) dst(%dma_wait3A_215 : memref<624x32xf32, #tpu.memory_space<hbm>>)
        tpu.yield
      }) : () -> ()
    } else {
    }
    %eq3A_202 = arith.constant 15 : i32
    %eq3A_203 = arith.cmpi eq, %arg1, %eq3A_202 : i32
    %convert_element_type3A_204 = arith.extui %eq3A_203 : i1 to i32
    %cond3A_205 = arith.constant 0 : i32
    %cond3A_206 = arith.cmpi ne, %convert_element_type3A_204, %cond3A_205 : i32
    scf.if %cond3A_206 {
      "tpu.region"() ({
        %run_scoped3A_207 = tpu.sem_alloc : memref<!tpu.dma_semaphore, #tpu.memory_space<semaphore_mem>>
        %dma_start3A_208 = arith.constant 9360 : i32
        %dma_start3A_209 = arith.constant 0 : i32
        %dma_start3A_210 = tpu.memref_slice %arg5[%arg0, %dma_start3A_208, %dma_start3A_209] : memref<2x10000x32xf32, #tpu.memory_space<hbm>> -> memref<1x640x32xf32, #tpu.memory_space<hbm>>
        %dma_start3A_211 = tpu.memref_squeeze %dma_start3A_210 : memref<1x640x32xf32, #tpu.memory_space<hbm>> -> memref<640x32xf32, #tpu.memory_space<hbm>>
        %dma_start3A_212 = arith.constant 9360 : i32
        %dma_start3A_213 = arith.constant 0 : i32
        %dma_start3A_214 = tpu.memref_slice %arg9[%dma_start3A_212, %dma_start3A_213] : memref<10000x32xf32, #tpu.memory_space<vmem_shared>> -> memref<640x32xf32, #tpu.memory_space<vmem_shared>>
        tpu.enqueue_dma source(%dma_start3A_214 : memref<640x32xf32, #tpu.memory_space<vmem_shared>>) target(%dma_start3A_211 : memref<640x32xf32, #tpu.memory_space<hbm>>) target_semaphore(%run_scoped3A_207 : memref<!tpu.dma_semaphore, #tpu.memory_space<semaphore_mem>>)
        %dma_wait3A_215 = arith.constant 9360 : i32
        %dma_wait3A_216 = arith.constant 0 : i32
        %dma_wait3A_217 = tpu.memref_slice %arg5[%arg0, %dma_wait3A_215, %dma_wait3A_216] : memref<2x10000x32xf32, #tpu.memory_space<hbm>> -> memref<1x640x32xf32, #tpu.memory_space<hbm>>
        %dma_wait3A_218 = tpu.memref_squeeze %dma_wait3A_217 : memref<1x640x32xf32, #tpu.memory_space<hbm>> -> memref<640x32xf32, #tpu.memory_space<hbm>>
        %dma_wait3A_219 = arith.constant 9360 : i32
        %dma_wait3A_220 = arith.constant 0 : i32
        %dma_wait3A_221 = tpu.memref_slice %arg9[%dma_wait3A_219, %dma_wait3A_220] : memref<10000x32xf32, #tpu.memory_space<vmem_shared>> -> memref<640x32xf32, #tpu.memory_space<vmem_shared>>
        tpu.wait_dma2 semaphore(%run_scoped3A_207 : memref<!tpu.dma_semaphore, #tpu.memory_space<semaphore_mem>>) src(%dma_wait3A_221 : memref<640x32xf32, #tpu.memory_space<vmem_shared>>) dst(%dma_wait3A_218 : memref<640x32xf32, #tpu.memory_space<hbm>>)
        tpu.yield
      }) : () -> ()
    } else {
    }
    return
  }
}

#map = affine_map<(d0, d1) -> (0, 0, 0, 0)>
#map1 = affine_map<(d0, d1) -> (0, 0)>
#map2 = affine_map<(d0, d1) -> (0, 0, 0)>
module attributes {stable_mosaic.version = 14 : i64} {
  func.func @_deg_kernel(%arg0: i32, %arg1: i32, %arg2: memref<2x32x80x125xi32, #tpu.memory_space<hbm>>, %arg3: memref<125x16xf32, #tpu.memory_space<hbm>>, %arg4: memref<10000x16xf32, #tpu.memory_space<hbm>>, %arg5: memref<2x10000x16xf32, #tpu.memory_space<hbm>>, %arg6: memref<80x125xi32, #tpu.memory_space<vmem>>, %arg7: memref<125x16xf32, #tpu.memory_space<vmem>>, %arg8: memref<10000x16xf32, #tpu.memory_space<vmem_shared>>) attributes {dimension_semantics = [#tpu.dimension_semantics<core_parallel>, #tpu.dimension_semantics<subcore_parallel>], iteration_bounds = array<i64: 2, 16>, scalar_prefetch = 0 : i64, scratch_operands = 3 : i64, tpu.core_type = #tpu.core_type<sc_vector_subcore>, window_params = [{transform_indices = #map}, {transform_indices = #map1}, {transform_indices = #map1}, {transform_indices = #map2}]} {
    %mul3A = arith.constant 16 : i32
    %mul3A_0 = arith.muli %arg0, %mul3A : i32
    %add3A = arith.addi %mul3A_0, %arg1 : i32
    %mul3A_1 = arith.constant 624 : i32
    %mul3A_2 = arith.muli %arg1, %mul3A_1 : i32
    %multiple_of3A = tpu.assume_multiple %mul3A_2, 8 : i32
    %lt3A = arith.constant 15 : i32
    %lt3A_3 = arith.cmpi slt, %arg1, %lt3A : i32
    %convert_element_type3A = arith.extui %lt3A_3 : i1 to i32
    %cond3A = arith.constant 0 : i32
    %cond3A_4 = arith.cmpi ne, %convert_element_type3A, %cond3A : i32
    scf.if %cond3A_4 {
      "tpu.region"() ({
        %run_scoped3A_28 = tpu.sem_alloc : memref<!tpu.dma_semaphore, #tpu.memory_space<semaphore_mem>>
        %dma_start3A = arith.constant 0 : i32
        %dma_start3A_29 = tpu.memref_slice %arg8[%multiple_of3A, %dma_start3A] : memref<10000x16xf32, #tpu.memory_space<vmem_shared>> -> memref<624x16xf32, #tpu.memory_space<vmem_shared>>
        %dma_start3A_30 = arith.constant 0 : i32
        %dma_start3A_31 = tpu.memref_slice %arg4[%multiple_of3A, %dma_start3A_30] : memref<10000x16xf32, #tpu.memory_space<hbm>> -> memref<624x16xf32, #tpu.memory_space<hbm>>
        tpu.enqueue_dma source(%dma_start3A_31 : memref<624x16xf32, #tpu.memory_space<hbm>>) target(%dma_start3A_29 : memref<624x16xf32, #tpu.memory_space<vmem_shared>>) target_semaphore(%run_scoped3A_28 : memref<!tpu.dma_semaphore, #tpu.memory_space<semaphore_mem>>)
        %dma_wait3A = arith.constant 0 : i32
        %dma_wait3A_32 = tpu.memref_slice %arg8[%multiple_of3A, %dma_wait3A] : memref<10000x16xf32, #tpu.memory_space<vmem_shared>> -> memref<624x16xf32, #tpu.memory_space<vmem_shared>>
        %dma_wait3A_33 = arith.constant 0 : i32
        %dma_wait3A_34 = tpu.memref_slice %arg4[%multiple_of3A, %dma_wait3A_33] : memref<10000x16xf32, #tpu.memory_space<hbm>> -> memref<624x16xf32, #tpu.memory_space<hbm>>
        tpu.wait_dma2 semaphore(%run_scoped3A_28 : memref<!tpu.dma_semaphore, #tpu.memory_space<semaphore_mem>>) src(%dma_wait3A_34 : memref<624x16xf32, #tpu.memory_space<hbm>>) dst(%dma_wait3A_32 : memref<624x16xf32, #tpu.memory_space<vmem_shared>>)
        tpu.yield
      }) : () -> ()
    } else {
    }
    %eq3A = arith.constant 15 : i32
    %eq3A_5 = arith.cmpi eq, %arg1, %eq3A : i32
    %convert_element_type3A_6 = arith.extui %eq3A_5 : i1 to i32
    %cond3A_7 = arith.constant 0 : i32
    %cond3A_8 = arith.cmpi ne, %convert_element_type3A_6, %cond3A_7 : i32
    scf.if %cond3A_8 {
      "tpu.region"() ({
        %run_scoped3A_28 = tpu.sem_alloc : memref<!tpu.dma_semaphore, #tpu.memory_space<semaphore_mem>>
        %dma_start3A = arith.constant 9360 : i32
        %dma_start3A_29 = arith.constant 0 : i32
        %dma_start3A_30 = tpu.memref_slice %arg8[%dma_start3A, %dma_start3A_29] : memref<10000x16xf32, #tpu.memory_space<vmem_shared>> -> memref<640x16xf32, #tpu.memory_space<vmem_shared>>
        %dma_start3A_31 = arith.constant 9360 : i32
        %dma_start3A_32 = arith.constant 0 : i32
        %dma_start3A_33 = tpu.memref_slice %arg4[%dma_start3A_31, %dma_start3A_32] : memref<10000x16xf32, #tpu.memory_space<hbm>> -> memref<640x16xf32, #tpu.memory_space<hbm>>
        tpu.enqueue_dma source(%dma_start3A_33 : memref<640x16xf32, #tpu.memory_space<hbm>>) target(%dma_start3A_30 : memref<640x16xf32, #tpu.memory_space<vmem_shared>>) target_semaphore(%run_scoped3A_28 : memref<!tpu.dma_semaphore, #tpu.memory_space<semaphore_mem>>)
        %dma_wait3A = arith.constant 9360 : i32
        %dma_wait3A_34 = arith.constant 0 : i32
        %dma_wait3A_35 = tpu.memref_slice %arg8[%dma_wait3A, %dma_wait3A_34] : memref<10000x16xf32, #tpu.memory_space<vmem_shared>> -> memref<640x16xf32, #tpu.memory_space<vmem_shared>>
        %dma_wait3A_36 = arith.constant 9360 : i32
        %dma_wait3A_37 = arith.constant 0 : i32
        %dma_wait3A_38 = tpu.memref_slice %arg4[%dma_wait3A_36, %dma_wait3A_37] : memref<10000x16xf32, #tpu.memory_space<hbm>> -> memref<640x16xf32, #tpu.memory_space<hbm>>
        tpu.wait_dma2 semaphore(%run_scoped3A_28 : memref<!tpu.dma_semaphore, #tpu.memory_space<semaphore_mem>>) src(%dma_wait3A_38 : memref<640x16xf32, #tpu.memory_space<hbm>>) dst(%dma_wait3A_35 : memref<640x16xf32, #tpu.memory_space<vmem_shared>>)
        tpu.yield
      }) : () -> ()
    } else {
    }
    "tpu.region"() ({
      %run_scoped3A_28 = tpu.sem_alloc : memref<!tpu.dma_semaphore, #tpu.memory_space<semaphore_mem>>
      tpu.enqueue_dma source(%arg3 : memref<125x16xf32, #tpu.memory_space<hbm>>) target(%arg7 : memref<125x16xf32, #tpu.memory_space<vmem>>) target_semaphore(%run_scoped3A_28 : memref<!tpu.dma_semaphore, #tpu.memory_space<semaphore_mem>>)
      tpu.wait_dma2 semaphore(%run_scoped3A_28 : memref<!tpu.dma_semaphore, #tpu.memory_space<semaphore_mem>>) src(%arg3 : memref<125x16xf32, #tpu.memory_space<hbm>>) dst(%arg7 : memref<125x16xf32, #tpu.memory_space<vmem>>)
      tpu.yield
    }) : () -> ()
    %run_scoped3A = arith.constant 1 : i32
    "tpu.region"() ({
      %run_scoped3A_28 = tpu.sem_alloc : memref<!tpu.dma_semaphore, #tpu.memory_space<semaphore_mem>>
      %dma_start3A = arith.constant 0 : i32
      %dma_start3A_29 = arith.constant 0 : i32
      %dma_start3A_30 = tpu.memref_slice %arg2[%run_scoped3A, %add3A, %dma_start3A, %dma_start3A_29] : memref<2x32x80x125xi32, #tpu.memory_space<hbm>> -> memref<1x1x80x125xi32, #tpu.memory_space<hbm>>
      %dma_start3A_31 = tpu.memref_squeeze %dma_start3A_30 : memref<1x1x80x125xi32, #tpu.memory_space<hbm>> -> memref<80x125xi32, #tpu.memory_space<hbm>>
      %dma_start3A_32 = arith.constant 0 : i32
      %dma_start3A_33 = arith.constant 0 : i32
      %dma_start3A_34 = tpu.memref_slice %arg2[%run_scoped3A, %add3A, %dma_start3A_32, %dma_start3A_33] : memref<2x32x80x125xi32, #tpu.memory_space<hbm>> -> memref<1x1x80x125xi32, #tpu.memory_space<hbm>>
      %dma_start3A_35 = tpu.memref_squeeze %dma_start3A_34 : memref<1x1x80x125xi32, #tpu.memory_space<hbm>> -> memref<80x125xi32, #tpu.memory_space<hbm>>
      tpu.enqueue_dma source(%dma_start3A_35 : memref<80x125xi32, #tpu.memory_space<hbm>>) target(%arg6 : memref<80x125xi32, #tpu.memory_space<vmem>>) target_semaphore(%run_scoped3A_28 : memref<!tpu.dma_semaphore, #tpu.memory_space<semaphore_mem>>)
      %dma_wait3A = arith.constant 0 : i32
      %dma_wait3A_36 = arith.constant 0 : i32
      %dma_wait3A_37 = tpu.memref_slice %arg2[%run_scoped3A, %add3A, %dma_wait3A, %dma_wait3A_36] : memref<2x32x80x125xi32, #tpu.memory_space<hbm>> -> memref<1x1x80x125xi32, #tpu.memory_space<hbm>>
      %dma_wait3A_38 = tpu.memref_squeeze %dma_wait3A_37 : memref<1x1x80x125xi32, #tpu.memory_space<hbm>> -> memref<80x125xi32, #tpu.memory_space<hbm>>
      %dma_wait3A_39 = arith.constant 0 : i32
      %dma_wait3A_40 = arith.constant 0 : i32
      %dma_wait3A_41 = tpu.memref_slice %arg2[%run_scoped3A, %add3A, %dma_wait3A_39, %dma_wait3A_40] : memref<2x32x80x125xi32, #tpu.memory_space<hbm>> -> memref<1x1x80x125xi32, #tpu.memory_space<hbm>>
      %dma_wait3A_42 = tpu.memref_squeeze %dma_wait3A_41 : memref<1x1x80x125xi32, #tpu.memory_space<hbm>> -> memref<80x125xi32, #tpu.memory_space<hbm>>
      tpu.wait_dma2 semaphore(%run_scoped3A_28 : memref<!tpu.dma_semaphore, #tpu.memory_space<semaphore_mem>>) src(%dma_wait3A_42 : memref<80x125xi32, #tpu.memory_space<hbm>>) dst(%arg6 : memref<80x125xi32, #tpu.memory_space<vmem>>)
      tpu.yield
    }) : () -> ()
    %barrier3A = arith.constant 0 : index
    tpu.barrier barrier_id(%barrier3A)
    %scan3A = arith.constant 0 : i32
    %scan3A_9 = arith.constant 0 : i32
    %scan3A_10 = arith.constant 80 : i32
    %scan3A_11 = arith.addi %scan3A_9, %scan3A_10 : i32
    %scan3A_12 = arith.constant 1 : i32
    scf.for %scan3A_28 = %scan3A_9 to %scan3A_11 step %scan3A_12  : i32 {
      "tpu.region"() ({
        %run_scoped3A_29 = tpu.sem_alloc : memref<!tpu.dma_semaphore, #tpu.memory_space<semaphore_mem>>
        %dma_start3A = arith.constant 0 : i32
        %dma_start3A_30 = tpu.memref_slice %arg6[%scan3A_28, %dma_start3A] : memref<80x125xi32, #tpu.memory_space<vmem>> -> memref<1x125xi32, #tpu.memory_space<vmem>>
        %dma_start3A_31 = tpu.memref_squeeze %dma_start3A_30 : memref<1x125xi32, #tpu.memory_space<vmem>> -> memref<125xi32, #tpu.memory_space<vmem>>
        %dma_start3A_32 = arith.constant 0 : i32
        %dma_start3A_33 = arith.constant 0 : i32
        %dma_start3A_34 = tpu.memref_slice %arg8[%dma_start3A_32, %dma_start3A_33] : memref<10000x16xf32, #tpu.memory_space<vmem_shared>> -> memref<10000x16xf32, #tpu.memory_space<vmem_shared>>
        tpu.enqueue_indirect_dma source(%arg7 : memref<125x16xf32, #tpu.memory_space<vmem>>) target(%dma_start3A_34 : memref<10000x16xf32, #tpu.memory_space<vmem_shared>>) offsets(%dma_start3A_31 : memref<125xi32, #tpu.memory_space<vmem>>) semaphore(%run_scoped3A_29 : memref<!tpu.dma_semaphore, #tpu.memory_space<semaphore_mem>>) {add = true}
        %dma_wait3A = arith.constant 0 : i32
        %dma_wait3A_35 = tpu.memref_slice %arg6[%scan3A_28, %dma_wait3A] : memref<80x125xi32, #tpu.memory_space<vmem>> -> memref<1x125xi32, #tpu.memory_space<vmem>>
        %dma_wait3A_36 = tpu.memref_squeeze %dma_wait3A_35 : memref<1x125xi32, #tpu.memory_space<vmem>> -> memref<125xi32, #tpu.memory_space<vmem>>
        %dma_wait3A_37 = arith.constant 0 : i32
        %dma_wait3A_38 = arith.constant 0 : i32
        %dma_wait3A_39 = tpu.memref_slice %arg8[%dma_wait3A_37, %dma_wait3A_38] : memref<10000x16xf32, #tpu.memory_space<vmem_shared>> -> memref<10000x16xf32, #tpu.memory_space<vmem_shared>>
        tpu.wait_indirect_dma semaphore(%run_scoped3A_29 : memref<!tpu.dma_semaphore, #tpu.memory_space<semaphore_mem>>) src(%arg7 : memref<125x16xf32, #tpu.memory_space<vmem>>) dst(%dma_wait3A_39 : memref<10000x16xf32, #tpu.memory_space<vmem_shared>>)
        tpu.yield
      }) : () -> ()
    }
    %scan3A_13 = arith.constant 80 : i32
    %barrier3A_14 = arith.constant 0 : index
    tpu.barrier barrier_id(%barrier3A_14)
    %mul3A_15 = arith.constant 624 : i32
    %mul3A_16 = arith.muli %arg1, %mul3A_15 : i32
    %multiple_of3A_17 = tpu.assume_multiple %mul3A_16, 8 : i32
    %lt3A_18 = arith.constant 15 : i32
    %lt3A_19 = arith.cmpi slt, %arg1, %lt3A_18 : i32
    %convert_element_type3A_20 = arith.extui %lt3A_19 : i1 to i32
    %cond3A_21 = arith.constant 0 : i32
    %cond3A_22 = arith.cmpi ne, %convert_element_type3A_20, %cond3A_21 : i32
    scf.if %cond3A_22 {
      "tpu.region"() ({
        %run_scoped3A_28 = tpu.sem_alloc : memref<!tpu.dma_semaphore, #tpu.memory_space<semaphore_mem>>
        %dma_start3A = arith.constant 0 : i32
        %dma_start3A_29 = tpu.memref_slice %arg5[%arg0, %multiple_of3A_17, %dma_start3A] : memref<2x10000x16xf32, #tpu.memory_space<hbm>> -> memref<1x624x16xf32, #tpu.memory_space<hbm>>
        %dma_start3A_30 = tpu.memref_squeeze %dma_start3A_29 : memref<1x624x16xf32, #tpu.memory_space<hbm>> -> memref<624x16xf32, #tpu.memory_space<hbm>>
        %dma_start3A_31 = arith.constant 0 : i32
        %dma_start3A_32 = tpu.memref_slice %arg8[%multiple_of3A_17, %dma_start3A_31] : memref<10000x16xf32, #tpu.memory_space<vmem_shared>> -> memref<624x16xf32, #tpu.memory_space<vmem_shared>>
        tpu.enqueue_dma source(%dma_start3A_32 : memref<624x16xf32, #tpu.memory_space<vmem_shared>>) target(%dma_start3A_30 : memref<624x16xf32, #tpu.memory_space<hbm>>) target_semaphore(%run_scoped3A_28 : memref<!tpu.dma_semaphore, #tpu.memory_space<semaphore_mem>>)
        %dma_wait3A = arith.constant 0 : i32
        %dma_wait3A_33 = tpu.memref_slice %arg5[%arg0, %multiple_of3A_17, %dma_wait3A] : memref<2x10000x16xf32, #tpu.memory_space<hbm>> -> memref<1x624x16xf32, #tpu.memory_space<hbm>>
        %dma_wait3A_34 = tpu.memref_squeeze %dma_wait3A_33 : memref<1x624x16xf32, #tpu.memory_space<hbm>> -> memref<624x16xf32, #tpu.memory_space<hbm>>
        %dma_wait3A_35 = arith.constant 0 : i32
        %dma_wait3A_36 = tpu.memref_slice %arg8[%multiple_of3A_17, %dma_wait3A_35] : memref<10000x16xf32, #tpu.memory_space<vmem_shared>> -> memref<624x16xf32, #tpu.memory_space<vmem_shared>>
        tpu.wait_dma2 semaphore(%run_scoped3A_28 : memref<!tpu.dma_semaphore, #tpu.memory_space<semaphore_mem>>) src(%dma_wait3A_36 : memref<624x16xf32, #tpu.memory_space<vmem_shared>>) dst(%dma_wait3A_34 : memref<624x16xf32, #tpu.memory_space<hbm>>)
        tpu.yield
      }) : () -> ()
    } else {
    }
    %eq3A_23 = arith.constant 15 : i32
    %eq3A_24 = arith.cmpi eq, %arg1, %eq3A_23 : i32
    %convert_element_type3A_25 = arith.extui %eq3A_24 : i1 to i32
    %cond3A_26 = arith.constant 0 : i32
    %cond3A_27 = arith.cmpi ne, %convert_element_type3A_25, %cond3A_26 : i32
    scf.if %cond3A_27 {
      "tpu.region"() ({
        %run_scoped3A_28 = tpu.sem_alloc : memref<!tpu.dma_semaphore, #tpu.memory_space<semaphore_mem>>
        %dma_start3A = arith.constant 9360 : i32
        %dma_start3A_29 = arith.constant 0 : i32
        %dma_start3A_30 = tpu.memref_slice %arg5[%arg0, %dma_start3A, %dma_start3A_29] : memref<2x10000x16xf32, #tpu.memory_space<hbm>> -> memref<1x640x16xf32, #tpu.memory_space<hbm>>
        %dma_start3A_31 = tpu.memref_squeeze %dma_start3A_30 : memref<1x640x16xf32, #tpu.memory_space<hbm>> -> memref<640x16xf32, #tpu.memory_space<hbm>>
        %dma_start3A_32 = arith.constant 9360 : i32
        %dma_start3A_33 = arith.constant 0 : i32
        %dma_start3A_34 = tpu.memref_slice %arg8[%dma_start3A_32, %dma_start3A_33] : memref<10000x16xf32, #tpu.memory_space<vmem_shared>> -> memref<640x16xf32, #tpu.memory_space<vmem_shared>>
        tpu.enqueue_dma source(%dma_start3A_34 : memref<640x16xf32, #tpu.memory_space<vmem_shared>>) target(%dma_start3A_31 : memref<640x16xf32, #tpu.memory_space<hbm>>) target_semaphore(%run_scoped3A_28 : memref<!tpu.dma_semaphore, #tpu.memory_space<semaphore_mem>>)
        %dma_wait3A = arith.constant 9360 : i32
        %dma_wait3A_35 = arith.constant 0 : i32
        %dma_wait3A_36 = tpu.memref_slice %arg5[%arg0, %dma_wait3A, %dma_wait3A_35] : memref<2x10000x16xf32, #tpu.memory_space<hbm>> -> memref<1x640x16xf32, #tpu.memory_space<hbm>>
        %dma_wait3A_37 = tpu.memref_squeeze %dma_wait3A_36 : memref<1x640x16xf32, #tpu.memory_space<hbm>> -> memref<640x16xf32, #tpu.memory_space<hbm>>
        %dma_wait3A_38 = arith.constant 9360 : i32
        %dma_wait3A_39 = arith.constant 0 : i32
        %dma_wait3A_40 = tpu.memref_slice %arg8[%dma_wait3A_38, %dma_wait3A_39] : memref<10000x16xf32, #tpu.memory_space<vmem_shared>> -> memref<640x16xf32, #tpu.memory_space<vmem_shared>>
        tpu.wait_dma2 semaphore(%run_scoped3A_28 : memref<!tpu.dma_semaphore, #tpu.memory_space<semaphore_mem>>) src(%dma_wait3A_40 : memref<640x16xf32, #tpu.memory_space<vmem_shared>>) dst(%dma_wait3A_37 : memref<640x16xf32, #tpu.memory_space<hbm>>)
        tpu.yield
      }) : () -> ()
    } else {
    }
    return
  }
}

#map = affine_map<(d0, d1) -> (0, 0)>
#map1 = affine_map<(d0, d1) -> (0, 0, 0, 0)>
#map2 = affine_map<(d0, d1) -> (0, 0, 0)>
module attributes {stable_mosaic.version = 14 : i64} {
  func.func @agg(%arg0: i32, %arg1: i32, %arg2: memref<10000x64xf32, #tpu.memory_space<hbm>>, %arg3: memref<2x32x80x125xi32, #tpu.memory_space<hbm>>, %arg4: memref<10000x64xf32, #tpu.memory_space<hbm>>, %arg5: memref<2x10000x64xf32, #tpu.memory_space<hbm>>, %arg6: memref<80x125xi32, #tpu.memory_space<vmem>>, %arg7: memref<80x125xi32, #tpu.memory_space<vmem>>, %arg8: memref<8x125x64xf32, #tpu.memory_space<vmem>>, %arg9: memref<10000x64xf32, #tpu.memory_space<vmem_shared>>, %arg10: memref<!tpu.dma_semaphore, #tpu.memory_space<semaphore_mem>>, %arg11: memref<!tpu.dma_semaphore, #tpu.memory_space<semaphore_mem>>, %arg12: memref<!tpu.dma_semaphore, #tpu.memory_space<semaphore_mem>>, %arg13: memref<!tpu.dma_semaphore, #tpu.memory_space<semaphore_mem>>, %arg14: memref<!tpu.dma_semaphore, #tpu.memory_space<semaphore_mem>>, %arg15: memref<!tpu.dma_semaphore, #tpu.memory_space<semaphore_mem>>, %arg16: memref<!tpu.dma_semaphore, #tpu.memory_space<semaphore_mem>>, %arg17: memref<!tpu.dma_semaphore, #tpu.memory_space<semaphore_mem>>, %arg18: memref<!tpu.dma_semaphore, #tpu.memory_space<semaphore_mem>>, %arg19: memref<!tpu.dma_semaphore, #tpu.memory_space<semaphore_mem>>, %arg20: memref<!tpu.dma_semaphore, #tpu.memory_space<semaphore_mem>>, %arg21: memref<!tpu.dma_semaphore, #tpu.memory_space<semaphore_mem>>, %arg22: memref<!tpu.dma_semaphore, #tpu.memory_space<semaphore_mem>>, %arg23: memref<!tpu.dma_semaphore, #tpu.memory_space<semaphore_mem>>, %arg24: memref<!tpu.dma_semaphore, #tpu.memory_space<semaphore_mem>>, %arg25: memref<!tpu.dma_semaphore, #tpu.memory_space<semaphore_mem>>) attributes {dimension_semantics = [#tpu.dimension_semantics<core_parallel>, #tpu.dimension_semantics<subcore_parallel>], iteration_bounds = array<i64: 2, 16>, scalar_prefetch = 0 : i64, scratch_operands = 20 : i64, tpu.core_type = #tpu.core_type<sc_vector_subcore>, window_params = [{transform_indices = #map}, {transform_indices = #map1}, {transform_indices = #map}, {transform_indices = #map2}]} {
    %mul3A = arith.constant 16 : i32
    %mul3A_0 = arith.muli %arg0, %mul3A : i32
    %add3A = arith.addi %mul3A_0, %arg1 : i32
    %mul3A_1 = arith.constant 624 : i32
    %mul3A_2 = arith.muli %arg1, %mul3A_1 : i32
    %multiple_of3A = tpu.assume_multiple %mul3A_2, 8 : i32
    %lt3A = arith.constant 15 : i32
    %lt3A_3 = arith.cmpi slt, %arg1, %lt3A : i32
    %convert_element_type3A = arith.extui %lt3A_3 : i1 to i32
    %cond3A = arith.constant 0 : i32
    %cond3A_4 = arith.cmpi ne, %convert_element_type3A, %cond3A : i32
    scf.if %cond3A_4 {
      "tpu.region"() ({
        %run_scoped3A_207 = tpu.sem_alloc : memref<!tpu.dma_semaphore, #tpu.memory_space<semaphore_mem>>
        %dma_start3A_208 = arith.constant 0 : i32
        %dma_start3A_209 = tpu.memref_slice %arg9[%multiple_of3A, %dma_start3A_208] : memref<10000x64xf32, #tpu.memory_space<vmem_shared>> -> memref<624x64xf32, #tpu.memory_space<vmem_shared>>
        %dma_start3A_210 = arith.constant 0 : i32
        %dma_start3A_211 = tpu.memref_slice %arg4[%multiple_of3A, %dma_start3A_210] : memref<10000x64xf32, #tpu.memory_space<hbm>> -> memref<624x64xf32, #tpu.memory_space<hbm>>
        tpu.enqueue_dma source(%dma_start3A_211 : memref<624x64xf32, #tpu.memory_space<hbm>>) target(%dma_start3A_209 : memref<624x64xf32, #tpu.memory_space<vmem_shared>>) target_semaphore(%run_scoped3A_207 : memref<!tpu.dma_semaphore, #tpu.memory_space<semaphore_mem>>)
        %dma_wait3A_212 = arith.constant 0 : i32
        %dma_wait3A_213 = tpu.memref_slice %arg9[%multiple_of3A, %dma_wait3A_212] : memref<10000x64xf32, #tpu.memory_space<vmem_shared>> -> memref<624x64xf32, #tpu.memory_space<vmem_shared>>
        %dma_wait3A_214 = arith.constant 0 : i32
        %dma_wait3A_215 = tpu.memref_slice %arg4[%multiple_of3A, %dma_wait3A_214] : memref<10000x64xf32, #tpu.memory_space<hbm>> -> memref<624x64xf32, #tpu.memory_space<hbm>>
        tpu.wait_dma2 semaphore(%run_scoped3A_207 : memref<!tpu.dma_semaphore, #tpu.memory_space<semaphore_mem>>) src(%dma_wait3A_215 : memref<624x64xf32, #tpu.memory_space<hbm>>) dst(%dma_wait3A_213 : memref<624x64xf32, #tpu.memory_space<vmem_shared>>)
        tpu.yield
      }) : () -> ()
    } else {
    }
    %eq3A = arith.constant 15 : i32
    %eq3A_5 = arith.cmpi eq, %arg1, %eq3A : i32
    %convert_element_type3A_6 = arith.extui %eq3A_5 : i1 to i32
    %cond3A_7 = arith.constant 0 : i32
    %cond3A_8 = arith.cmpi ne, %convert_element_type3A_6, %cond3A_7 : i32
    scf.if %cond3A_8 {
      "tpu.region"() ({
        %run_scoped3A_207 = tpu.sem_alloc : memref<!tpu.dma_semaphore, #tpu.memory_space<semaphore_mem>>
        %dma_start3A_208 = arith.constant 9360 : i32
        %dma_start3A_209 = arith.constant 0 : i32
        %dma_start3A_210 = tpu.memref_slice %arg9[%dma_start3A_208, %dma_start3A_209] : memref<10000x64xf32, #tpu.memory_space<vmem_shared>> -> memref<640x64xf32, #tpu.memory_space<vmem_shared>>
        %dma_start3A_211 = arith.constant 9360 : i32
        %dma_start3A_212 = arith.constant 0 : i32
        %dma_start3A_213 = tpu.memref_slice %arg4[%dma_start3A_211, %dma_start3A_212] : memref<10000x64xf32, #tpu.memory_space<hbm>> -> memref<640x64xf32, #tpu.memory_space<hbm>>
        tpu.enqueue_dma source(%dma_start3A_213 : memref<640x64xf32, #tpu.memory_space<hbm>>) target(%dma_start3A_210 : memref<640x64xf32, #tpu.memory_space<vmem_shared>>) target_semaphore(%run_scoped3A_207 : memref<!tpu.dma_semaphore, #tpu.memory_space<semaphore_mem>>)
        %dma_wait3A_214 = arith.constant 9360 : i32
        %dma_wait3A_215 = arith.constant 0 : i32
        %dma_wait3A_216 = tpu.memref_slice %arg9[%dma_wait3A_214, %dma_wait3A_215] : memref<10000x64xf32, #tpu.memory_space<vmem_shared>> -> memref<640x64xf32, #tpu.memory_space<vmem_shared>>
        %dma_wait3A_217 = arith.constant 9360 : i32
        %dma_wait3A_218 = arith.constant 0 : i32
        %dma_wait3A_219 = tpu.memref_slice %arg4[%dma_wait3A_217, %dma_wait3A_218] : memref<10000x64xf32, #tpu.memory_space<hbm>> -> memref<640x64xf32, #tpu.memory_space<hbm>>
        tpu.wait_dma2 semaphore(%run_scoped3A_207 : memref<!tpu.dma_semaphore, #tpu.memory_space<semaphore_mem>>) src(%dma_wait3A_219 : memref<640x64xf32, #tpu.memory_space<hbm>>) dst(%dma_wait3A_216 : memref<640x64xf32, #tpu.memory_space<vmem_shared>>)
        tpu.yield
      }) : () -> ()
    } else {
    }
    %run_scoped3A = arith.constant 0 : i32
    "tpu.region"() ({
      %run_scoped3A_207 = tpu.sem_alloc : memref<!tpu.dma_semaphore, #tpu.memory_space<semaphore_mem>>
      %dma_start3A_208 = arith.constant 0 : i32
      %dma_start3A_209 = arith.constant 0 : i32
      %dma_start3A_210 = tpu.memref_slice %arg3[%run_scoped3A, %add3A, %dma_start3A_208, %dma_start3A_209] : memref<2x32x80x125xi32, #tpu.memory_space<hbm>> -> memref<1x1x80x125xi32, #tpu.memory_space<hbm>>
      %dma_start3A_211 = tpu.memref_squeeze %dma_start3A_210 : memref<1x1x80x125xi32, #tpu.memory_space<hbm>> -> memref<80x125xi32, #tpu.memory_space<hbm>>
      %dma_start3A_212 = arith.constant 0 : i32
      %dma_start3A_213 = arith.constant 0 : i32
      %dma_start3A_214 = tpu.memref_slice %arg3[%run_scoped3A, %add3A, %dma_start3A_212, %dma_start3A_213] : memref<2x32x80x125xi32, #tpu.memory_space<hbm>> -> memref<1x1x80x125xi32, #tpu.memory_space<hbm>>
      %dma_start3A_215 = tpu.memref_squeeze %dma_start3A_214 : memref<1x1x80x125xi32, #tpu.memory_space<hbm>> -> memref<80x125xi32, #tpu.memory_space<hbm>>
      tpu.enqueue_dma source(%dma_start3A_215 : memref<80x125xi32, #tpu.memory_space<hbm>>) target(%arg6 : memref<80x125xi32, #tpu.memory_space<vmem>>) target_semaphore(%run_scoped3A_207 : memref<!tpu.dma_semaphore, #tpu.memory_space<semaphore_mem>>)
      %dma_wait3A_216 = arith.constant 0 : i32
      %dma_wait3A_217 = arith.constant 0 : i32
      %dma_wait3A_218 = tpu.memref_slice %arg3[%run_scoped3A, %add3A, %dma_wait3A_216, %dma_wait3A_217] : memref<2x32x80x125xi32, #tpu.memory_space<hbm>> -> memref<1x1x80x125xi32, #tpu.memory_space<hbm>>
      %dma_wait3A_219 = tpu.memref_squeeze %dma_wait3A_218 : memref<1x1x80x125xi32, #tpu.memory_space<hbm>> -> memref<80x125xi32, #tpu.memory_space<hbm>>
      %dma_wait3A_220 = arith.constant 0 : i32
      %dma_wait3A_221 = arith.constant 0 : i32
      %dma_wait3A_222 = tpu.memref_slice %arg3[%run_scoped3A, %add3A, %dma_wait3A_220, %dma_wait3A_221] : memref<2x32x80x125xi32, #tpu.memory_space<hbm>> -> memref<1x1x80x125xi32, #tpu.memory_space<hbm>>
      %dma_wait3A_223 = tpu.memref_squeeze %dma_wait3A_222 : memref<1x1x80x125xi32, #tpu.memory_space<hbm>> -> memref<80x125xi32, #tpu.memory_space<hbm>>
      tpu.wait_dma2 semaphore(%run_scoped3A_207 : memref<!tpu.dma_semaphore, #tpu.memory_space<semaphore_mem>>) src(%dma_wait3A_223 : memref<80x125xi32, #tpu.memory_space<hbm>>) dst(%arg6 : memref<80x125xi32, #tpu.memory_space<vmem>>)
      tpu.yield
    }) : () -> ()
    %run_scoped3A_9 = arith.constant 1 : i32
    "tpu.region"() ({
      %run_scoped3A_207 = tpu.sem_alloc : memref<!tpu.dma_semaphore, #tpu.memory_space<semaphore_mem>>
      %dma_start3A_208 = arith.constant 0 : i32
      %dma_start3A_209 = arith.constant 0 : i32
      %dma_start3A_210 = tpu.memref_slice %arg3[%run_scoped3A_9, %add3A, %dma_start3A_208, %dma_start3A_209] : memref<2x32x80x125xi32, #tpu.memory_space<hbm>> -> memref<1x1x80x125xi32, #tpu.memory_space<hbm>>
      %dma_start3A_211 = tpu.memref_squeeze %dma_start3A_210 : memref<1x1x80x125xi32, #tpu.memory_space<hbm>> -> memref<80x125xi32, #tpu.memory_space<hbm>>
      %dma_start3A_212 = arith.constant 0 : i32
      %dma_start3A_213 = arith.constant 0 : i32
      %dma_start3A_214 = tpu.memref_slice %arg3[%run_scoped3A_9, %add3A, %dma_start3A_212, %dma_start3A_213] : memref<2x32x80x125xi32, #tpu.memory_space<hbm>> -> memref<1x1x80x125xi32, #tpu.memory_space<hbm>>
      %dma_start3A_215 = tpu.memref_squeeze %dma_start3A_214 : memref<1x1x80x125xi32, #tpu.memory_space<hbm>> -> memref<80x125xi32, #tpu.memory_space<hbm>>
      tpu.enqueue_dma source(%dma_start3A_215 : memref<80x125xi32, #tpu.memory_space<hbm>>) target(%arg7 : memref<80x125xi32, #tpu.memory_space<vmem>>) target_semaphore(%run_scoped3A_207 : memref<!tpu.dma_semaphore, #tpu.memory_space<semaphore_mem>>)
      %dma_wait3A_216 = arith.constant 0 : i32
      %dma_wait3A_217 = arith.constant 0 : i32
      %dma_wait3A_218 = tpu.memref_slice %arg3[%run_scoped3A_9, %add3A, %dma_wait3A_216, %dma_wait3A_217] : memref<2x32x80x125xi32, #tpu.memory_space<hbm>> -> memref<1x1x80x125xi32, #tpu.memory_space<hbm>>
      %dma_wait3A_219 = tpu.memref_squeeze %dma_wait3A_218 : memref<1x1x80x125xi32, #tpu.memory_space<hbm>> -> memref<80x125xi32, #tpu.memory_space<hbm>>
      %dma_wait3A_220 = arith.constant 0 : i32
      %dma_wait3A_221 = arith.constant 0 : i32
      %dma_wait3A_222 = tpu.memref_slice %arg3[%run_scoped3A_9, %add3A, %dma_wait3A_220, %dma_wait3A_221] : memref<2x32x80x125xi32, #tpu.memory_space<hbm>> -> memref<1x1x80x125xi32, #tpu.memory_space<hbm>>
      %dma_wait3A_223 = tpu.memref_squeeze %dma_wait3A_222 : memref<1x1x80x125xi32, #tpu.memory_space<hbm>> -> memref<80x125xi32, #tpu.memory_space<hbm>>
      tpu.wait_dma2 semaphore(%run_scoped3A_207 : memref<!tpu.dma_semaphore, #tpu.memory_space<semaphore_mem>>) src(%dma_wait3A_223 : memref<80x125xi32, #tpu.memory_space<hbm>>) dst(%arg7 : memref<80x125xi32, #tpu.memory_space<vmem>>)
      tpu.yield
    }) : () -> ()
    %barrier3A = arith.constant 0 : index
    tpu.barrier barrier_id(%barrier3A)
    %dma_start3A = arith.constant 0 : i32
    %dma_start3A_10 = arith.constant 0 : i32
    %dma_start3A_11 = arith.constant 0 : i32
    %dma_start3A_12 = arith.constant 0 : i32
    %dma_start3A_13 = tpu.memref_slice %arg8[%dma_start3A_10, %dma_start3A_11, %dma_start3A_12] : memref<8x125x64xf32, #tpu.memory_space<vmem>> -> memref<1x125x64xf32, #tpu.memory_space<vmem>>
    %dma_start3A_14 = tpu.memref_squeeze %dma_start3A_13 : memref<1x125x64xf32, #tpu.memory_space<vmem>> -> memref<125x64xf32, #tpu.memory_space<vmem>>
    %dma_start3A_15 = arith.constant 0 : i32
    %dma_start3A_16 = tpu.memref_slice %arg6[%dma_start3A, %dma_start3A_15] : memref<80x125xi32, #tpu.memory_space<vmem>> -> memref<1x125xi32, #tpu.memory_space<vmem>>
    %dma_start3A_17 = tpu.memref_squeeze %dma_start3A_16 : memref<1x125xi32, #tpu.memory_space<vmem>> -> memref<125xi32, #tpu.memory_space<vmem>>
    %dma_start3A_18 = arith.constant 0 : i32
    %dma_start3A_19 = arith.constant 0 : i32
    %dma_start3A_20 = tpu.memref_slice %arg2[%dma_start3A_18, %dma_start3A_19] : memref<10000x64xf32, #tpu.memory_space<hbm>> -> memref<10000x64xf32, #tpu.memory_space<hbm>>
    tpu.enqueue_indirect_dma source(%dma_start3A_20 : memref<10000x64xf32, #tpu.memory_space<hbm>>) target(%dma_start3A_14 : memref<125x64xf32, #tpu.memory_space<vmem>>) offsets(%dma_start3A_17 : memref<125xi32, #tpu.memory_space<vmem>>) semaphore(%arg10 : memref<!tpu.dma_semaphore, #tpu.memory_space<semaphore_mem>>)
    %dma_start3A_21 = arith.constant 1 : i32
    %dma_start3A_22 = arith.constant 1 : i32
    %dma_start3A_23 = arith.constant 0 : i32
    %dma_start3A_24 = arith.constant 0 : i32
    %dma_start3A_25 = tpu.memref_slice %arg8[%dma_start3A_22, %dma_start3A_23, %dma_start3A_24] : memref<8x125x64xf32, #tpu.memory_space<vmem>> -> memref<1x125x64xf32, #tpu.memory_space<vmem>>
    %dma_start3A_26 = tpu.memref_squeeze %dma_start3A_25 : memref<1x125x64xf32, #tpu.memory_space<vmem>> -> memref<125x64xf32, #tpu.memory_space<vmem>>
    %dma_start3A_27 = arith.constant 0 : i32
    %dma_start3A_28 = tpu.memref_slice %arg6[%dma_start3A_21, %dma_start3A_27] : memref<80x125xi32, #tpu.memory_space<vmem>> -> memref<1x125xi32, #tpu.memory_space<vmem>>
    %dma_start3A_29 = tpu.memref_squeeze %dma_start3A_28 : memref<1x125xi32, #tpu.memory_space<vmem>> -> memref<125xi32, #tpu.memory_space<vmem>>
    %dma_start3A_30 = arith.constant 0 : i32
    %dma_start3A_31 = arith.constant 0 : i32
    %dma_start3A_32 = tpu.memref_slice %arg2[%dma_start3A_30, %dma_start3A_31] : memref<10000x64xf32, #tpu.memory_space<hbm>> -> memref<10000x64xf32, #tpu.memory_space<hbm>>
    tpu.enqueue_indirect_dma source(%dma_start3A_32 : memref<10000x64xf32, #tpu.memory_space<hbm>>) target(%dma_start3A_26 : memref<125x64xf32, #tpu.memory_space<vmem>>) offsets(%dma_start3A_29 : memref<125xi32, #tpu.memory_space<vmem>>) semaphore(%arg11 : memref<!tpu.dma_semaphore, #tpu.memory_space<semaphore_mem>>)
    %dma_start3A_33 = arith.constant 2 : i32
    %dma_start3A_34 = arith.constant 2 : i32
    %dma_start3A_35 = arith.constant 0 : i32
    %dma_start3A_36 = arith.constant 0 : i32
    %dma_start3A_37 = tpu.memref_slice %arg8[%dma_start3A_34, %dma_start3A_35, %dma_start3A_36] : memref<8x125x64xf32, #tpu.memory_space<vmem>> -> memref<1x125x64xf32, #tpu.memory_space<vmem>>
    %dma_start3A_38 = tpu.memref_squeeze %dma_start3A_37 : memref<1x125x64xf32, #tpu.memory_space<vmem>> -> memref<125x64xf32, #tpu.memory_space<vmem>>
    %dma_start3A_39 = arith.constant 0 : i32
    %dma_start3A_40 = tpu.memref_slice %arg6[%dma_start3A_33, %dma_start3A_39] : memref<80x125xi32, #tpu.memory_space<vmem>> -> memref<1x125xi32, #tpu.memory_space<vmem>>
    %dma_start3A_41 = tpu.memref_squeeze %dma_start3A_40 : memref<1x125xi32, #tpu.memory_space<vmem>> -> memref<125xi32, #tpu.memory_space<vmem>>
    %dma_start3A_42 = arith.constant 0 : i32
    %dma_start3A_43 = arith.constant 0 : i32
    %dma_start3A_44 = tpu.memref_slice %arg2[%dma_start3A_42, %dma_start3A_43] : memref<10000x64xf32, #tpu.memory_space<hbm>> -> memref<10000x64xf32, #tpu.memory_space<hbm>>
    tpu.enqueue_indirect_dma source(%dma_start3A_44 : memref<10000x64xf32, #tpu.memory_space<hbm>>) target(%dma_start3A_38 : memref<125x64xf32, #tpu.memory_space<vmem>>) offsets(%dma_start3A_41 : memref<125xi32, #tpu.memory_space<vmem>>) semaphore(%arg12 : memref<!tpu.dma_semaphore, #tpu.memory_space<semaphore_mem>>)
    %dma_start3A_45 = arith.constant 3 : i32
    %dma_start3A_46 = arith.constant 3 : i32
    %dma_start3A_47 = arith.constant 0 : i32
    %dma_start3A_48 = arith.constant 0 : i32
    %dma_start3A_49 = tpu.memref_slice %arg8[%dma_start3A_46, %dma_start3A_47, %dma_start3A_48] : memref<8x125x64xf32, #tpu.memory_space<vmem>> -> memref<1x125x64xf32, #tpu.memory_space<vmem>>
    %dma_start3A_50 = tpu.memref_squeeze %dma_start3A_49 : memref<1x125x64xf32, #tpu.memory_space<vmem>> -> memref<125x64xf32, #tpu.memory_space<vmem>>
    %dma_start3A_51 = arith.constant 0 : i32
    %dma_start3A_52 = tpu.memref_slice %arg6[%dma_start3A_45, %dma_start3A_51] : memref<80x125xi32, #tpu.memory_space<vmem>> -> memref<1x125xi32, #tpu.memory_space<vmem>>
    %dma_start3A_53 = tpu.memref_squeeze %dma_start3A_52 : memref<1x125xi32, #tpu.memory_space<vmem>> -> memref<125xi32, #tpu.memory_space<vmem>>
    %dma_start3A_54 = arith.constant 0 : i32
    %dma_start3A_55 = arith.constant 0 : i32
    %dma_start3A_56 = tpu.memref_slice %arg2[%dma_start3A_54, %dma_start3A_55] : memref<10000x64xf32, #tpu.memory_space<hbm>> -> memref<10000x64xf32, #tpu.memory_space<hbm>>
    tpu.enqueue_indirect_dma source(%dma_start3A_56 : memref<10000x64xf32, #tpu.memory_space<hbm>>) target(%dma_start3A_50 : memref<125x64xf32, #tpu.memory_space<vmem>>) offsets(%dma_start3A_53 : memref<125xi32, #tpu.memory_space<vmem>>) semaphore(%arg13 : memref<!tpu.dma_semaphore, #tpu.memory_space<semaphore_mem>>)
    %dma_start3A_57 = arith.constant 4 : i32
    %dma_start3A_58 = arith.constant 4 : i32
    %dma_start3A_59 = arith.constant 0 : i32
    %dma_start3A_60 = arith.constant 0 : i32
    %dma_start3A_61 = tpu.memref_slice %arg8[%dma_start3A_58, %dma_start3A_59, %dma_start3A_60] : memref<8x125x64xf32, #tpu.memory_space<vmem>> -> memref<1x125x64xf32, #tpu.memory_space<vmem>>
    %dma_start3A_62 = tpu.memref_squeeze %dma_start3A_61 : memref<1x125x64xf32, #tpu.memory_space<vmem>> -> memref<125x64xf32, #tpu.memory_space<vmem>>
    %dma_start3A_63 = arith.constant 0 : i32
    %dma_start3A_64 = tpu.memref_slice %arg6[%dma_start3A_57, %dma_start3A_63] : memref<80x125xi32, #tpu.memory_space<vmem>> -> memref<1x125xi32, #tpu.memory_space<vmem>>
    %dma_start3A_65 = tpu.memref_squeeze %dma_start3A_64 : memref<1x125xi32, #tpu.memory_space<vmem>> -> memref<125xi32, #tpu.memory_space<vmem>>
    %dma_start3A_66 = arith.constant 0 : i32
    %dma_start3A_67 = arith.constant 0 : i32
    %dma_start3A_68 = tpu.memref_slice %arg2[%dma_start3A_66, %dma_start3A_67] : memref<10000x64xf32, #tpu.memory_space<hbm>> -> memref<10000x64xf32, #tpu.memory_space<hbm>>
    tpu.enqueue_indirect_dma source(%dma_start3A_68 : memref<10000x64xf32, #tpu.memory_space<hbm>>) target(%dma_start3A_62 : memref<125x64xf32, #tpu.memory_space<vmem>>) offsets(%dma_start3A_65 : memref<125xi32, #tpu.memory_space<vmem>>) semaphore(%arg14 : memref<!tpu.dma_semaphore, #tpu.memory_space<semaphore_mem>>)
    %dma_start3A_69 = arith.constant 5 : i32
    %dma_start3A_70 = arith.constant 5 : i32
    %dma_start3A_71 = arith.constant 0 : i32
    %dma_start3A_72 = arith.constant 0 : i32
    %dma_start3A_73 = tpu.memref_slice %arg8[%dma_start3A_70, %dma_start3A_71, %dma_start3A_72] : memref<8x125x64xf32, #tpu.memory_space<vmem>> -> memref<1x125x64xf32, #tpu.memory_space<vmem>>
    %dma_start3A_74 = tpu.memref_squeeze %dma_start3A_73 : memref<1x125x64xf32, #tpu.memory_space<vmem>> -> memref<125x64xf32, #tpu.memory_space<vmem>>
    %dma_start3A_75 = arith.constant 0 : i32
    %dma_start3A_76 = tpu.memref_slice %arg6[%dma_start3A_69, %dma_start3A_75] : memref<80x125xi32, #tpu.memory_space<vmem>> -> memref<1x125xi32, #tpu.memory_space<vmem>>
    %dma_start3A_77 = tpu.memref_squeeze %dma_start3A_76 : memref<1x125xi32, #tpu.memory_space<vmem>> -> memref<125xi32, #tpu.memory_space<vmem>>
    %dma_start3A_78 = arith.constant 0 : i32
    %dma_start3A_79 = arith.constant 0 : i32
    %dma_start3A_80 = tpu.memref_slice %arg2[%dma_start3A_78, %dma_start3A_79] : memref<10000x64xf32, #tpu.memory_space<hbm>> -> memref<10000x64xf32, #tpu.memory_space<hbm>>
    tpu.enqueue_indirect_dma source(%dma_start3A_80 : memref<10000x64xf32, #tpu.memory_space<hbm>>) target(%dma_start3A_74 : memref<125x64xf32, #tpu.memory_space<vmem>>) offsets(%dma_start3A_77 : memref<125xi32, #tpu.memory_space<vmem>>) semaphore(%arg15 : memref<!tpu.dma_semaphore, #tpu.memory_space<semaphore_mem>>)
    %dma_start3A_81 = arith.constant 6 : i32
    %dma_start3A_82 = arith.constant 6 : i32
    %dma_start3A_83 = arith.constant 0 : i32
    %dma_start3A_84 = arith.constant 0 : i32
    %dma_start3A_85 = tpu.memref_slice %arg8[%dma_start3A_82, %dma_start3A_83, %dma_start3A_84] : memref<8x125x64xf32, #tpu.memory_space<vmem>> -> memref<1x125x64xf32, #tpu.memory_space<vmem>>
    %dma_start3A_86 = tpu.memref_squeeze %dma_start3A_85 : memref<1x125x64xf32, #tpu.memory_space<vmem>> -> memref<125x64xf32, #tpu.memory_space<vmem>>
    %dma_start3A_87 = arith.constant 0 : i32
    %dma_start3A_88 = tpu.memref_slice %arg6[%dma_start3A_81, %dma_start3A_87] : memref<80x125xi32, #tpu.memory_space<vmem>> -> memref<1x125xi32, #tpu.memory_space<vmem>>
    %dma_start3A_89 = tpu.memref_squeeze %dma_start3A_88 : memref<1x125xi32, #tpu.memory_space<vmem>> -> memref<125xi32, #tpu.memory_space<vmem>>
    %dma_start3A_90 = arith.constant 0 : i32
    %dma_start3A_91 = arith.constant 0 : i32
    %dma_start3A_92 = tpu.memref_slice %arg2[%dma_start3A_90, %dma_start3A_91] : memref<10000x64xf32, #tpu.memory_space<hbm>> -> memref<10000x64xf32, #tpu.memory_space<hbm>>
    tpu.enqueue_indirect_dma source(%dma_start3A_92 : memref<10000x64xf32, #tpu.memory_space<hbm>>) target(%dma_start3A_86 : memref<125x64xf32, #tpu.memory_space<vmem>>) offsets(%dma_start3A_89 : memref<125xi32, #tpu.memory_space<vmem>>) semaphore(%arg16 : memref<!tpu.dma_semaphore, #tpu.memory_space<semaphore_mem>>)
    %scan3A = arith.constant 0 : i32
    %scan3A_93 = arith.constant 0 : i32
    %scan3A_94 = arith.constant 10 : i32
    %scan3A_95 = arith.addi %scan3A_93, %scan3A_94 : i32
    %scan3A_96 = arith.constant 1 : i32
    scf.for %scan3A_207 = %scan3A_93 to %scan3A_95 step %scan3A_96  : i32 {
      %mul3A_208 = arith.constant 8 : i32
      %mul3A_209 = arith.muli %scan3A_207, %mul3A_208 : i32
      %add3A_210 = arith.constant 0 : i32
      %add3A_211 = arith.addi %mul3A_209, %add3A_210 : i32
      %dma_wait3A_212 = arith.constant 0 : i32
      %dma_wait3A_213 = arith.constant 0 : i32
      %dma_wait3A_214 = arith.constant 0 : i32
      %dma_wait3A_215 = tpu.memref_slice %arg8[%dma_wait3A_212, %dma_wait3A_213, %dma_wait3A_214] : memref<8x125x64xf32, #tpu.memory_space<vmem>> -> memref<1x125x64xf32, #tpu.memory_space<vmem>>
      %dma_wait3A_216 = tpu.memref_squeeze %dma_wait3A_215 : memref<1x125x64xf32, #tpu.memory_space<vmem>> -> memref<125x64xf32, #tpu.memory_space<vmem>>
      %dma_wait3A_217 = arith.constant 0 : i32
      %dma_wait3A_218 = tpu.memref_slice %arg6[%add3A_211, %dma_wait3A_217] : memref<80x125xi32, #tpu.memory_space<vmem>> -> memref<1x125xi32, #tpu.memory_space<vmem>>
      %dma_wait3A_219 = tpu.memref_squeeze %dma_wait3A_218 : memref<1x125xi32, #tpu.memory_space<vmem>> -> memref<125xi32, #tpu.memory_space<vmem>>
      %dma_wait3A_220 = arith.constant 0 : i32
      %dma_wait3A_221 = arith.constant 0 : i32
      %dma_wait3A_222 = tpu.memref_slice %arg2[%dma_wait3A_220, %dma_wait3A_221] : memref<10000x64xf32, #tpu.memory_space<hbm>> -> memref<10000x64xf32, #tpu.memory_space<hbm>>
      tpu.wait_indirect_dma semaphore(%arg10 : memref<!tpu.dma_semaphore, #tpu.memory_space<semaphore_mem>>) src(%dma_wait3A_222 : memref<10000x64xf32, #tpu.memory_space<hbm>>) dst(%dma_wait3A_216 : memref<125x64xf32, #tpu.memory_space<vmem>>)
      %dma_start3A_223 = arith.constant 0 : i32
      %dma_start3A_224 = arith.constant 0 : i32
      %dma_start3A_225 = arith.constant 0 : i32
      %dma_start3A_226 = tpu.memref_slice %arg8[%dma_start3A_223, %dma_start3A_224, %dma_start3A_225] : memref<8x125x64xf32, #tpu.memory_space<vmem>> -> memref<1x125x64xf32, #tpu.memory_space<vmem>>
      %dma_start3A_227 = tpu.memref_squeeze %dma_start3A_226 : memref<1x125x64xf32, #tpu.memory_space<vmem>> -> memref<125x64xf32, #tpu.memory_space<vmem>>
      %dma_start3A_228 = arith.constant 0 : i32
      %dma_start3A_229 = tpu.memref_slice %arg7[%add3A_211, %dma_start3A_228] : memref<80x125xi32, #tpu.memory_space<vmem>> -> memref<1x125xi32, #tpu.memory_space<vmem>>
      %dma_start3A_230 = tpu.memref_squeeze %dma_start3A_229 : memref<1x125xi32, #tpu.memory_space<vmem>> -> memref<125xi32, #tpu.memory_space<vmem>>
      %dma_start3A_231 = arith.constant 0 : i32
      %dma_start3A_232 = arith.constant 0 : i32
      %dma_start3A_233 = tpu.memref_slice %arg9[%dma_start3A_231, %dma_start3A_232] : memref<10000x64xf32, #tpu.memory_space<vmem_shared>> -> memref<10000x64xf32, #tpu.memory_space<vmem_shared>>
      tpu.enqueue_indirect_dma source(%dma_start3A_227 : memref<125x64xf32, #tpu.memory_space<vmem>>) target(%dma_start3A_233 : memref<10000x64xf32, #tpu.memory_space<vmem_shared>>) offsets(%dma_start3A_230 : memref<125xi32, #tpu.memory_space<vmem>>) semaphore(%arg18 : memref<!tpu.dma_semaphore, #tpu.memory_space<semaphore_mem>>) {add = true}
      %add3A_234 = arith.constant 7 : i32
      %add3A_235 = arith.addi %add3A_211, %add3A_234 : i32
      %lt3A_236 = arith.constant 80 : i32
      %lt3A_237 = arith.cmpi slt, %add3A_235, %lt3A_236 : i32
      %convert_element_type3A_238 = arith.extui %lt3A_237 : i1 to i32
      %cond3A_239 = arith.constant 0 : i32
      %cond3A_240 = arith.cmpi ne, %convert_element_type3A_238, %cond3A_239 : i32
      scf.if %cond3A_240 {
        %ge3A = arith.constant 1 : i32
        %ge3A_472 = arith.cmpi sge, %add3A_211, %ge3A : i32
        %convert_element_type3A_473 = arith.extui %ge3A_472 : i1 to i32
        %cond3A_474 = arith.constant 0 : i32
        %cond3A_475 = arith.cmpi ne, %convert_element_type3A_473, %cond3A_474 : i32
        scf.if %cond3A_475 {
          %dma_wait3A_487 = arith.constant 7 : i32
          %dma_wait3A_488 = arith.constant 0 : i32
          %dma_wait3A_489 = arith.constant 0 : i32
          %dma_wait3A_490 = arith.constant 0 : i32
          %dma_wait3A_491 = tpu.memref_slice %arg8[%dma_wait3A_487, %dma_wait3A_489, %dma_wait3A_490] : memref<8x125x64xf32, #tpu.memory_space<vmem>> -> memref<1x125x64xf32, #tpu.memory_space<vmem>>
          %dma_wait3A_492 = tpu.memref_squeeze %dma_wait3A_491 : memref<1x125x64xf32, #tpu.memory_space<vmem>> -> memref<125x64xf32, #tpu.memory_space<vmem>>
          %dma_wait3A_493 = arith.constant 0 : i32
          %dma_wait3A_494 = tpu.memref_slice %arg7[%dma_wait3A_488, %dma_wait3A_493] : memref<80x125xi32, #tpu.memory_space<vmem>> -> memref<1x125xi32, #tpu.memory_space<vmem>>
          %dma_wait3A_495 = tpu.memref_squeeze %dma_wait3A_494 : memref<1x125xi32, #tpu.memory_space<vmem>> -> memref<125xi32, #tpu.memory_space<vmem>>
          %dma_wait3A_496 = arith.constant 0 : i32
          %dma_wait3A_497 = arith.constant 0 : i32
          %dma_wait3A_498 = tpu.memref_slice %arg9[%dma_wait3A_496, %dma_wait3A_497] : memref<10000x64xf32, #tpu.memory_space<vmem_shared>> -> memref<10000x64xf32, #tpu.memory_space<vmem_shared>>
          tpu.wait_indirect_dma semaphore(%arg25 : memref<!tpu.dma_semaphore, #tpu.memory_space<semaphore_mem>>) src(%dma_wait3A_492 : memref<125x64xf32, #tpu.memory_space<vmem>>) dst(%dma_wait3A_498 : memref<10000x64xf32, #tpu.memory_space<vmem_shared>>)
        } else {
        }
        %dma_start3A_476 = arith.constant 7 : i32
        %dma_start3A_477 = arith.constant 0 : i32
        %dma_start3A_478 = arith.constant 0 : i32
        %dma_start3A_479 = tpu.memref_slice %arg8[%dma_start3A_476, %dma_start3A_477, %dma_start3A_478] : memref<8x125x64xf32, #tpu.memory_space<vmem>> -> memref<1x125x64xf32, #tpu.memory_space<vmem>>
        %dma_start3A_480 = tpu.memref_squeeze %dma_start3A_479 : memref<1x125x64xf32, #tpu.memory_space<vmem>> -> memref<125x64xf32, #tpu.memory_space<vmem>>
        %dma_start3A_481 = arith.constant 0 : i32
        %dma_start3A_482 = tpu.memref_slice %arg6[%add3A_235, %dma_start3A_481] : memref<80x125xi32, #tpu.memory_space<vmem>> -> memref<1x125xi32, #tpu.memory_space<vmem>>
        %dma_start3A_483 = tpu.memref_squeeze %dma_start3A_482 : memref<1x125xi32, #tpu.memory_space<vmem>> -> memref<125xi32, #tpu.memory_space<vmem>>
        %dma_start3A_484 = arith.constant 0 : i32
        %dma_start3A_485 = arith.constant 0 : i32
        %dma_start3A_486 = tpu.memref_slice %arg2[%dma_start3A_484, %dma_start3A_485] : memref<10000x64xf32, #tpu.memory_space<hbm>> -> memref<10000x64xf32, #tpu.memory_space<hbm>>
        tpu.enqueue_indirect_dma source(%dma_start3A_486 : memref<10000x64xf32, #tpu.memory_space<hbm>>) target(%dma_start3A_480 : memref<125x64xf32, #tpu.memory_space<vmem>>) offsets(%dma_start3A_483 : memref<125xi32, #tpu.memory_space<vmem>>) semaphore(%arg17 : memref<!tpu.dma_semaphore, #tpu.memory_space<semaphore_mem>>)
      } else {
      }
      %mul3A_241 = arith.constant 8 : i32
      %mul3A_242 = arith.muli %scan3A_207, %mul3A_241 : i32
      %add3A_243 = arith.constant 1 : i32
      %add3A_244 = arith.addi %mul3A_242, %add3A_243 : i32
      %dma_wait3A_245 = arith.constant 1 : i32
      %dma_wait3A_246 = arith.constant 0 : i32
      %dma_wait3A_247 = arith.constant 0 : i32
      %dma_wait3A_248 = tpu.memref_slice %arg8[%dma_wait3A_245, %dma_wait3A_246, %dma_wait3A_247] : memref<8x125x64xf32, #tpu.memory_space<vmem>> -> memref<1x125x64xf32, #tpu.memory_space<vmem>>
      %dma_wait3A_249 = tpu.memref_squeeze %dma_wait3A_248 : memref<1x125x64xf32, #tpu.memory_space<vmem>> -> memref<125x64xf32, #tpu.memory_space<vmem>>
      %dma_wait3A_250 = arith.constant 0 : i32
      %dma_wait3A_251 = tpu.memref_slice %arg6[%add3A_244, %dma_wait3A_250] : memref<80x125xi32, #tpu.memory_space<vmem>> -> memref<1x125xi32, #tpu.memory_space<vmem>>
      %dma_wait3A_252 = tpu.memref_squeeze %dma_wait3A_251 : memref<1x125xi32, #tpu.memory_space<vmem>> -> memref<125xi32, #tpu.memory_space<vmem>>
      %dma_wait3A_253 = arith.constant 0 : i32
      %dma_wait3A_254 = arith.constant 0 : i32
      %dma_wait3A_255 = tpu.memref_slice %arg2[%dma_wait3A_253, %dma_wait3A_254] : memref<10000x64xf32, #tpu.memory_space<hbm>> -> memref<10000x64xf32, #tpu.memory_space<hbm>>
      tpu.wait_indirect_dma semaphore(%arg11 : memref<!tpu.dma_semaphore, #tpu.memory_space<semaphore_mem>>) src(%dma_wait3A_255 : memref<10000x64xf32, #tpu.memory_space<hbm>>) dst(%dma_wait3A_249 : memref<125x64xf32, #tpu.memory_space<vmem>>)
      %dma_start3A_256 = arith.constant 1 : i32
      %dma_start3A_257 = arith.constant 0 : i32
      %dma_start3A_258 = arith.constant 0 : i32
      %dma_start3A_259 = tpu.memref_slice %arg8[%dma_start3A_256, %dma_start3A_257, %dma_start3A_258] : memref<8x125x64xf32, #tpu.memory_space<vmem>> -> memref<1x125x64xf32, #tpu.memory_space<vmem>>
      %dma_start3A_260 = tpu.memref_squeeze %dma_start3A_259 : memref<1x125x64xf32, #tpu.memory_space<vmem>> -> memref<125x64xf32, #tpu.memory_space<vmem>>
      %dma_start3A_261 = arith.constant 0 : i32
      %dma_start3A_262 = tpu.memref_slice %arg7[%add3A_244, %dma_start3A_261] : memref<80x125xi32, #tpu.memory_space<vmem>> -> memref<1x125xi32, #tpu.memory_space<vmem>>
      %dma_start3A_263 = tpu.memref_squeeze %dma_start3A_262 : memref<1x125xi32, #tpu.memory_space<vmem>> -> memref<125xi32, #tpu.memory_space<vmem>>
      %dma_start3A_264 = arith.constant 0 : i32
      %dma_start3A_265 = arith.constant 0 : i32
      %dma_start3A_266 = tpu.memref_slice %arg9[%dma_start3A_264, %dma_start3A_265] : memref<10000x64xf32, #tpu.memory_space<vmem_shared>> -> memref<10000x64xf32, #tpu.memory_space<vmem_shared>>
      tpu.enqueue_indirect_dma source(%dma_start3A_260 : memref<125x64xf32, #tpu.memory_space<vmem>>) target(%dma_start3A_266 : memref<10000x64xf32, #tpu.memory_space<vmem_shared>>) offsets(%dma_start3A_263 : memref<125xi32, #tpu.memory_space<vmem>>) semaphore(%arg19 : memref<!tpu.dma_semaphore, #tpu.memory_space<semaphore_mem>>) {add = true}
      %add3A_267 = arith.constant 7 : i32
      %add3A_268 = arith.addi %add3A_244, %add3A_267 : i32
      %lt3A_269 = arith.constant 80 : i32
      %lt3A_270 = arith.cmpi slt, %add3A_268, %lt3A_269 : i32
      %convert_element_type3A_271 = arith.extui %lt3A_270 : i1 to i32
      %cond3A_272 = arith.constant 0 : i32
      %cond3A_273 = arith.cmpi ne, %convert_element_type3A_271, %cond3A_272 : i32
      scf.if %cond3A_273 {
        %ge3A = arith.constant 1 : i32
        %ge3A_472 = arith.cmpi sge, %add3A_244, %ge3A : i32
        %convert_element_type3A_473 = arith.extui %ge3A_472 : i1 to i32
        %cond3A_474 = arith.constant 0 : i32
        %cond3A_475 = arith.cmpi ne, %convert_element_type3A_473, %cond3A_474 : i32
        scf.if %cond3A_475 {
          %dma_wait3A_487 = arith.constant 0 : i32
          %dma_wait3A_488 = arith.constant 0 : i32
          %dma_wait3A_489 = arith.constant 0 : i32
          %dma_wait3A_490 = arith.constant 0 : i32
          %dma_wait3A_491 = tpu.memref_slice %arg8[%dma_wait3A_487, %dma_wait3A_489, %dma_wait3A_490] : memref<8x125x64xf32, #tpu.memory_space<vmem>> -> memref<1x125x64xf32, #tpu.memory_space<vmem>>
          %dma_wait3A_492 = tpu.memref_squeeze %dma_wait3A_491 : memref<1x125x64xf32, #tpu.memory_space<vmem>> -> memref<125x64xf32, #tpu.memory_space<vmem>>
          %dma_wait3A_493 = arith.constant 0 : i32
          %dma_wait3A_494 = tpu.memref_slice %arg7[%dma_wait3A_488, %dma_wait3A_493] : memref<80x125xi32, #tpu.memory_space<vmem>> -> memref<1x125xi32, #tpu.memory_space<vmem>>
          %dma_wait3A_495 = tpu.memref_squeeze %dma_wait3A_494 : memref<1x125xi32, #tpu.memory_space<vmem>> -> memref<125xi32, #tpu.memory_space<vmem>>
          %dma_wait3A_496 = arith.constant 0 : i32
          %dma_wait3A_497 = arith.constant 0 : i32
          %dma_wait3A_498 = tpu.memref_slice %arg9[%dma_wait3A_496, %dma_wait3A_497] : memref<10000x64xf32, #tpu.memory_space<vmem_shared>> -> memref<10000x64xf32, #tpu.memory_space<vmem_shared>>
          tpu.wait_indirect_dma semaphore(%arg18 : memref<!tpu.dma_semaphore, #tpu.memory_space<semaphore_mem>>) src(%dma_wait3A_492 : memref<125x64xf32, #tpu.memory_space<vmem>>) dst(%dma_wait3A_498 : memref<10000x64xf32, #tpu.memory_space<vmem_shared>>)
        } else {
        }
        %dma_start3A_476 = arith.constant 0 : i32
        %dma_start3A_477 = arith.constant 0 : i32
        %dma_start3A_478 = arith.constant 0 : i32
        %dma_start3A_479 = tpu.memref_slice %arg8[%dma_start3A_476, %dma_start3A_477, %dma_start3A_478] : memref<8x125x64xf32, #tpu.memory_space<vmem>> -> memref<1x125x64xf32, #tpu.memory_space<vmem>>
        %dma_start3A_480 = tpu.memref_squeeze %dma_start3A_479 : memref<1x125x64xf32, #tpu.memory_space<vmem>> -> memref<125x64xf32, #tpu.memory_space<vmem>>
        %dma_start3A_481 = arith.constant 0 : i32
        %dma_start3A_482 = tpu.memref_slice %arg6[%add3A_268, %dma_start3A_481] : memref<80x125xi32, #tpu.memory_space<vmem>> -> memref<1x125xi32, #tpu.memory_space<vmem>>
        %dma_start3A_483 = tpu.memref_squeeze %dma_start3A_482 : memref<1x125xi32, #tpu.memory_space<vmem>> -> memref<125xi32, #tpu.memory_space<vmem>>
        %dma_start3A_484 = arith.constant 0 : i32
        %dma_start3A_485 = arith.constant 0 : i32
        %dma_start3A_486 = tpu.memref_slice %arg2[%dma_start3A_484, %dma_start3A_485] : memref<10000x64xf32, #tpu.memory_space<hbm>> -> memref<10000x64xf32, #tpu.memory_space<hbm>>
        tpu.enqueue_indirect_dma source(%dma_start3A_486 : memref<10000x64xf32, #tpu.memory_space<hbm>>) target(%dma_start3A_480 : memref<125x64xf32, #tpu.memory_space<vmem>>) offsets(%dma_start3A_483 : memref<125xi32, #tpu.memory_space<vmem>>) semaphore(%arg10 : memref<!tpu.dma_semaphore, #tpu.memory_space<semaphore_mem>>)
      } else {
      }
      %mul3A_274 = arith.constant 8 : i32
      %mul3A_275 = arith.muli %scan3A_207, %mul3A_274 : i32
      %add3A_276 = arith.constant 2 : i32
      %add3A_277 = arith.addi %mul3A_275, %add3A_276 : i32
      %dma_wait3A_278 = arith.constant 2 : i32
      %dma_wait3A_279 = arith.constant 0 : i32
      %dma_wait3A_280 = arith.constant 0 : i32
      %dma_wait3A_281 = tpu.memref_slice %arg8[%dma_wait3A_278, %dma_wait3A_279, %dma_wait3A_280] : memref<8x125x64xf32, #tpu.memory_space<vmem>> -> memref<1x125x64xf32, #tpu.memory_space<vmem>>
      %dma_wait3A_282 = tpu.memref_squeeze %dma_wait3A_281 : memref<1x125x64xf32, #tpu.memory_space<vmem>> -> memref<125x64xf32, #tpu.memory_space<vmem>>
      %dma_wait3A_283 = arith.constant 0 : i32
      %dma_wait3A_284 = tpu.memref_slice %arg6[%add3A_277, %dma_wait3A_283] : memref<80x125xi32, #tpu.memory_space<vmem>> -> memref<1x125xi32, #tpu.memory_space<vmem>>
      %dma_wait3A_285 = tpu.memref_squeeze %dma_wait3A_284 : memref<1x125xi32, #tpu.memory_space<vmem>> -> memref<125xi32, #tpu.memory_space<vmem>>
      %dma_wait3A_286 = arith.constant 0 : i32
      %dma_wait3A_287 = arith.constant 0 : i32
      %dma_wait3A_288 = tpu.memref_slice %arg2[%dma_wait3A_286, %dma_wait3A_287] : memref<10000x64xf32, #tpu.memory_space<hbm>> -> memref<10000x64xf32, #tpu.memory_space<hbm>>
      tpu.wait_indirect_dma semaphore(%arg12 : memref<!tpu.dma_semaphore, #tpu.memory_space<semaphore_mem>>) src(%dma_wait3A_288 : memref<10000x64xf32, #tpu.memory_space<hbm>>) dst(%dma_wait3A_282 : memref<125x64xf32, #tpu.memory_space<vmem>>)
      %dma_start3A_289 = arith.constant 2 : i32
      %dma_start3A_290 = arith.constant 0 : i32
      %dma_start3A_291 = arith.constant 0 : i32
      %dma_start3A_292 = tpu.memref_slice %arg8[%dma_start3A_289, %dma_start3A_290, %dma_start3A_291] : memref<8x125x64xf32, #tpu.memory_space<vmem>> -> memref<1x125x64xf32, #tpu.memory_space<vmem>>
      %dma_start3A_293 = tpu.memref_squeeze %dma_start3A_292 : memref<1x125x64xf32, #tpu.memory_space<vmem>> -> memref<125x64xf32, #tpu.memory_space<vmem>>
      %dma_start3A_294 = arith.constant 0 : i32
      %dma_start3A_295 = tpu.memref_slice %arg7[%add3A_277, %dma_start3A_294] : memref<80x125xi32, #tpu.memory_space<vmem>> -> memref<1x125xi32, #tpu.memory_space<vmem>>
      %dma_start3A_296 = tpu.memref_squeeze %dma_start3A_295 : memref<1x125xi32, #tpu.memory_space<vmem>> -> memref<125xi32, #tpu.memory_space<vmem>>
      %dma_start3A_297 = arith.constant 0 : i32
      %dma_start3A_298 = arith.constant 0 : i32
      %dma_start3A_299 = tpu.memref_slice %arg9[%dma_start3A_297, %dma_start3A_298] : memref<10000x64xf32, #tpu.memory_space<vmem_shared>> -> memref<10000x64xf32, #tpu.memory_space<vmem_shared>>
      tpu.enqueue_indirect_dma source(%dma_start3A_293 : memref<125x64xf32, #tpu.memory_space<vmem>>) target(%dma_start3A_299 : memref<10000x64xf32, #tpu.memory_space<vmem_shared>>) offsets(%dma_start3A_296 : memref<125xi32, #tpu.memory_space<vmem>>) semaphore(%arg20 : memref<!tpu.dma_semaphore, #tpu.memory_space<semaphore_mem>>) {add = true}
      %add3A_300 = arith.constant 7 : i32
      %add3A_301 = arith.addi %add3A_277, %add3A_300 : i32
      %lt3A_302 = arith.constant 80 : i32
      %lt3A_303 = arith.cmpi slt, %add3A_301, %lt3A_302 : i32
      %convert_element_type3A_304 = arith.extui %lt3A_303 : i1 to i32
      %cond3A_305 = arith.constant 0 : i32
      %cond3A_306 = arith.cmpi ne, %convert_element_type3A_304, %cond3A_305 : i32
      scf.if %cond3A_306 {
        %ge3A = arith.constant 1 : i32
        %ge3A_472 = arith.cmpi sge, %add3A_277, %ge3A : i32
        %convert_element_type3A_473 = arith.extui %ge3A_472 : i1 to i32
        %cond3A_474 = arith.constant 0 : i32
        %cond3A_475 = arith.cmpi ne, %convert_element_type3A_473, %cond3A_474 : i32
        scf.if %cond3A_475 {
          %dma_wait3A_487 = arith.constant 1 : i32
          %dma_wait3A_488 = arith.constant 0 : i32
          %dma_wait3A_489 = arith.constant 0 : i32
          %dma_wait3A_490 = arith.constant 0 : i32
          %dma_wait3A_491 = tpu.memref_slice %arg8[%dma_wait3A_487, %dma_wait3A_489, %dma_wait3A_490] : memref<8x125x64xf32, #tpu.memory_space<vmem>> -> memref<1x125x64xf32, #tpu.memory_space<vmem>>
          %dma_wait3A_492 = tpu.memref_squeeze %dma_wait3A_491 : memref<1x125x64xf32, #tpu.memory_space<vmem>> -> memref<125x64xf32, #tpu.memory_space<vmem>>
          %dma_wait3A_493 = arith.constant 0 : i32
          %dma_wait3A_494 = tpu.memref_slice %arg7[%dma_wait3A_488, %dma_wait3A_493] : memref<80x125xi32, #tpu.memory_space<vmem>> -> memref<1x125xi32, #tpu.memory_space<vmem>>
          %dma_wait3A_495 = tpu.memref_squeeze %dma_wait3A_494 : memref<1x125xi32, #tpu.memory_space<vmem>> -> memref<125xi32, #tpu.memory_space<vmem>>
          %dma_wait3A_496 = arith.constant 0 : i32
          %dma_wait3A_497 = arith.constant 0 : i32
          %dma_wait3A_498 = tpu.memref_slice %arg9[%dma_wait3A_496, %dma_wait3A_497] : memref<10000x64xf32, #tpu.memory_space<vmem_shared>> -> memref<10000x64xf32, #tpu.memory_space<vmem_shared>>
          tpu.wait_indirect_dma semaphore(%arg19 : memref<!tpu.dma_semaphore, #tpu.memory_space<semaphore_mem>>) src(%dma_wait3A_492 : memref<125x64xf32, #tpu.memory_space<vmem>>) dst(%dma_wait3A_498 : memref<10000x64xf32, #tpu.memory_space<vmem_shared>>)
        } else {
        }
        %dma_start3A_476 = arith.constant 1 : i32
        %dma_start3A_477 = arith.constant 0 : i32
        %dma_start3A_478 = arith.constant 0 : i32
        %dma_start3A_479 = tpu.memref_slice %arg8[%dma_start3A_476, %dma_start3A_477, %dma_start3A_478] : memref<8x125x64xf32, #tpu.memory_space<vmem>> -> memref<1x125x64xf32, #tpu.memory_space<vmem>>
        %dma_start3A_480 = tpu.memref_squeeze %dma_start3A_479 : memref<1x125x64xf32, #tpu.memory_space<vmem>> -> memref<125x64xf32, #tpu.memory_space<vmem>>
        %dma_start3A_481 = arith.constant 0 : i32
        %dma_start3A_482 = tpu.memref_slice %arg6[%add3A_301, %dma_start3A_481] : memref<80x125xi32, #tpu.memory_space<vmem>> -> memref<1x125xi32, #tpu.memory_space<vmem>>
        %dma_start3A_483 = tpu.memref_squeeze %dma_start3A_482 : memref<1x125xi32, #tpu.memory_space<vmem>> -> memref<125xi32, #tpu.memory_space<vmem>>
        %dma_start3A_484 = arith.constant 0 : i32
        %dma_start3A_485 = arith.constant 0 : i32
        %dma_start3A_486 = tpu.memref_slice %arg2[%dma_start3A_484, %dma_start3A_485] : memref<10000x64xf32, #tpu.memory_space<hbm>> -> memref<10000x64xf32, #tpu.memory_space<hbm>>
        tpu.enqueue_indirect_dma source(%dma_start3A_486 : memref<10000x64xf32, #tpu.memory_space<hbm>>) target(%dma_start3A_480 : memref<125x64xf32, #tpu.memory_space<vmem>>) offsets(%dma_start3A_483 : memref<125xi32, #tpu.memory_space<vmem>>) semaphore(%arg11 : memref<!tpu.dma_semaphore, #tpu.memory_space<semaphore_mem>>)
      } else {
      }
      %mul3A_307 = arith.constant 8 : i32
      %mul3A_308 = arith.muli %scan3A_207, %mul3A_307 : i32
      %add3A_309 = arith.constant 3 : i32
      %add3A_310 = arith.addi %mul3A_308, %add3A_309 : i32
      %dma_wait3A_311 = arith.constant 3 : i32
      %dma_wait3A_312 = arith.constant 0 : i32
      %dma_wait3A_313 = arith.constant 0 : i32
      %dma_wait3A_314 = tpu.memref_slice %arg8[%dma_wait3A_311, %dma_wait3A_312, %dma_wait3A_313] : memref<8x125x64xf32, #tpu.memory_space<vmem>> -> memref<1x125x64xf32, #tpu.memory_space<vmem>>
      %dma_wait3A_315 = tpu.memref_squeeze %dma_wait3A_314 : memref<1x125x64xf32, #tpu.memory_space<vmem>> -> memref<125x64xf32, #tpu.memory_space<vmem>>
      %dma_wait3A_316 = arith.constant 0 : i32
      %dma_wait3A_317 = tpu.memref_slice %arg6[%add3A_310, %dma_wait3A_316] : memref<80x125xi32, #tpu.memory_space<vmem>> -> memref<1x125xi32, #tpu.memory_space<vmem>>
      %dma_wait3A_318 = tpu.memref_squeeze %dma_wait3A_317 : memref<1x125xi32, #tpu.memory_space<vmem>> -> memref<125xi32, #tpu.memory_space<vmem>>
      %dma_wait3A_319 = arith.constant 0 : i32
      %dma_wait3A_320 = arith.constant 0 : i32
      %dma_wait3A_321 = tpu.memref_slice %arg2[%dma_wait3A_319, %dma_wait3A_320] : memref<10000x64xf32, #tpu.memory_space<hbm>> -> memref<10000x64xf32, #tpu.memory_space<hbm>>
      tpu.wait_indirect_dma semaphore(%arg13 : memref<!tpu.dma_semaphore, #tpu.memory_space<semaphore_mem>>) src(%dma_wait3A_321 : memref<10000x64xf32, #tpu.memory_space<hbm>>) dst(%dma_wait3A_315 : memref<125x64xf32, #tpu.memory_space<vmem>>)
      %dma_start3A_322 = arith.constant 3 : i32
      %dma_start3A_323 = arith.constant 0 : i32
      %dma_start3A_324 = arith.constant 0 : i32
      %dma_start3A_325 = tpu.memref_slice %arg8[%dma_start3A_322, %dma_start3A_323, %dma_start3A_324] : memref<8x125x64xf32, #tpu.memory_space<vmem>> -> memref<1x125x64xf32, #tpu.memory_space<vmem>>
      %dma_start3A_326 = tpu.memref_squeeze %dma_start3A_325 : memref<1x125x64xf32, #tpu.memory_space<vmem>> -> memref<125x64xf32, #tpu.memory_space<vmem>>
      %dma_start3A_327 = arith.constant 0 : i32
      %dma_start3A_328 = tpu.memref_slice %arg7[%add3A_310, %dma_start3A_327] : memref<80x125xi32, #tpu.memory_space<vmem>> -> memref<1x125xi32, #tpu.memory_space<vmem>>
      %dma_start3A_329 = tpu.memref_squeeze %dma_start3A_328 : memref<1x125xi32, #tpu.memory_space<vmem>> -> memref<125xi32, #tpu.memory_space<vmem>>
      %dma_start3A_330 = arith.constant 0 : i32
      %dma_start3A_331 = arith.constant 0 : i32
      %dma_start3A_332 = tpu.memref_slice %arg9[%dma_start3A_330, %dma_start3A_331] : memref<10000x64xf32, #tpu.memory_space<vmem_shared>> -> memref<10000x64xf32, #tpu.memory_space<vmem_shared>>
      tpu.enqueue_indirect_dma source(%dma_start3A_326 : memref<125x64xf32, #tpu.memory_space<vmem>>) target(%dma_start3A_332 : memref<10000x64xf32, #tpu.memory_space<vmem_shared>>) offsets(%dma_start3A_329 : memref<125xi32, #tpu.memory_space<vmem>>) semaphore(%arg21 : memref<!tpu.dma_semaphore, #tpu.memory_space<semaphore_mem>>) {add = true}
      %add3A_333 = arith.constant 7 : i32
      %add3A_334 = arith.addi %add3A_310, %add3A_333 : i32
      %lt3A_335 = arith.constant 80 : i32
      %lt3A_336 = arith.cmpi slt, %add3A_334, %lt3A_335 : i32
      %convert_element_type3A_337 = arith.extui %lt3A_336 : i1 to i32
      %cond3A_338 = arith.constant 0 : i32
      %cond3A_339 = arith.cmpi ne, %convert_element_type3A_337, %cond3A_338 : i32
      scf.if %cond3A_339 {
        %ge3A = arith.constant 1 : i32
        %ge3A_472 = arith.cmpi sge, %add3A_310, %ge3A : i32
        %convert_element_type3A_473 = arith.extui %ge3A_472 : i1 to i32
        %cond3A_474 = arith.constant 0 : i32
        %cond3A_475 = arith.cmpi ne, %convert_element_type3A_473, %cond3A_474 : i32
        scf.if %cond3A_475 {
          %dma_wait3A_487 = arith.constant 2 : i32
          %dma_wait3A_488 = arith.constant 0 : i32
          %dma_wait3A_489 = arith.constant 0 : i32
          %dma_wait3A_490 = arith.constant 0 : i32
          %dma_wait3A_491 = tpu.memref_slice %arg8[%dma_wait3A_487, %dma_wait3A_489, %dma_wait3A_490] : memref<8x125x64xf32, #tpu.memory_space<vmem>> -> memref<1x125x64xf32, #tpu.memory_space<vmem>>
          %dma_wait3A_492 = tpu.memref_squeeze %dma_wait3A_491 : memref<1x125x64xf32, #tpu.memory_space<vmem>> -> memref<125x64xf32, #tpu.memory_space<vmem>>
          %dma_wait3A_493 = arith.constant 0 : i32
          %dma_wait3A_494 = tpu.memref_slice %arg7[%dma_wait3A_488, %dma_wait3A_493] : memref<80x125xi32, #tpu.memory_space<vmem>> -> memref<1x125xi32, #tpu.memory_space<vmem>>
          %dma_wait3A_495 = tpu.memref_squeeze %dma_wait3A_494 : memref<1x125xi32, #tpu.memory_space<vmem>> -> memref<125xi32, #tpu.memory_space<vmem>>
          %dma_wait3A_496 = arith.constant 0 : i32
          %dma_wait3A_497 = arith.constant 0 : i32
          %dma_wait3A_498 = tpu.memref_slice %arg9[%dma_wait3A_496, %dma_wait3A_497] : memref<10000x64xf32, #tpu.memory_space<vmem_shared>> -> memref<10000x64xf32, #tpu.memory_space<vmem_shared>>
          tpu.wait_indirect_dma semaphore(%arg20 : memref<!tpu.dma_semaphore, #tpu.memory_space<semaphore_mem>>) src(%dma_wait3A_492 : memref<125x64xf32, #tpu.memory_space<vmem>>) dst(%dma_wait3A_498 : memref<10000x64xf32, #tpu.memory_space<vmem_shared>>)
        } else {
        }
        %dma_start3A_476 = arith.constant 2 : i32
        %dma_start3A_477 = arith.constant 0 : i32
        %dma_start3A_478 = arith.constant 0 : i32
        %dma_start3A_479 = tpu.memref_slice %arg8[%dma_start3A_476, %dma_start3A_477, %dma_start3A_478] : memref<8x125x64xf32, #tpu.memory_space<vmem>> -> memref<1x125x64xf32, #tpu.memory_space<vmem>>
        %dma_start3A_480 = tpu.memref_squeeze %dma_start3A_479 : memref<1x125x64xf32, #tpu.memory_space<vmem>> -> memref<125x64xf32, #tpu.memory_space<vmem>>
        %dma_start3A_481 = arith.constant 0 : i32
        %dma_start3A_482 = tpu.memref_slice %arg6[%add3A_334, %dma_start3A_481] : memref<80x125xi32, #tpu.memory_space<vmem>> -> memref<1x125xi32, #tpu.memory_space<vmem>>
        %dma_start3A_483 = tpu.memref_squeeze %dma_start3A_482 : memref<1x125xi32, #tpu.memory_space<vmem>> -> memref<125xi32, #tpu.memory_space<vmem>>
        %dma_start3A_484 = arith.constant 0 : i32
        %dma_start3A_485 = arith.constant 0 : i32
        %dma_start3A_486 = tpu.memref_slice %arg2[%dma_start3A_484, %dma_start3A_485] : memref<10000x64xf32, #tpu.memory_space<hbm>> -> memref<10000x64xf32, #tpu.memory_space<hbm>>
        tpu.enqueue_indirect_dma source(%dma_start3A_486 : memref<10000x64xf32, #tpu.memory_space<hbm>>) target(%dma_start3A_480 : memref<125x64xf32, #tpu.memory_space<vmem>>) offsets(%dma_start3A_483 : memref<125xi32, #tpu.memory_space<vmem>>) semaphore(%arg12 : memref<!tpu.dma_semaphore, #tpu.memory_space<semaphore_mem>>)
      } else {
      }
      %mul3A_340 = arith.constant 8 : i32
      %mul3A_341 = arith.muli %scan3A_207, %mul3A_340 : i32
      %add3A_342 = arith.constant 4 : i32
      %add3A_343 = arith.addi %mul3A_341, %add3A_342 : i32
      %dma_wait3A_344 = arith.constant 4 : i32
      %dma_wait3A_345 = arith.constant 0 : i32
      %dma_wait3A_346 = arith.constant 0 : i32
      %dma_wait3A_347 = tpu.memref_slice %arg8[%dma_wait3A_344, %dma_wait3A_345, %dma_wait3A_346] : memref<8x125x64xf32, #tpu.memory_space<vmem>> -> memref<1x125x64xf32, #tpu.memory_space<vmem>>
      %dma_wait3A_348 = tpu.memref_squeeze %dma_wait3A_347 : memref<1x125x64xf32, #tpu.memory_space<vmem>> -> memref<125x64xf32, #tpu.memory_space<vmem>>
      %dma_wait3A_349 = arith.constant 0 : i32
      %dma_wait3A_350 = tpu.memref_slice %arg6[%add3A_343, %dma_wait3A_349] : memref<80x125xi32, #tpu.memory_space<vmem>> -> memref<1x125xi32, #tpu.memory_space<vmem>>
      %dma_wait3A_351 = tpu.memref_squeeze %dma_wait3A_350 : memref<1x125xi32, #tpu.memory_space<vmem>> -> memref<125xi32, #tpu.memory_space<vmem>>
      %dma_wait3A_352 = arith.constant 0 : i32
      %dma_wait3A_353 = arith.constant 0 : i32
      %dma_wait3A_354 = tpu.memref_slice %arg2[%dma_wait3A_352, %dma_wait3A_353] : memref<10000x64xf32, #tpu.memory_space<hbm>> -> memref<10000x64xf32, #tpu.memory_space<hbm>>
      tpu.wait_indirect_dma semaphore(%arg14 : memref<!tpu.dma_semaphore, #tpu.memory_space<semaphore_mem>>) src(%dma_wait3A_354 : memref<10000x64xf32, #tpu.memory_space<hbm>>) dst(%dma_wait3A_348 : memref<125x64xf32, #tpu.memory_space<vmem>>)
      %dma_start3A_355 = arith.constant 4 : i32
      %dma_start3A_356 = arith.constant 0 : i32
      %dma_start3A_357 = arith.constant 0 : i32
      %dma_start3A_358 = tpu.memref_slice %arg8[%dma_start3A_355, %dma_start3A_356, %dma_start3A_357] : memref<8x125x64xf32, #tpu.memory_space<vmem>> -> memref<1x125x64xf32, #tpu.memory_space<vmem>>
      %dma_start3A_359 = tpu.memref_squeeze %dma_start3A_358 : memref<1x125x64xf32, #tpu.memory_space<vmem>> -> memref<125x64xf32, #tpu.memory_space<vmem>>
      %dma_start3A_360 = arith.constant 0 : i32
      %dma_start3A_361 = tpu.memref_slice %arg7[%add3A_343, %dma_start3A_360] : memref<80x125xi32, #tpu.memory_space<vmem>> -> memref<1x125xi32, #tpu.memory_space<vmem>>
      %dma_start3A_362 = tpu.memref_squeeze %dma_start3A_361 : memref<1x125xi32, #tpu.memory_space<vmem>> -> memref<125xi32, #tpu.memory_space<vmem>>
      %dma_start3A_363 = arith.constant 0 : i32
      %dma_start3A_364 = arith.constant 0 : i32
      %dma_start3A_365 = tpu.memref_slice %arg9[%dma_start3A_363, %dma_start3A_364] : memref<10000x64xf32, #tpu.memory_space<vmem_shared>> -> memref<10000x64xf32, #tpu.memory_space<vmem_shared>>
      tpu.enqueue_indirect_dma source(%dma_start3A_359 : memref<125x64xf32, #tpu.memory_space<vmem>>) target(%dma_start3A_365 : memref<10000x64xf32, #tpu.memory_space<vmem_shared>>) offsets(%dma_start3A_362 : memref<125xi32, #tpu.memory_space<vmem>>) semaphore(%arg22 : memref<!tpu.dma_semaphore, #tpu.memory_space<semaphore_mem>>) {add = true}
      %add3A_366 = arith.constant 7 : i32
      %add3A_367 = arith.addi %add3A_343, %add3A_366 : i32
      %lt3A_368 = arith.constant 80 : i32
      %lt3A_369 = arith.cmpi slt, %add3A_367, %lt3A_368 : i32
      %convert_element_type3A_370 = arith.extui %lt3A_369 : i1 to i32
      %cond3A_371 = arith.constant 0 : i32
      %cond3A_372 = arith.cmpi ne, %convert_element_type3A_370, %cond3A_371 : i32
      scf.if %cond3A_372 {
        %ge3A = arith.constant 1 : i32
        %ge3A_472 = arith.cmpi sge, %add3A_343, %ge3A : i32
        %convert_element_type3A_473 = arith.extui %ge3A_472 : i1 to i32
        %cond3A_474 = arith.constant 0 : i32
        %cond3A_475 = arith.cmpi ne, %convert_element_type3A_473, %cond3A_474 : i32
        scf.if %cond3A_475 {
          %dma_wait3A_487 = arith.constant 3 : i32
          %dma_wait3A_488 = arith.constant 0 : i32
          %dma_wait3A_489 = arith.constant 0 : i32
          %dma_wait3A_490 = arith.constant 0 : i32
          %dma_wait3A_491 = tpu.memref_slice %arg8[%dma_wait3A_487, %dma_wait3A_489, %dma_wait3A_490] : memref<8x125x64xf32, #tpu.memory_space<vmem>> -> memref<1x125x64xf32, #tpu.memory_space<vmem>>
          %dma_wait3A_492 = tpu.memref_squeeze %dma_wait3A_491 : memref<1x125x64xf32, #tpu.memory_space<vmem>> -> memref<125x64xf32, #tpu.memory_space<vmem>>
          %dma_wait3A_493 = arith.constant 0 : i32
          %dma_wait3A_494 = tpu.memref_slice %arg7[%dma_wait3A_488, %dma_wait3A_493] : memref<80x125xi32, #tpu.memory_space<vmem>> -> memref<1x125xi32, #tpu.memory_space<vmem>>
          %dma_wait3A_495 = tpu.memref_squeeze %dma_wait3A_494 : memref<1x125xi32, #tpu.memory_space<vmem>> -> memref<125xi32, #tpu.memory_space<vmem>>
          %dma_wait3A_496 = arith.constant 0 : i32
          %dma_wait3A_497 = arith.constant 0 : i32
          %dma_wait3A_498 = tpu.memref_slice %arg9[%dma_wait3A_496, %dma_wait3A_497] : memref<10000x64xf32, #tpu.memory_space<vmem_shared>> -> memref<10000x64xf32, #tpu.memory_space<vmem_shared>>
          tpu.wait_indirect_dma semaphore(%arg21 : memref<!tpu.dma_semaphore, #tpu.memory_space<semaphore_mem>>) src(%dma_wait3A_492 : memref<125x64xf32, #tpu.memory_space<vmem>>) dst(%dma_wait3A_498 : memref<10000x64xf32, #tpu.memory_space<vmem_shared>>)
        } else {
        }
        %dma_start3A_476 = arith.constant 3 : i32
        %dma_start3A_477 = arith.constant 0 : i32
        %dma_start3A_478 = arith.constant 0 : i32
        %dma_start3A_479 = tpu.memref_slice %arg8[%dma_start3A_476, %dma_start3A_477, %dma_start3A_478] : memref<8x125x64xf32, #tpu.memory_space<vmem>> -> memref<1x125x64xf32, #tpu.memory_space<vmem>>
        %dma_start3A_480 = tpu.memref_squeeze %dma_start3A_479 : memref<1x125x64xf32, #tpu.memory_space<vmem>> -> memref<125x64xf32, #tpu.memory_space<vmem>>
        %dma_start3A_481 = arith.constant 0 : i32
        %dma_start3A_482 = tpu.memref_slice %arg6[%add3A_367, %dma_start3A_481] : memref<80x125xi32, #tpu.memory_space<vmem>> -> memref<1x125xi32, #tpu.memory_space<vmem>>
        %dma_start3A_483 = tpu.memref_squeeze %dma_start3A_482 : memref<1x125xi32, #tpu.memory_space<vmem>> -> memref<125xi32, #tpu.memory_space<vmem>>
        %dma_start3A_484 = arith.constant 0 : i32
        %dma_start3A_485 = arith.constant 0 : i32
        %dma_start3A_486 = tpu.memref_slice %arg2[%dma_start3A_484, %dma_start3A_485] : memref<10000x64xf32, #tpu.memory_space<hbm>> -> memref<10000x64xf32, #tpu.memory_space<hbm>>
        tpu.enqueue_indirect_dma source(%dma_start3A_486 : memref<10000x64xf32, #tpu.memory_space<hbm>>) target(%dma_start3A_480 : memref<125x64xf32, #tpu.memory_space<vmem>>) offsets(%dma_start3A_483 : memref<125xi32, #tpu.memory_space<vmem>>) semaphore(%arg13 : memref<!tpu.dma_semaphore, #tpu.memory_space<semaphore_mem>>)
      } else {
      }
      %mul3A_373 = arith.constant 8 : i32
      %mul3A_374 = arith.muli %scan3A_207, %mul3A_373 : i32
      %add3A_375 = arith.constant 5 : i32
      %add3A_376 = arith.addi %mul3A_374, %add3A_375 : i32
      %dma_wait3A_377 = arith.constant 5 : i32
      %dma_wait3A_378 = arith.constant 0 : i32
      %dma_wait3A_379 = arith.constant 0 : i32
      %dma_wait3A_380 = tpu.memref_slice %arg8[%dma_wait3A_377, %dma_wait3A_378, %dma_wait3A_379] : memref<8x125x64xf32, #tpu.memory_space<vmem>> -> memref<1x125x64xf32, #tpu.memory_space<vmem>>
      %dma_wait3A_381 = tpu.memref_squeeze %dma_wait3A_380 : memref<1x125x64xf32, #tpu.memory_space<vmem>> -> memref<125x64xf32, #tpu.memory_space<vmem>>
      %dma_wait3A_382 = arith.constant 0 : i32
      %dma_wait3A_383 = tpu.memref_slice %arg6[%add3A_376, %dma_wait3A_382] : memref<80x125xi32, #tpu.memory_space<vmem>> -> memref<1x125xi32, #tpu.memory_space<vmem>>
      %dma_wait3A_384 = tpu.memref_squeeze %dma_wait3A_383 : memref<1x125xi32, #tpu.memory_space<vmem>> -> memref<125xi32, #tpu.memory_space<vmem>>
      %dma_wait3A_385 = arith.constant 0 : i32
      %dma_wait3A_386 = arith.constant 0 : i32
      %dma_wait3A_387 = tpu.memref_slice %arg2[%dma_wait3A_385, %dma_wait3A_386] : memref<10000x64xf32, #tpu.memory_space<hbm>> -> memref<10000x64xf32, #tpu.memory_space<hbm>>
      tpu.wait_indirect_dma semaphore(%arg15 : memref<!tpu.dma_semaphore, #tpu.memory_space<semaphore_mem>>) src(%dma_wait3A_387 : memref<10000x64xf32, #tpu.memory_space<hbm>>) dst(%dma_wait3A_381 : memref<125x64xf32, #tpu.memory_space<vmem>>)
      %dma_start3A_388 = arith.constant 5 : i32
      %dma_start3A_389 = arith.constant 0 : i32
      %dma_start3A_390 = arith.constant 0 : i32
      %dma_start3A_391 = tpu.memref_slice %arg8[%dma_start3A_388, %dma_start3A_389, %dma_start3A_390] : memref<8x125x64xf32, #tpu.memory_space<vmem>> -> memref<1x125x64xf32, #tpu.memory_space<vmem>>
      %dma_start3A_392 = tpu.memref_squeeze %dma_start3A_391 : memref<1x125x64xf32, #tpu.memory_space<vmem>> -> memref<125x64xf32, #tpu.memory_space<vmem>>
      %dma_start3A_393 = arith.constant 0 : i32
      %dma_start3A_394 = tpu.memref_slice %arg7[%add3A_376, %dma_start3A_393] : memref<80x125xi32, #tpu.memory_space<vmem>> -> memref<1x125xi32, #tpu.memory_space<vmem>>
      %dma_start3A_395 = tpu.memref_squeeze %dma_start3A_394 : memref<1x125xi32, #tpu.memory_space<vmem>> -> memref<125xi32, #tpu.memory_space<vmem>>
      %dma_start3A_396 = arith.constant 0 : i32
      %dma_start3A_397 = arith.constant 0 : i32
      %dma_start3A_398 = tpu.memref_slice %arg9[%dma_start3A_396, %dma_start3A_397] : memref<10000x64xf32, #tpu.memory_space<vmem_shared>> -> memref<10000x64xf32, #tpu.memory_space<vmem_shared>>
      tpu.enqueue_indirect_dma source(%dma_start3A_392 : memref<125x64xf32, #tpu.memory_space<vmem>>) target(%dma_start3A_398 : memref<10000x64xf32, #tpu.memory_space<vmem_shared>>) offsets(%dma_start3A_395 : memref<125xi32, #tpu.memory_space<vmem>>) semaphore(%arg23 : memref<!tpu.dma_semaphore, #tpu.memory_space<semaphore_mem>>) {add = true}
      %add3A_399 = arith.constant 7 : i32
      %add3A_400 = arith.addi %add3A_376, %add3A_399 : i32
      %lt3A_401 = arith.constant 80 : i32
      %lt3A_402 = arith.cmpi slt, %add3A_400, %lt3A_401 : i32
      %convert_element_type3A_403 = arith.extui %lt3A_402 : i1 to i32
      %cond3A_404 = arith.constant 0 : i32
      %cond3A_405 = arith.cmpi ne, %convert_element_type3A_403, %cond3A_404 : i32
      scf.if %cond3A_405 {
        %ge3A = arith.constant 1 : i32
        %ge3A_472 = arith.cmpi sge, %add3A_376, %ge3A : i32
        %convert_element_type3A_473 = arith.extui %ge3A_472 : i1 to i32
        %cond3A_474 = arith.constant 0 : i32
        %cond3A_475 = arith.cmpi ne, %convert_element_type3A_473, %cond3A_474 : i32
        scf.if %cond3A_475 {
          %dma_wait3A_487 = arith.constant 4 : i32
          %dma_wait3A_488 = arith.constant 0 : i32
          %dma_wait3A_489 = arith.constant 0 : i32
          %dma_wait3A_490 = arith.constant 0 : i32
          %dma_wait3A_491 = tpu.memref_slice %arg8[%dma_wait3A_487, %dma_wait3A_489, %dma_wait3A_490] : memref<8x125x64xf32, #tpu.memory_space<vmem>> -> memref<1x125x64xf32, #tpu.memory_space<vmem>>
          %dma_wait3A_492 = tpu.memref_squeeze %dma_wait3A_491 : memref<1x125x64xf32, #tpu.memory_space<vmem>> -> memref<125x64xf32, #tpu.memory_space<vmem>>
          %dma_wait3A_493 = arith.constant 0 : i32
          %dma_wait3A_494 = tpu.memref_slice %arg7[%dma_wait3A_488, %dma_wait3A_493] : memref<80x125xi32, #tpu.memory_space<vmem>> -> memref<1x125xi32, #tpu.memory_space<vmem>>
          %dma_wait3A_495 = tpu.memref_squeeze %dma_wait3A_494 : memref<1x125xi32, #tpu.memory_space<vmem>> -> memref<125xi32, #tpu.memory_space<vmem>>
          %dma_wait3A_496 = arith.constant 0 : i32
          %dma_wait3A_497 = arith.constant 0 : i32
          %dma_wait3A_498 = tpu.memref_slice %arg9[%dma_wait3A_496, %dma_wait3A_497] : memref<10000x64xf32, #tpu.memory_space<vmem_shared>> -> memref<10000x64xf32, #tpu.memory_space<vmem_shared>>
          tpu.wait_indirect_dma semaphore(%arg22 : memref<!tpu.dma_semaphore, #tpu.memory_space<semaphore_mem>>) src(%dma_wait3A_492 : memref<125x64xf32, #tpu.memory_space<vmem>>) dst(%dma_wait3A_498 : memref<10000x64xf32, #tpu.memory_space<vmem_shared>>)
        } else {
        }
        %dma_start3A_476 = arith.constant 4 : i32
        %dma_start3A_477 = arith.constant 0 : i32
        %dma_start3A_478 = arith.constant 0 : i32
        %dma_start3A_479 = tpu.memref_slice %arg8[%dma_start3A_476, %dma_start3A_477, %dma_start3A_478] : memref<8x125x64xf32, #tpu.memory_space<vmem>> -> memref<1x125x64xf32, #tpu.memory_space<vmem>>
        %dma_start3A_480 = tpu.memref_squeeze %dma_start3A_479 : memref<1x125x64xf32, #tpu.memory_space<vmem>> -> memref<125x64xf32, #tpu.memory_space<vmem>>
        %dma_start3A_481 = arith.constant 0 : i32
        %dma_start3A_482 = tpu.memref_slice %arg6[%add3A_400, %dma_start3A_481] : memref<80x125xi32, #tpu.memory_space<vmem>> -> memref<1x125xi32, #tpu.memory_space<vmem>>
        %dma_start3A_483 = tpu.memref_squeeze %dma_start3A_482 : memref<1x125xi32, #tpu.memory_space<vmem>> -> memref<125xi32, #tpu.memory_space<vmem>>
        %dma_start3A_484 = arith.constant 0 : i32
        %dma_start3A_485 = arith.constant 0 : i32
        %dma_start3A_486 = tpu.memref_slice %arg2[%dma_start3A_484, %dma_start3A_485] : memref<10000x64xf32, #tpu.memory_space<hbm>> -> memref<10000x64xf32, #tpu.memory_space<hbm>>
        tpu.enqueue_indirect_dma source(%dma_start3A_486 : memref<10000x64xf32, #tpu.memory_space<hbm>>) target(%dma_start3A_480 : memref<125x64xf32, #tpu.memory_space<vmem>>) offsets(%dma_start3A_483 : memref<125xi32, #tpu.memory_space<vmem>>) semaphore(%arg14 : memref<!tpu.dma_semaphore, #tpu.memory_space<semaphore_mem>>)
      } else {
      }
      %mul3A_406 = arith.constant 8 : i32
      %mul3A_407 = arith.muli %scan3A_207, %mul3A_406 : i32
      %add3A_408 = arith.constant 6 : i32
      %add3A_409 = arith.addi %mul3A_407, %add3A_408 : i32
      %dma_wait3A_410 = arith.constant 6 : i32
      %dma_wait3A_411 = arith.constant 0 : i32
      %dma_wait3A_412 = arith.constant 0 : i32
      %dma_wait3A_413 = tpu.memref_slice %arg8[%dma_wait3A_410, %dma_wait3A_411, %dma_wait3A_412] : memref<8x125x64xf32, #tpu.memory_space<vmem>> -> memref<1x125x64xf32, #tpu.memory_space<vmem>>
      %dma_wait3A_414 = tpu.memref_squeeze %dma_wait3A_413 : memref<1x125x64xf32, #tpu.memory_space<vmem>> -> memref<125x64xf32, #tpu.memory_space<vmem>>
      %dma_wait3A_415 = arith.constant 0 : i32
      %dma_wait3A_416 = tpu.memref_slice %arg6[%add3A_409, %dma_wait3A_415] : memref<80x125xi32, #tpu.memory_space<vmem>> -> memref<1x125xi32, #tpu.memory_space<vmem>>
      %dma_wait3A_417 = tpu.memref_squeeze %dma_wait3A_416 : memref<1x125xi32, #tpu.memory_space<vmem>> -> memref<125xi32, #tpu.memory_space<vmem>>
      %dma_wait3A_418 = arith.constant 0 : i32
      %dma_wait3A_419 = arith.constant 0 : i32
      %dma_wait3A_420 = tpu.memref_slice %arg2[%dma_wait3A_418, %dma_wait3A_419] : memref<10000x64xf32, #tpu.memory_space<hbm>> -> memref<10000x64xf32, #tpu.memory_space<hbm>>
      tpu.wait_indirect_dma semaphore(%arg16 : memref<!tpu.dma_semaphore, #tpu.memory_space<semaphore_mem>>) src(%dma_wait3A_420 : memref<10000x64xf32, #tpu.memory_space<hbm>>) dst(%dma_wait3A_414 : memref<125x64xf32, #tpu.memory_space<vmem>>)
      %dma_start3A_421 = arith.constant 6 : i32
      %dma_start3A_422 = arith.constant 0 : i32
      %dma_start3A_423 = arith.constant 0 : i32
      %dma_start3A_424 = tpu.memref_slice %arg8[%dma_start3A_421, %dma_start3A_422, %dma_start3A_423] : memref<8x125x64xf32, #tpu.memory_space<vmem>> -> memref<1x125x64xf32, #tpu.memory_space<vmem>>
      %dma_start3A_425 = tpu.memref_squeeze %dma_start3A_424 : memref<1x125x64xf32, #tpu.memory_space<vmem>> -> memref<125x64xf32, #tpu.memory_space<vmem>>
      %dma_start3A_426 = arith.constant 0 : i32
      %dma_start3A_427 = tpu.memref_slice %arg7[%add3A_409, %dma_start3A_426] : memref<80x125xi32, #tpu.memory_space<vmem>> -> memref<1x125xi32, #tpu.memory_space<vmem>>
      %dma_start3A_428 = tpu.memref_squeeze %dma_start3A_427 : memref<1x125xi32, #tpu.memory_space<vmem>> -> memref<125xi32, #tpu.memory_space<vmem>>
      %dma_start3A_429 = arith.constant 0 : i32
      %dma_start3A_430 = arith.constant 0 : i32
      %dma_start3A_431 = tpu.memref_slice %arg9[%dma_start3A_429, %dma_start3A_430] : memref<10000x64xf32, #tpu.memory_space<vmem_shared>> -> memref<10000x64xf32, #tpu.memory_space<vmem_shared>>
      tpu.enqueue_indirect_dma source(%dma_start3A_425 : memref<125x64xf32, #tpu.memory_space<vmem>>) target(%dma_start3A_431 : memref<10000x64xf32, #tpu.memory_space<vmem_shared>>) offsets(%dma_start3A_428 : memref<125xi32, #tpu.memory_space<vmem>>) semaphore(%arg24 : memref<!tpu.dma_semaphore, #tpu.memory_space<semaphore_mem>>) {add = true}
      %add3A_432 = arith.constant 7 : i32
      %add3A_433 = arith.addi %add3A_409, %add3A_432 : i32
      %lt3A_434 = arith.constant 80 : i32
      %lt3A_435 = arith.cmpi slt, %add3A_433, %lt3A_434 : i32
      %convert_element_type3A_436 = arith.extui %lt3A_435 : i1 to i32
      %cond3A_437 = arith.constant 0 : i32
      %cond3A_438 = arith.cmpi ne, %convert_element_type3A_436, %cond3A_437 : i32
      scf.if %cond3A_438 {
        %ge3A = arith.constant 1 : i32
        %ge3A_472 = arith.cmpi sge, %add3A_409, %ge3A : i32
        %convert_element_type3A_473 = arith.extui %ge3A_472 : i1 to i32
        %cond3A_474 = arith.constant 0 : i32
        %cond3A_475 = arith.cmpi ne, %convert_element_type3A_473, %cond3A_474 : i32
        scf.if %cond3A_475 {
          %dma_wait3A_487 = arith.constant 5 : i32
          %dma_wait3A_488 = arith.constant 0 : i32
          %dma_wait3A_489 = arith.constant 0 : i32
          %dma_wait3A_490 = arith.constant 0 : i32
          %dma_wait3A_491 = tpu.memref_slice %arg8[%dma_wait3A_487, %dma_wait3A_489, %dma_wait3A_490] : memref<8x125x64xf32, #tpu.memory_space<vmem>> -> memref<1x125x64xf32, #tpu.memory_space<vmem>>
          %dma_wait3A_492 = tpu.memref_squeeze %dma_wait3A_491 : memref<1x125x64xf32, #tpu.memory_space<vmem>> -> memref<125x64xf32, #tpu.memory_space<vmem>>
          %dma_wait3A_493 = arith.constant 0 : i32
          %dma_wait3A_494 = tpu.memref_slice %arg7[%dma_wait3A_488, %dma_wait3A_493] : memref<80x125xi32, #tpu.memory_space<vmem>> -> memref<1x125xi32, #tpu.memory_space<vmem>>
          %dma_wait3A_495 = tpu.memref_squeeze %dma_wait3A_494 : memref<1x125xi32, #tpu.memory_space<vmem>> -> memref<125xi32, #tpu.memory_space<vmem>>
          %dma_wait3A_496 = arith.constant 0 : i32
          %dma_wait3A_497 = arith.constant 0 : i32
          %dma_wait3A_498 = tpu.memref_slice %arg9[%dma_wait3A_496, %dma_wait3A_497] : memref<10000x64xf32, #tpu.memory_space<vmem_shared>> -> memref<10000x64xf32, #tpu.memory_space<vmem_shared>>
          tpu.wait_indirect_dma semaphore(%arg23 : memref<!tpu.dma_semaphore, #tpu.memory_space<semaphore_mem>>) src(%dma_wait3A_492 : memref<125x64xf32, #tpu.memory_space<vmem>>) dst(%dma_wait3A_498 : memref<10000x64xf32, #tpu.memory_space<vmem_shared>>)
        } else {
        }
        %dma_start3A_476 = arith.constant 5 : i32
        %dma_start3A_477 = arith.constant 0 : i32
        %dma_start3A_478 = arith.constant 0 : i32
        %dma_start3A_479 = tpu.memref_slice %arg8[%dma_start3A_476, %dma_start3A_477, %dma_start3A_478] : memref<8x125x64xf32, #tpu.memory_space<vmem>> -> memref<1x125x64xf32, #tpu.memory_space<vmem>>
        %dma_start3A_480 = tpu.memref_squeeze %dma_start3A_479 : memref<1x125x64xf32, #tpu.memory_space<vmem>> -> memref<125x64xf32, #tpu.memory_space<vmem>>
        %dma_start3A_481 = arith.constant 0 : i32
        %dma_start3A_482 = tpu.memref_slice %arg6[%add3A_433, %dma_start3A_481] : memref<80x125xi32, #tpu.memory_space<vmem>> -> memref<1x125xi32, #tpu.memory_space<vmem>>
        %dma_start3A_483 = tpu.memref_squeeze %dma_start3A_482 : memref<1x125xi32, #tpu.memory_space<vmem>> -> memref<125xi32, #tpu.memory_space<vmem>>
        %dma_start3A_484 = arith.constant 0 : i32
        %dma_start3A_485 = arith.constant 0 : i32
        %dma_start3A_486 = tpu.memref_slice %arg2[%dma_start3A_484, %dma_start3A_485] : memref<10000x64xf32, #tpu.memory_space<hbm>> -> memref<10000x64xf32, #tpu.memory_space<hbm>>
        tpu.enqueue_indirect_dma source(%dma_start3A_486 : memref<10000x64xf32, #tpu.memory_space<hbm>>) target(%dma_start3A_480 : memref<125x64xf32, #tpu.memory_space<vmem>>) offsets(%dma_start3A_483 : memref<125xi32, #tpu.memory_space<vmem>>) semaphore(%arg15 : memref<!tpu.dma_semaphore, #tpu.memory_space<semaphore_mem>>)
      } else {
      }
      %mul3A_439 = arith.constant 8 : i32
      %mul3A_440 = arith.muli %scan3A_207, %mul3A_439 : i32
      %add3A_441 = arith.constant 7 : i32
      %add3A_442 = arith.addi %mul3A_440, %add3A_441 : i32
      %dma_wait3A_443 = arith.constant 7 : i32
      %dma_wait3A_444 = arith.constant 0 : i32
      %dma_wait3A_445 = arith.constant 0 : i32
      %dma_wait3A_446 = tpu.memref_slice %arg8[%dma_wait3A_443, %dma_wait3A_444, %dma_wait3A_445] : memref<8x125x64xf32, #tpu.memory_space<vmem>> -> memref<1x125x64xf32, #tpu.memory_space<vmem>>
      %dma_wait3A_447 = tpu.memref_squeeze %dma_wait3A_446 : memref<1x125x64xf32, #tpu.memory_space<vmem>> -> memref<125x64xf32, #tpu.memory_space<vmem>>
      %dma_wait3A_448 = arith.constant 0 : i32
      %dma_wait3A_449 = tpu.memref_slice %arg6[%add3A_442, %dma_wait3A_448] : memref<80x125xi32, #tpu.memory_space<vmem>> -> memref<1x125xi32, #tpu.memory_space<vmem>>
      %dma_wait3A_450 = tpu.memref_squeeze %dma_wait3A_449 : memref<1x125xi32, #tpu.memory_space<vmem>> -> memref<125xi32, #tpu.memory_space<vmem>>
      %dma_wait3A_451 = arith.constant 0 : i32
      %dma_wait3A_452 = arith.constant 0 : i32
      %dma_wait3A_453 = tpu.memref_slice %arg2[%dma_wait3A_451, %dma_wait3A_452] : memref<10000x64xf32, #tpu.memory_space<hbm>> -> memref<10000x64xf32, #tpu.memory_space<hbm>>
      tpu.wait_indirect_dma semaphore(%arg17 : memref<!tpu.dma_semaphore, #tpu.memory_space<semaphore_mem>>) src(%dma_wait3A_453 : memref<10000x64xf32, #tpu.memory_space<hbm>>) dst(%dma_wait3A_447 : memref<125x64xf32, #tpu.memory_space<vmem>>)
      %dma_start3A_454 = arith.constant 7 : i32
      %dma_start3A_455 = arith.constant 0 : i32
      %dma_start3A_456 = arith.constant 0 : i32
      %dma_start3A_457 = tpu.memref_slice %arg8[%dma_start3A_454, %dma_start3A_455, %dma_start3A_456] : memref<8x125x64xf32, #tpu.memory_space<vmem>> -> memref<1x125x64xf32, #tpu.memory_space<vmem>>
      %dma_start3A_458 = tpu.memref_squeeze %dma_start3A_457 : memref<1x125x64xf32, #tpu.memory_space<vmem>> -> memref<125x64xf32, #tpu.memory_space<vmem>>
      %dma_start3A_459 = arith.constant 0 : i32
      %dma_start3A_460 = tpu.memref_slice %arg7[%add3A_442, %dma_start3A_459] : memref<80x125xi32, #tpu.memory_space<vmem>> -> memref<1x125xi32, #tpu.memory_space<vmem>>
      %dma_start3A_461 = tpu.memref_squeeze %dma_start3A_460 : memref<1x125xi32, #tpu.memory_space<vmem>> -> memref<125xi32, #tpu.memory_space<vmem>>
      %dma_start3A_462 = arith.constant 0 : i32
      %dma_start3A_463 = arith.constant 0 : i32
      %dma_start3A_464 = tpu.memref_slice %arg9[%dma_start3A_462, %dma_start3A_463] : memref<10000x64xf32, #tpu.memory_space<vmem_shared>> -> memref<10000x64xf32, #tpu.memory_space<vmem_shared>>
      tpu.enqueue_indirect_dma source(%dma_start3A_458 : memref<125x64xf32, #tpu.memory_space<vmem>>) target(%dma_start3A_464 : memref<10000x64xf32, #tpu.memory_space<vmem_shared>>) offsets(%dma_start3A_461 : memref<125xi32, #tpu.memory_space<vmem>>) semaphore(%arg25 : memref<!tpu.dma_semaphore, #tpu.memory_space<semaphore_mem>>) {add = true}
      %add3A_465 = arith.constant 7 : i32
      %add3A_466 = arith.addi %add3A_442, %add3A_465 : i32
      %lt3A_467 = arith.constant 80 : i32
      %lt3A_468 = arith.cmpi slt, %add3A_466, %lt3A_467 : i32
      %convert_element_type3A_469 = arith.extui %lt3A_468 : i1 to i32
      %cond3A_470 = arith.constant 0 : i32
      %cond3A_471 = arith.cmpi ne, %convert_element_type3A_469, %cond3A_470 : i32
      scf.if %cond3A_471 {
        %ge3A = arith.constant 1 : i32
        %ge3A_472 = arith.cmpi sge, %add3A_442, %ge3A : i32
        %convert_element_type3A_473 = arith.extui %ge3A_472 : i1 to i32
        %cond3A_474 = arith.constant 0 : i32
        %cond3A_475 = arith.cmpi ne, %convert_element_type3A_473, %cond3A_474 : i32
        scf.if %cond3A_475 {
          %dma_wait3A_487 = arith.constant 6 : i32
          %dma_wait3A_488 = arith.constant 0 : i32
          %dma_wait3A_489 = arith.constant 0 : i32
          %dma_wait3A_490 = arith.constant 0 : i32
          %dma_wait3A_491 = tpu.memref_slice %arg8[%dma_wait3A_487, %dma_wait3A_489, %dma_wait3A_490] : memref<8x125x64xf32, #tpu.memory_space<vmem>> -> memref<1x125x64xf32, #tpu.memory_space<vmem>>
          %dma_wait3A_492 = tpu.memref_squeeze %dma_wait3A_491 : memref<1x125x64xf32, #tpu.memory_space<vmem>> -> memref<125x64xf32, #tpu.memory_space<vmem>>
          %dma_wait3A_493 = arith.constant 0 : i32
          %dma_wait3A_494 = tpu.memref_slice %arg7[%dma_wait3A_488, %dma_wait3A_493] : memref<80x125xi32, #tpu.memory_space<vmem>> -> memref<1x125xi32, #tpu.memory_space<vmem>>
          %dma_wait3A_495 = tpu.memref_squeeze %dma_wait3A_494 : memref<1x125xi32, #tpu.memory_space<vmem>> -> memref<125xi32, #tpu.memory_space<vmem>>
          %dma_wait3A_496 = arith.constant 0 : i32
          %dma_wait3A_497 = arith.constant 0 : i32
          %dma_wait3A_498 = tpu.memref_slice %arg9[%dma_wait3A_496, %dma_wait3A_497] : memref<10000x64xf32, #tpu.memory_space<vmem_shared>> -> memref<10000x64xf32, #tpu.memory_space<vmem_shared>>
          tpu.wait_indirect_dma semaphore(%arg24 : memref<!tpu.dma_semaphore, #tpu.memory_space<semaphore_mem>>) src(%dma_wait3A_492 : memref<125x64xf32, #tpu.memory_space<vmem>>) dst(%dma_wait3A_498 : memref<10000x64xf32, #tpu.memory_space<vmem_shared>>)
        } else {
        }
        %dma_start3A_476 = arith.constant 6 : i32
        %dma_start3A_477 = arith.constant 0 : i32
        %dma_start3A_478 = arith.constant 0 : i32
        %dma_start3A_479 = tpu.memref_slice %arg8[%dma_start3A_476, %dma_start3A_477, %dma_start3A_478] : memref<8x125x64xf32, #tpu.memory_space<vmem>> -> memref<1x125x64xf32, #tpu.memory_space<vmem>>
        %dma_start3A_480 = tpu.memref_squeeze %dma_start3A_479 : memref<1x125x64xf32, #tpu.memory_space<vmem>> -> memref<125x64xf32, #tpu.memory_space<vmem>>
        %dma_start3A_481 = arith.constant 0 : i32
        %dma_start3A_482 = tpu.memref_slice %arg6[%add3A_466, %dma_start3A_481] : memref<80x125xi32, #tpu.memory_space<vmem>> -> memref<1x125xi32, #tpu.memory_space<vmem>>
        %dma_start3A_483 = tpu.memref_squeeze %dma_start3A_482 : memref<1x125xi32, #tpu.memory_space<vmem>> -> memref<125xi32, #tpu.memory_space<vmem>>
        %dma_start3A_484 = arith.constant 0 : i32
        %dma_start3A_485 = arith.constant 0 : i32
        %dma_start3A_486 = tpu.memref_slice %arg2[%dma_start3A_484, %dma_start3A_485] : memref<10000x64xf32, #tpu.memory_space<hbm>> -> memref<10000x64xf32, #tpu.memory_space<hbm>>
        tpu.enqueue_indirect_dma source(%dma_start3A_486 : memref<10000x64xf32, #tpu.memory_space<hbm>>) target(%dma_start3A_480 : memref<125x64xf32, #tpu.memory_space<vmem>>) offsets(%dma_start3A_483 : memref<125xi32, #tpu.memory_space<vmem>>) semaphore(%arg16 : memref<!tpu.dma_semaphore, #tpu.memory_space<semaphore_mem>>)
      } else {
      }
    }
    %scan3A_97 = arith.constant 10 : i32
    %dma_wait3A = arith.constant 0 : i32
    %dma_wait3A_98 = arith.constant 0 : i32
    %dma_wait3A_99 = arith.constant 0 : i32
    %dma_wait3A_100 = arith.constant 0 : i32
    %dma_wait3A_101 = tpu.memref_slice %arg8[%dma_wait3A, %dma_wait3A_99, %dma_wait3A_100] : memref<8x125x64xf32, #tpu.memory_space<vmem>> -> memref<1x125x64xf32, #tpu.memory_space<vmem>>
    %dma_wait3A_102 = tpu.memref_squeeze %dma_wait3A_101 : memref<1x125x64xf32, #tpu.memory_space<vmem>> -> memref<125x64xf32, #tpu.memory_space<vmem>>
    %dma_wait3A_103 = arith.constant 0 : i32
    %dma_wait3A_104 = tpu.memref_slice %arg7[%dma_wait3A_98, %dma_wait3A_103] : memref<80x125xi32, #tpu.memory_space<vmem>> -> memref<1x125xi32, #tpu.memory_space<vmem>>
    %dma_wait3A_105 = tpu.memref_squeeze %dma_wait3A_104 : memref<1x125xi32, #tpu.memory_space<vmem>> -> memref<125xi32, #tpu.memory_space<vmem>>
    %dma_wait3A_106 = arith.constant 0 : i32
    %dma_wait3A_107 = arith.constant 0 : i32
    %dma_wait3A_108 = tpu.memref_slice %arg9[%dma_wait3A_106, %dma_wait3A_107] : memref<10000x64xf32, #tpu.memory_space<vmem_shared>> -> memref<10000x64xf32, #tpu.memory_space<vmem_shared>>
    tpu.wait_indirect_dma semaphore(%arg18 : memref<!tpu.dma_semaphore, #tpu.memory_space<semaphore_mem>>) src(%dma_wait3A_102 : memref<125x64xf32, #tpu.memory_space<vmem>>) dst(%dma_wait3A_108 : memref<10000x64xf32, #tpu.memory_space<vmem_shared>>)
    %dma_wait3A_109 = arith.constant 1 : i32
    %dma_wait3A_110 = arith.constant 0 : i32
    %dma_wait3A_111 = arith.constant 0 : i32
    %dma_wait3A_112 = arith.constant 0 : i32
    %dma_wait3A_113 = tpu.memref_slice %arg8[%dma_wait3A_109, %dma_wait3A_111, %dma_wait3A_112] : memref<8x125x64xf32, #tpu.memory_space<vmem>> -> memref<1x125x64xf32, #tpu.memory_space<vmem>>
    %dma_wait3A_114 = tpu.memref_squeeze %dma_wait3A_113 : memref<1x125x64xf32, #tpu.memory_space<vmem>> -> memref<125x64xf32, #tpu.memory_space<vmem>>
    %dma_wait3A_115 = arith.constant 0 : i32
    %dma_wait3A_116 = tpu.memref_slice %arg7[%dma_wait3A_110, %dma_wait3A_115] : memref<80x125xi32, #tpu.memory_space<vmem>> -> memref<1x125xi32, #tpu.memory_space<vmem>>
    %dma_wait3A_117 = tpu.memref_squeeze %dma_wait3A_116 : memref<1x125xi32, #tpu.memory_space<vmem>> -> memref<125xi32, #tpu.memory_space<vmem>>
    %dma_wait3A_118 = arith.constant 0 : i32
    %dma_wait3A_119 = arith.constant 0 : i32
    %dma_wait3A_120 = tpu.memref_slice %arg9[%dma_wait3A_118, %dma_wait3A_119] : memref<10000x64xf32, #tpu.memory_space<vmem_shared>> -> memref<10000x64xf32, #tpu.memory_space<vmem_shared>>
    tpu.wait_indirect_dma semaphore(%arg19 : memref<!tpu.dma_semaphore, #tpu.memory_space<semaphore_mem>>) src(%dma_wait3A_114 : memref<125x64xf32, #tpu.memory_space<vmem>>) dst(%dma_wait3A_120 : memref<10000x64xf32, #tpu.memory_space<vmem_shared>>)
    %dma_wait3A_121 = arith.constant 2 : i32
    %dma_wait3A_122 = arith.constant 0 : i32
    %dma_wait3A_123 = arith.constant 0 : i32
    %dma_wait3A_124 = arith.constant 0 : i32
    %dma_wait3A_125 = tpu.memref_slice %arg8[%dma_wait3A_121, %dma_wait3A_123, %dma_wait3A_124] : memref<8x125x64xf32, #tpu.memory_space<vmem>> -> memref<1x125x64xf32, #tpu.memory_space<vmem>>
    %dma_wait3A_126 = tpu.memref_squeeze %dma_wait3A_125 : memref<1x125x64xf32, #tpu.memory_space<vmem>> -> memref<125x64xf32, #tpu.memory_space<vmem>>
    %dma_wait3A_127 = arith.constant 0 : i32
    %dma_wait3A_128 = tpu.memref_slice %arg7[%dma_wait3A_122, %dma_wait3A_127] : memref<80x125xi32, #tpu.memory_space<vmem>> -> memref<1x125xi32, #tpu.memory_space<vmem>>
    %dma_wait3A_129 = tpu.memref_squeeze %dma_wait3A_128 : memref<1x125xi32, #tpu.memory_space<vmem>> -> memref<125xi32, #tpu.memory_space<vmem>>
    %dma_wait3A_130 = arith.constant 0 : i32
    %dma_wait3A_131 = arith.constant 0 : i32
    %dma_wait3A_132 = tpu.memref_slice %arg9[%dma_wait3A_130, %dma_wait3A_131] : memref<10000x64xf32, #tpu.memory_space<vmem_shared>> -> memref<10000x64xf32, #tpu.memory_space<vmem_shared>>
    tpu.wait_indirect_dma semaphore(%arg20 : memref<!tpu.dma_semaphore, #tpu.memory_space<semaphore_mem>>) src(%dma_wait3A_126 : memref<125x64xf32, #tpu.memory_space<vmem>>) dst(%dma_wait3A_132 : memref<10000x64xf32, #tpu.memory_space<vmem_shared>>)
    %dma_wait3A_133 = arith.constant 3 : i32
    %dma_wait3A_134 = arith.constant 0 : i32
    %dma_wait3A_135 = arith.constant 0 : i32
    %dma_wait3A_136 = arith.constant 0 : i32
    %dma_wait3A_137 = tpu.memref_slice %arg8[%dma_wait3A_133, %dma_wait3A_135, %dma_wait3A_136] : memref<8x125x64xf32, #tpu.memory_space<vmem>> -> memref<1x125x64xf32, #tpu.memory_space<vmem>>
    %dma_wait3A_138 = tpu.memref_squeeze %dma_wait3A_137 : memref<1x125x64xf32, #tpu.memory_space<vmem>> -> memref<125x64xf32, #tpu.memory_space<vmem>>
    %dma_wait3A_139 = arith.constant 0 : i32
    %dma_wait3A_140 = tpu.memref_slice %arg7[%dma_wait3A_134, %dma_wait3A_139] : memref<80x125xi32, #tpu.memory_space<vmem>> -> memref<1x125xi32, #tpu.memory_space<vmem>>
    %dma_wait3A_141 = tpu.memref_squeeze %dma_wait3A_140 : memref<1x125xi32, #tpu.memory_space<vmem>> -> memref<125xi32, #tpu.memory_space<vmem>>
    %dma_wait3A_142 = arith.constant 0 : i32
    %dma_wait3A_143 = arith.constant 0 : i32
    %dma_wait3A_144 = tpu.memref_slice %arg9[%dma_wait3A_142, %dma_wait3A_143] : memref<10000x64xf32, #tpu.memory_space<vmem_shared>> -> memref<10000x64xf32, #tpu.memory_space<vmem_shared>>
    tpu.wait_indirect_dma semaphore(%arg21 : memref<!tpu.dma_semaphore, #tpu.memory_space<semaphore_mem>>) src(%dma_wait3A_138 : memref<125x64xf32, #tpu.memory_space<vmem>>) dst(%dma_wait3A_144 : memref<10000x64xf32, #tpu.memory_space<vmem_shared>>)
    %dma_wait3A_145 = arith.constant 4 : i32
    %dma_wait3A_146 = arith.constant 0 : i32
    %dma_wait3A_147 = arith.constant 0 : i32
    %dma_wait3A_148 = arith.constant 0 : i32
    %dma_wait3A_149 = tpu.memref_slice %arg8[%dma_wait3A_145, %dma_wait3A_147, %dma_wait3A_148] : memref<8x125x64xf32, #tpu.memory_space<vmem>> -> memref<1x125x64xf32, #tpu.memory_space<vmem>>
    %dma_wait3A_150 = tpu.memref_squeeze %dma_wait3A_149 : memref<1x125x64xf32, #tpu.memory_space<vmem>> -> memref<125x64xf32, #tpu.memory_space<vmem>>
    %dma_wait3A_151 = arith.constant 0 : i32
    %dma_wait3A_152 = tpu.memref_slice %arg7[%dma_wait3A_146, %dma_wait3A_151] : memref<80x125xi32, #tpu.memory_space<vmem>> -> memref<1x125xi32, #tpu.memory_space<vmem>>
    %dma_wait3A_153 = tpu.memref_squeeze %dma_wait3A_152 : memref<1x125xi32, #tpu.memory_space<vmem>> -> memref<125xi32, #tpu.memory_space<vmem>>
    %dma_wait3A_154 = arith.constant 0 : i32
    %dma_wait3A_155 = arith.constant 0 : i32
    %dma_wait3A_156 = tpu.memref_slice %arg9[%dma_wait3A_154, %dma_wait3A_155] : memref<10000x64xf32, #tpu.memory_space<vmem_shared>> -> memref<10000x64xf32, #tpu.memory_space<vmem_shared>>
    tpu.wait_indirect_dma semaphore(%arg22 : memref<!tpu.dma_semaphore, #tpu.memory_space<semaphore_mem>>) src(%dma_wait3A_150 : memref<125x64xf32, #tpu.memory_space<vmem>>) dst(%dma_wait3A_156 : memref<10000x64xf32, #tpu.memory_space<vmem_shared>>)
    %dma_wait3A_157 = arith.constant 5 : i32
    %dma_wait3A_158 = arith.constant 0 : i32
    %dma_wait3A_159 = arith.constant 0 : i32
    %dma_wait3A_160 = arith.constant 0 : i32
    %dma_wait3A_161 = tpu.memref_slice %arg8[%dma_wait3A_157, %dma_wait3A_159, %dma_wait3A_160] : memref<8x125x64xf32, #tpu.memory_space<vmem>> -> memref<1x125x64xf32, #tpu.memory_space<vmem>>
    %dma_wait3A_162 = tpu.memref_squeeze %dma_wait3A_161 : memref<1x125x64xf32, #tpu.memory_space<vmem>> -> memref<125x64xf32, #tpu.memory_space<vmem>>
    %dma_wait3A_163 = arith.constant 0 : i32
    %dma_wait3A_164 = tpu.memref_slice %arg7[%dma_wait3A_158, %dma_wait3A_163] : memref<80x125xi32, #tpu.memory_space<vmem>> -> memref<1x125xi32, #tpu.memory_space<vmem>>
    %dma_wait3A_165 = tpu.memref_squeeze %dma_wait3A_164 : memref<1x125xi32, #tpu.memory_space<vmem>> -> memref<125xi32, #tpu.memory_space<vmem>>
    %dma_wait3A_166 = arith.constant 0 : i32
    %dma_wait3A_167 = arith.constant 0 : i32
    %dma_wait3A_168 = tpu.memref_slice %arg9[%dma_wait3A_166, %dma_wait3A_167] : memref<10000x64xf32, #tpu.memory_space<vmem_shared>> -> memref<10000x64xf32, #tpu.memory_space<vmem_shared>>
    tpu.wait_indirect_dma semaphore(%arg23 : memref<!tpu.dma_semaphore, #tpu.memory_space<semaphore_mem>>) src(%dma_wait3A_162 : memref<125x64xf32, #tpu.memory_space<vmem>>) dst(%dma_wait3A_168 : memref<10000x64xf32, #tpu.memory_space<vmem_shared>>)
    %dma_wait3A_169 = arith.constant 6 : i32
    %dma_wait3A_170 = arith.constant 0 : i32
    %dma_wait3A_171 = arith.constant 0 : i32
    %dma_wait3A_172 = arith.constant 0 : i32
    %dma_wait3A_173 = tpu.memref_slice %arg8[%dma_wait3A_169, %dma_wait3A_171, %dma_wait3A_172] : memref<8x125x64xf32, #tpu.memory_space<vmem>> -> memref<1x125x64xf32, #tpu.memory_space<vmem>>
    %dma_wait3A_174 = tpu.memref_squeeze %dma_wait3A_173 : memref<1x125x64xf32, #tpu.memory_space<vmem>> -> memref<125x64xf32, #tpu.memory_space<vmem>>
    %dma_wait3A_175 = arith.constant 0 : i32
    %dma_wait3A_176 = tpu.memref_slice %arg7[%dma_wait3A_170, %dma_wait3A_175] : memref<80x125xi32, #tpu.memory_space<vmem>> -> memref<1x125xi32, #tpu.memory_space<vmem>>
    %dma_wait3A_177 = tpu.memref_squeeze %dma_wait3A_176 : memref<1x125xi32, #tpu.memory_space<vmem>> -> memref<125xi32, #tpu.memory_space<vmem>>
    %dma_wait3A_178 = arith.constant 0 : i32
    %dma_wait3A_179 = arith.constant 0 : i32
    %dma_wait3A_180 = tpu.memref_slice %arg9[%dma_wait3A_178, %dma_wait3A_179] : memref<10000x64xf32, #tpu.memory_space<vmem_shared>> -> memref<10000x64xf32, #tpu.memory_space<vmem_shared>>
    tpu.wait_indirect_dma semaphore(%arg24 : memref<!tpu.dma_semaphore, #tpu.memory_space<semaphore_mem>>) src(%dma_wait3A_174 : memref<125x64xf32, #tpu.memory_space<vmem>>) dst(%dma_wait3A_180 : memref<10000x64xf32, #tpu.memory_space<vmem_shared>>)
    %dma_wait3A_181 = arith.constant 7 : i32
    %dma_wait3A_182 = arith.constant 0 : i32
    %dma_wait3A_183 = arith.constant 0 : i32
    %dma_wait3A_184 = arith.constant 0 : i32
    %dma_wait3A_185 = tpu.memref_slice %arg8[%dma_wait3A_181, %dma_wait3A_183, %dma_wait3A_184] : memref<8x125x64xf32, #tpu.memory_space<vmem>> -> memref<1x125x64xf32, #tpu.memory_space<vmem>>
    %dma_wait3A_186 = tpu.memref_squeeze %dma_wait3A_185 : memref<1x125x64xf32, #tpu.memory_space<vmem>> -> memref<125x64xf32, #tpu.memory_space<vmem>>
    %dma_wait3A_187 = arith.constant 0 : i32
    %dma_wait3A_188 = tpu.memref_slice %arg7[%dma_wait3A_182, %dma_wait3A_187] : memref<80x125xi32, #tpu.memory_space<vmem>> -> memref<1x125xi32, #tpu.memory_space<vmem>>
    %dma_wait3A_189 = tpu.memref_squeeze %dma_wait3A_188 : memref<1x125xi32, #tpu.memory_space<vmem>> -> memref<125xi32, #tpu.memory_space<vmem>>
    %dma_wait3A_190 = arith.constant 0 : i32
    %dma_wait3A_191 = arith.constant 0 : i32
    %dma_wait3A_192 = tpu.memref_slice %arg9[%dma_wait3A_190, %dma_wait3A_191] : memref<10000x64xf32, #tpu.memory_space<vmem_shared>> -> memref<10000x64xf32, #tpu.memory_space<vmem_shared>>
    tpu.wait_indirect_dma semaphore(%arg25 : memref<!tpu.dma_semaphore, #tpu.memory_space<semaphore_mem>>) src(%dma_wait3A_186 : memref<125x64xf32, #tpu.memory_space<vmem>>) dst(%dma_wait3A_192 : memref<10000x64xf32, #tpu.memory_space<vmem_shared>>)
    %barrier3A_193 = arith.constant 0 : index
    tpu.barrier barrier_id(%barrier3A_193)
    %mul3A_194 = arith.constant 624 : i32
    %mul3A_195 = arith.muli %arg1, %mul3A_194 : i32
    %multiple_of3A_196 = tpu.assume_multiple %mul3A_195, 8 : i32
    %lt3A_197 = arith.constant 15 : i32
    %lt3A_198 = arith.cmpi slt, %arg1, %lt3A_197 : i32
    %convert_element_type3A_199 = arith.extui %lt3A_198 : i1 to i32
    %cond3A_200 = arith.constant 0 : i32
    %cond3A_201 = arith.cmpi ne, %convert_element_type3A_199, %cond3A_200 : i32
    scf.if %cond3A_201 {
      "tpu.region"() ({
        %run_scoped3A_207 = tpu.sem_alloc : memref<!tpu.dma_semaphore, #tpu.memory_space<semaphore_mem>>
        %dma_start3A_208 = arith.constant 0 : i32
        %dma_start3A_209 = tpu.memref_slice %arg5[%arg0, %multiple_of3A_196, %dma_start3A_208] : memref<2x10000x64xf32, #tpu.memory_space<hbm>> -> memref<1x624x64xf32, #tpu.memory_space<hbm>>
        %dma_start3A_210 = tpu.memref_squeeze %dma_start3A_209 : memref<1x624x64xf32, #tpu.memory_space<hbm>> -> memref<624x64xf32, #tpu.memory_space<hbm>>
        %dma_start3A_211 = arith.constant 0 : i32
        %dma_start3A_212 = tpu.memref_slice %arg9[%multiple_of3A_196, %dma_start3A_211] : memref<10000x64xf32, #tpu.memory_space<vmem_shared>> -> memref<624x64xf32, #tpu.memory_space<vmem_shared>>
        tpu.enqueue_dma source(%dma_start3A_212 : memref<624x64xf32, #tpu.memory_space<vmem_shared>>) target(%dma_start3A_210 : memref<624x64xf32, #tpu.memory_space<hbm>>) target_semaphore(%run_scoped3A_207 : memref<!tpu.dma_semaphore, #tpu.memory_space<semaphore_mem>>)
        %dma_wait3A_213 = arith.constant 0 : i32
        %dma_wait3A_214 = tpu.memref_slice %arg5[%arg0, %multiple_of3A_196, %dma_wait3A_213] : memref<2x10000x64xf32, #tpu.memory_space<hbm>> -> memref<1x624x64xf32, #tpu.memory_space<hbm>>
        %dma_wait3A_215 = tpu.memref_squeeze %dma_wait3A_214 : memref<1x624x64xf32, #tpu.memory_space<hbm>> -> memref<624x64xf32, #tpu.memory_space<hbm>>
        %dma_wait3A_216 = arith.constant 0 : i32
        %dma_wait3A_217 = tpu.memref_slice %arg9[%multiple_of3A_196, %dma_wait3A_216] : memref<10000x64xf32, #tpu.memory_space<vmem_shared>> -> memref<624x64xf32, #tpu.memory_space<vmem_shared>>
        tpu.wait_dma2 semaphore(%run_scoped3A_207 : memref<!tpu.dma_semaphore, #tpu.memory_space<semaphore_mem>>) src(%dma_wait3A_217 : memref<624x64xf32, #tpu.memory_space<vmem_shared>>) dst(%dma_wait3A_215 : memref<624x64xf32, #tpu.memory_space<hbm>>)
        tpu.yield
      }) : () -> ()
    } else {
    }
    %eq3A_202 = arith.constant 15 : i32
    %eq3A_203 = arith.cmpi eq, %arg1, %eq3A_202 : i32
    %convert_element_type3A_204 = arith.extui %eq3A_203 : i1 to i32
    %cond3A_205 = arith.constant 0 : i32
    %cond3A_206 = arith.cmpi ne, %convert_element_type3A_204, %cond3A_205 : i32
    scf.if %cond3A_206 {
      "tpu.region"() ({
        %run_scoped3A_207 = tpu.sem_alloc : memref<!tpu.dma_semaphore, #tpu.memory_space<semaphore_mem>>
        %dma_start3A_208 = arith.constant 9360 : i32
        %dma_start3A_209 = arith.constant 0 : i32
        %dma_start3A_210 = tpu.memref_slice %arg5[%arg0, %dma_start3A_208, %dma_start3A_209] : memref<2x10000x64xf32, #tpu.memory_space<hbm>> -> memref<1x640x64xf32, #tpu.memory_space<hbm>>
        %dma_start3A_211 = tpu.memref_squeeze %dma_start3A_210 : memref<1x640x64xf32, #tpu.memory_space<hbm>> -> memref<640x64xf32, #tpu.memory_space<hbm>>
        %dma_start3A_212 = arith.constant 9360 : i32
        %dma_start3A_213 = arith.constant 0 : i32
        %dma_start3A_214 = tpu.memref_slice %arg9[%dma_start3A_212, %dma_start3A_213] : memref<10000x64xf32, #tpu.memory_space<vmem_shared>> -> memref<640x64xf32, #tpu.memory_space<vmem_shared>>
        tpu.enqueue_dma source(%dma_start3A_214 : memref<640x64xf32, #tpu.memory_space<vmem_shared>>) target(%dma_start3A_211 : memref<640x64xf32, #tpu.memory_space<hbm>>) target_semaphore(%run_scoped3A_207 : memref<!tpu.dma_semaphore, #tpu.memory_space<semaphore_mem>>)
        %dma_wait3A_215 = arith.constant 9360 : i32
        %dma_wait3A_216 = arith.constant 0 : i32
        %dma_wait3A_217 = tpu.memref_slice %arg5[%arg0, %dma_wait3A_215, %dma_wait3A_216] : memref<2x10000x64xf32, #tpu.memory_space<hbm>> -> memref<1x640x64xf32, #tpu.memory_space<hbm>>
        %dma_wait3A_218 = tpu.memref_squeeze %dma_wait3A_217 : memref<1x640x64xf32, #tpu.memory_space<hbm>> -> memref<640x64xf32, #tpu.memory_space<hbm>>
        %dma_wait3A_219 = arith.constant 9360 : i32
        %dma_wait3A_220 = arith.constant 0 : i32
        %dma_wait3A_221 = tpu.memref_slice %arg9[%dma_wait3A_219, %dma_wait3A_220] : memref<10000x64xf32, #tpu.memory_space<vmem_shared>> -> memref<640x64xf32, #tpu.memory_space<vmem_shared>>
        tpu.wait_dma2 semaphore(%run_scoped3A_207 : memref<!tpu.dma_semaphore, #tpu.memory_space<semaphore_mem>>) src(%dma_wait3A_221 : memref<640x64xf32, #tpu.memory_space<vmem_shared>>) dst(%dma_wait3A_218 : memref<640x64xf32, #tpu.memory_space<hbm>>)
        tpu.yield
      }) : () -> ()
    } else {
    }
    return
  }
}

module attributes {stable_mosaic.version = 14 : i64} {
  func.func @_mm1_body(%arg0: i32, %arg1: memref<2000x128xf32, #tpu.memory_space<vmem>>, %arg2: memref<128x32xf32, #tpu.memory_space<vmem>>, %arg3: memref<2000x32xf32, #tpu.memory_space<vmem>>) attributes {dimension_semantics = [#tpu.dimension_semantics<arbitrary>], iteration_bounds = array<i64: 5>, scalar_prefetch = 0 : i64, scratch_operands = 0 : i64, tpu.core_type = #tpu.core_type<tc>, window_params = [{transform_indices = @transform_0, window_bounds = array<i64: 2000, 128>}, {pipeline_mode = #tpu.pipeline_mode<synchronous>, transform_indices = @transform_1, window_bounds = array<i64: 128, 32>}, {transform_indices = @transform_2, window_bounds = array<i64: 2000, 32>}]} {
    %get3A = arith.constant 0 : index
    %get3A_0 = arith.constant 0 : index
    %get3A_1 = vector.load %arg1[%get3A, %get3A_0] : memref<2000x128xf32, #tpu.memory_space<vmem>>, vector<2000x128xf32>
    %get3A_2 = arith.constant 0 : index
    %get3A_3 = arith.constant 0 : index
    %get3A_4 = vector.load %arg2[%get3A_2, %get3A_3] : memref<128x32xf32, #tpu.memory_space<vmem>>, vector<128x32xf32>
    %dot_general3A = arith.constant dense<0.000000e+00> : vector<2000x32xf32>
    %dot_general3A_5 = tpu.matmul %get3A_1, %get3A_4, %dot_general3A {dimension_numbers = #tpu.dot_dimension_numbers<[1], [0], [0], [1], [0, 0, 1, 1], [], []>, transpose_lhs_hint = false} : vector<2000x128xf32>, vector<128x32xf32>, vector<2000x32xf32> -> vector<2000x32xf32>
    %swap3A = arith.constant 0 : index
    %swap3A_6 = arith.constant 0 : index
    %swap3A_7 = vector.load %arg3[%swap3A, %swap3A_6] : memref<2000x32xf32, #tpu.memory_space<vmem>>, vector<2000x32xf32>
    tpu.vector_store %arg3[%swap3A, %swap3A_6], %dot_general3A_5 {strides = array<i32>} : memref<2000x32xf32, #tpu.memory_space<vmem>>, vector<2000x32xf32>,
    return
  }
  func.func @transform_0(%arg0: i32) -> (i32, i32) {
    %c0_i32 = arith.constant 0 : i32
    %c0_i32_0 = arith.constant 0 : i32
    return %arg0, %c0_i32 : i32, i32
  }
  func.func @transform_1(%arg0: i32) -> (i32, i32) {
    %c0_i32 = arith.constant 0 : i32
    %c0_i32_0 = arith.constant 0 : i32
    %c0_i32_1 = arith.constant 0 : i32
    return %c0_i32, %c0_i32_0 : i32, i32
  }
  func.func @transform_2(%arg0: i32) -> (i32, i32) {
    %c0_i32 = arith.constant 0 : i32
    %c0_i32_0 = arith.constant 0 : i32
    return %arg0, %c0_i32 : i32, i32
  }
}

module attributes {stable_mosaic.version = 14 : i64} {
  func.func @_scale1_body(%arg0: i32, %arg1: memref<2x2000x16xf32, #tpu.memory_space<vmem>>, %arg2: memref<2000x32xf32, #tpu.memory_space<vmem>>, %arg3: memref<2000x32xf32, #tpu.memory_space<vmem>>) attributes {dimension_semantics = [#tpu.dimension_semantics<arbitrary>], iteration_bounds = array<i64: 5>, scalar_prefetch = 0 : i64, scratch_operands = 0 : i64, tpu.core_type = #tpu.core_type<tc>, window_params = [{transform_indices = @transform_0, window_bounds = array<i64: 2, 2000, 16>}, {transform_indices = @transform_1, window_bounds = array<i64: 2000, 32>}, {transform_indices = @transform_2, window_bounds = array<i64: 2000, 32>}]} {
    %get3A = arith.constant 0 : index
    %get3A_0 = arith.constant 0 : index
    %get3A_1 = vector.load %arg2[%get3A, %get3A_0] : memref<2000x32xf32, #tpu.memory_space<vmem>>, vector<2000x32xf32>
    %get3A_2 = arith.constant 0 : index
    %get3A_3 = arith.constant 0 : index
    %get3A_4 = arith.constant 0 : index
    %get3A_5 = vector.load %arg1[%get3A_2, %get3A_3, %get3A_4] : memref<2x2000x16xf32, #tpu.memory_space<vmem>>, vector<1x2000x1xf32>
    %get3A_6 = vector.shape_cast %get3A_5 : vector<1x2000x1xf32> to vector<2000x1xf32>
    %get3A_7 = arith.constant 1 : index
    %get3A_8 = arith.constant 0 : index
    %get3A_9 = arith.constant 0 : index
    %get3A_10 = vector.load %arg1[%get3A_7, %get3A_8, %get3A_9] : memref<2x2000x16xf32, #tpu.memory_space<vmem>>, vector<1x2000x1xf32>
    %get3A_11 = vector.shape_cast %get3A_10 : vector<1x2000x1xf32> to vector<2000x1xf32>
    %add3A = arith.addf %get3A_6, %get3A_11 : vector<2000x1xf32>
    %add3A_12 = arith.constant 1.000000e+00 : f32
    %add3A_13 = vector.broadcast %add3A_12 : f32 to vector<2000x1xf32>
    %add3A_14 = arith.addf %add3A, %add3A_13 : vector<2000x1xf32>
    %rsqrt3A = math.rsqrt %add3A_14 : vector<2000x1xf32>
    %mul3A = vector.broadcast %rsqrt3A : vector<2000x1xf32> to vector<2000x32xf32>
    %mul3A_15 = arith.mulf %get3A_1, %mul3A : vector<2000x32xf32>
    %swap3A = arith.constant 0 : index
    %swap3A_16 = arith.constant 0 : index
    %swap3A_17 = vector.load %arg3[%swap3A, %swap3A_16] : memref<2000x32xf32, #tpu.memory_space<vmem>>, vector<2000x32xf32>
    tpu.vector_store %arg3[%swap3A, %swap3A_16], %mul3A_15 {strides = array<i32>} : memref<2000x32xf32, #tpu.memory_space<vmem>>, vector<2000x32xf32>,
    return
  }
  func.func @transform_0(%arg0: i32) -> (i32, i32, i32) {
    %c0_i32 = arith.constant 0 : i32
    %c0_i32_0 = arith.constant 0 : i32
    %c0_i32_1 = arith.constant 0 : i32
    return %c0_i32, %arg0, %c0_i32_0 : i32, i32, i32
  }
  func.func @transform_1(%arg0: i32) -> (i32, i32) {
    %c0_i32 = arith.constant 0 : i32
    %c0_i32_0 = arith.constant 0 : i32
    return %arg0, %c0_i32 : i32, i32
  }
  func.func @transform_2(%arg0: i32) -> (i32, i32) {
    %c0_i32 = arith.constant 0 : i32
    %c0_i32_0 = arith.constant 0 : i32
    return %arg0, %c0_i32 : i32, i32
  }
}

module attributes {stable_mosaic.version = 14 : i64} {
  func.func @_mid_body(%arg0: i32, %arg1: memref<2x2000x16xf32, #tpu.memory_space<vmem>>, %arg2: memref<2x2000x32xf32, #tpu.memory_space<vmem>>, %arg3: memref<2000x32xf32, #tpu.memory_space<vmem>>, %arg4: memref<1x32xf32, #tpu.memory_space<vmem>>, %arg5: memref<32x64xf32, #tpu.memory_space<vmem>>, %arg6: memref<2000x64xf32, #tpu.memory_space<vmem>>) attributes {dimension_semantics = [#tpu.dimension_semantics<arbitrary>], iteration_bounds = array<i64: 5>, scalar_prefetch = 0 : i64, scratch_operands = 0 : i64, tpu.core_type = #tpu.core_type<tc>, window_params = [{transform_indices = @transform_0, window_bounds = array<i64: 2, 2000, 16>}, {transform_indices = @transform_1, window_bounds = array<i64: 2, 2000, 32>}, {transform_indices = @transform_2, window_bounds = array<i64: 2000, 32>}, {pipeline_mode = #tpu.pipeline_mode<synchronous>, transform_indices = @transform_3, window_bounds = array<i64: 1, 32>}, {pipeline_mode = #tpu.pipeline_mode<synchronous>, transform_indices = @transform_4, window_bounds = array<i64: 32, 64>}, {transform_indices = @transform_5, window_bounds = array<i64: 2000, 64>}]} {
    %get3A = arith.constant 0 : index
    %get3A_0 = arith.constant 0 : index
    %get3A_1 = arith.constant 0 : index
    %get3A_2 = vector.load %arg1[%get3A, %get3A_0, %get3A_1] : memref<2x2000x16xf32, #tpu.memory_space<vmem>>, vector<1x2000x1xf32>
    %get3A_3 = vector.shape_cast %get3A_2 : vector<1x2000x1xf32> to vector<2000x1xf32>
    %get3A_4 = arith.constant 1 : index
    %get3A_5 = arith.constant 0 : index
    %get3A_6 = arith.constant 0 : index
    %get3A_7 = vector.load %arg1[%get3A_4, %get3A_5, %get3A_6] : memref<2x2000x16xf32, #tpu.memory_space<vmem>>, vector<1x2000x1xf32>
    %get3A_8 = vector.shape_cast %get3A_7 : vector<1x2000x1xf32> to vector<2000x1xf32>
    %add3A = arith.addf %get3A_3, %get3A_8 : vector<2000x1xf32>
    %add3A_9 = arith.constant 1.000000e+00 : f32
    %add3A_10 = vector.broadcast %add3A_9 : f32 to vector<2000x1xf32>
    %add3A_11 = arith.addf %add3A, %add3A_10 : vector<2000x1xf32>
    %rsqrt3A = math.rsqrt %add3A_11 : vector<2000x1xf32>
    %get3A_12 = arith.constant 0 : index
    %get3A_13 = arith.constant 0 : index
    %get3A_14 = arith.constant 0 : index
    %get3A_15 = vector.load %arg2[%get3A_12, %get3A_13, %get3A_14] : memref<2x2000x32xf32, #tpu.memory_space<vmem>>, vector<1x2000x32xf32>
    %get3A_16 = vector.shape_cast %get3A_15 : vector<1x2000x32xf32> to vector<2000x32xf32>
    %get3A_17 = arith.constant 1 : index
    %get3A_18 = arith.constant 0 : index
    %get3A_19 = arith.constant 0 : index
    %get3A_20 = vector.load %arg2[%get3A_17, %get3A_18, %get3A_19] : memref<2x2000x32xf32, #tpu.memory_space<vmem>>, vector<1x2000x32xf32>
    %get3A_21 = vector.shape_cast %get3A_20 : vector<1x2000x32xf32> to vector<2000x32xf32>
    %add3A_22 = arith.addf %get3A_16, %get3A_21 : vector<2000x32xf32>
    %get3A_23 = arith.constant 0 : index
    %get3A_24 = arith.constant 0 : index
    %get3A_25 = vector.load %arg3[%get3A_23, %get3A_24] : memref<2000x32xf32, #tpu.memory_space<vmem>>, vector<2000x32xf32>
    %add3A_26 = arith.addf %add3A_22, %get3A_25 : vector<2000x32xf32>
    %mul3A = vector.broadcast %rsqrt3A : vector<2000x1xf32> to vector<2000x32xf32>
    %mul3A_27 = arith.mulf %add3A_26, %mul3A : vector<2000x32xf32>
    %get3A_28 = arith.constant 0 : index
    %get3A_29 = arith.constant 0 : index
    %get3A_30 = vector.load %arg4[%get3A_28, %get3A_29] : memref<1x32xf32, #tpu.memory_space<vmem>>, vector<1x32xf32>
    %add3A_31 = vector.broadcast %get3A_30 : vector<1x32xf32> to vector<2000x32xf32>
    %add3A_32 = arith.addf %mul3A_27, %add3A_31 : vector<2000x32xf32>
    %max3A = arith.constant 0.000000e+00 : f32
    %max3A_33 = vector.broadcast %max3A : f32 to vector<2000x32xf32>
    %max3A_34 = arith.maximumf %add3A_32, %max3A_33 : vector<2000x32xf32>
    %get3A_35 = arith.constant 0 : index
    %get3A_36 = arith.constant 0 : index
    %get3A_37 = vector.load %arg5[%get3A_35, %get3A_36] : memref<32x64xf32, #tpu.memory_space<vmem>>, vector<32x64xf32>
    %dot_general3A = arith.constant dense<0.000000e+00> : vector<2000x64xf32>
    %dot_general3A_38 = tpu.matmul %max3A_34, %get3A_37, %dot_general3A {dimension_numbers = #tpu.dot_dimension_numbers<[1], [0], [0], [1], [0, 0, 1, 1], [], []>, transpose_lhs_hint = false} : vector<2000x32xf32>, vector<32x64xf32>, vector<2000x64xf32> -> vector<2000x64xf32>
    %mul3A_39 = vector.broadcast %rsqrt3A : vector<2000x1xf32> to vector<2000x64xf32>
    %mul3A_40 = arith.mulf %dot_general3A_38, %mul3A_39 : vector<2000x64xf32>
    %swap3A = arith.constant 0 : index
    %swap3A_41 = arith.constant 0 : index
    %swap3A_42 = vector.load %arg6[%swap3A, %swap3A_41] : memref<2000x64xf32, #tpu.memory_space<vmem>>, vector<2000x64xf32>
    tpu.vector_store %arg6[%swap3A, %swap3A_41], %mul3A_40 {strides = array<i32>} : memref<2000x64xf32, #tpu.memory_space<vmem>>, vector<2000x64xf32>,
    return
  }
  func.func @transform_0(%arg0: i32) -> (i32, i32, i32) {
    %c0_i32 = arith.constant 0 : i32
    %c0_i32_0 = arith.constant 0 : i32
    %c0_i32_1 = arith.constant 0 : i32
    return %c0_i32, %arg0, %c0_i32_0 : i32, i32, i32
  }
  func.func @transform_1(%arg0: i32) -> (i32, i32, i32) {
    %c0_i32 = arith.constant 0 : i32
    %c0_i32_0 = arith.constant 0 : i32
    %c0_i32_1 = arith.constant 0 : i32
    return %c0_i32, %arg0, %c0_i32_0 : i32, i32, i32
  }
  func.func @transform_2(%arg0: i32) -> (i32, i32) {
    %c0_i32 = arith.constant 0 : i32
    %c0_i32_0 = arith.constant 0 : i32
    return %arg0, %c0_i32 : i32, i32
  }
  func.func @transform_3(%arg0: i32) -> (i32, i32) {
    %c0_i32 = arith.constant 0 : i32
    %c0_i32_0 = arith.constant 0 : i32
    %c0_i32_1 = arith.constant 0 : i32
    return %c0_i32, %c0_i32_0 : i32, i32
  }
  func.func @transform_4(%arg0: i32) -> (i32, i32) {
    %c0_i32 = arith.constant 0 : i32
    %c0_i32_0 = arith.constant 0 : i32
    %c0_i32_1 = arith.constant 0 : i32
    return %c0_i32, %c0_i32_0 : i32, i32
  }
  func.func @transform_5(%arg0: i32) -> (i32, i32) {
    %c0_i32 = arith.constant 0 : i32
    %c0_i32_0 = arith.constant 0 : i32
    return %arg0, %c0_i32 : i32, i32
  }
}

module attributes {stable_mosaic.version = 14 : i64} {
  func.func @_head_body(%arg0: i32, %arg1: memref<2x2000x16xf32, #tpu.memory_space<vmem>>, %arg2: memref<2x2000x64xf32, #tpu.memory_space<vmem>>, %arg3: memref<2000x64xf32, #tpu.memory_space<vmem>>, %arg4: memref<1x64xf32, #tpu.memory_space<vmem>>, %arg5: memref<2000x1xf32, #tpu.memory_space<vmem>>, %arg6: memref<64x8xf32, #tpu.memory_space<vmem>>, %arg7: memref<1x8xf32, #tpu.memory_space<vmem>>, %arg8: memref<8x1xf32, #tpu.memory_space<vmem>>, %arg9: memref<1x1xf32, #tpu.memory_space<vmem>>, %arg10: memref<64x1xf32, #tpu.memory_space<vmem>>, %arg11: memref<64x64xf32, #tpu.memory_space<vmem>>, %arg12: memref<64x1xf32, #tpu.memory_space<vmem>>) attributes {dimension_semantics = [#tpu.dimension_semantics<arbitrary>], iteration_bounds = array<i64: 5>, scalar_prefetch = 0 : i64, scratch_operands = 2 : i64, tpu.core_type = #tpu.core_type<tc>, window_params = [{transform_indices = @transform_0, window_bounds = array<i64: 2, 2000, 16>}, {transform_indices = @transform_1, window_bounds = array<i64: 2, 2000, 64>}, {transform_indices = @transform_2, window_bounds = array<i64: 2000, 64>}, {pipeline_mode = #tpu.pipeline_mode<synchronous>, transform_indices = @transform_3, window_bounds = array<i64: 1, 64>}, {transform_indices = @transform_4, window_bounds = array<i64: 2000, 1>}, {pipeline_mode = #tpu.pipeline_mode<synchronous>, transform_indices = @transform_5, window_bounds = array<i64: 64, 8>}, {pipeline_mode = #tpu.pipeline_mode<synchronous>, transform_indices = @transform_6, window_bounds = array<i64: 1, 8>}, {pipeline_mode = #tpu.pipeline_mode<synchronous>, transform_indices = @transform_7, window_bounds = array<i64: 8, 1>}, {pipeline_mode = #tpu.pipeline_mode<synchronous>, transform_indices = @transform_8, window_bounds = array<i64: 1, 1>}, {pipeline_mode = #tpu.pipeline_mode<synchronous>, transform_indices = @transform_9, window_bounds = array<i64: 64, 1>}]} {
    %eq3A = arith.constant 0 : i32
    %eq3A_0 = arith.cmpi eq, %arg0, %eq3A : i32
    %convert_element_type3A = arith.extui %eq3A_0 : i1 to i32
    %cond3A = arith.constant 0 : i32
    %cond3A_1 = arith.cmpi ne, %convert_element_type3A, %cond3A : i32
    scf.if %cond3A_1 {
      %broadcast_in_dim3A_69 = arith.constant 0.000000e+00 : f32
      %broadcast_in_dim3A_70 = vector.broadcast %broadcast_in_dim3A_69 : f32 to vector<64x64xf32>
      %swap3A_71 = arith.constant 0 : index
      %swap3A_72 = arith.constant 0 : index
      %swap3A_73 = vector.load %arg11[%swap3A_71, %swap3A_72] : memref<64x64xf32, #tpu.memory_space<vmem>>, vector<64x64xf32>
      tpu.vector_store %arg11[%swap3A_71, %swap3A_72], %broadcast_in_dim3A_70 {strides = array<i32>} : memref<64x64xf32, #tpu.memory_space<vmem>>, vector<64x64xf32>,
      %broadcast_in_dim3A_74 = arith.constant 0.000000e+00 : f32
      %broadcast_in_dim3A_75 = vector.broadcast %broadcast_in_dim3A_74 : f32 to vector<64x1xf32>
      %swap3A_76 = arith.constant 0 : index
      %swap3A_77 = arith.constant 0 : index
      %swap3A_78 = vector.load %arg12[%swap3A_76, %swap3A_77] : memref<64x1xf32, #tpu.memory_space<vmem>>, vector<64x1xf32>
      tpu.vector_store %arg12[%swap3A_76, %swap3A_77], %broadcast_in_dim3A_75 {strides = array<i32>} : memref<64x1xf32, #tpu.memory_space<vmem>>, vector<64x1xf32>,
    } else {
    }
    %get3A = arith.constant 0 : index
    %get3A_2 = arith.constant 0 : index
    %get3A_3 = arith.constant 0 : index
    %get3A_4 = vector.load %arg1[%get3A, %get3A_2, %get3A_3] : memref<2x2000x16xf32, #tpu.memory_space<vmem>>, vector<1x2000x1xf32>
    %get3A_5 = vector.shape_cast %get3A_4 : vector<1x2000x1xf32> to vector<2000x1xf32>
    %get3A_6 = arith.constant 1 : index
    %get3A_7 = arith.constant 0 : index
    %get3A_8 = arith.constant 0 : index
    %get3A_9 = vector.load %arg1[%get3A_6, %get3A_7, %get3A_8] : memref<2x2000x16xf32, #tpu.memory_space<vmem>>, vector<1x2000x1xf32>
    %get3A_10 = vector.shape_cast %get3A_9 : vector<1x2000x1xf32> to vector<2000x1xf32>
    %add3A = arith.addf %get3A_5, %get3A_10 : vector<2000x1xf32>
    %add3A_11 = arith.constant 1.000000e+00 : f32
    %add3A_12 = vector.broadcast %add3A_11 : f32 to vector<2000x1xf32>
    %add3A_13 = arith.addf %add3A, %add3A_12 : vector<2000x1xf32>
    %rsqrt3A = math.rsqrt %add3A_13 : vector<2000x1xf32>
    %get3A_14 = arith.constant 0 : index
    %get3A_15 = arith.constant 0 : index
    %get3A_16 = arith.constant 0 : index
    %get3A_17 = vector.load %arg2[%get3A_14, %get3A_15, %get3A_16] : memref<2x2000x64xf32, #tpu.memory_space<vmem>>, vector<1x2000x64xf32>
    %get3A_18 = vector.shape_cast %get3A_17 : vector<1x2000x64xf32> to vector<2000x64xf32>
    %get3A_19 = arith.constant 1 : index
    %get3A_20 = arith.constant 0 : index
    %get3A_21 = arith.constant 0 : index
    %get3A_22 = vector.load %arg2[%get3A_19, %get3A_20, %get3A_21] : memref<2x2000x64xf32, #tpu.memory_space<vmem>>, vector<1x2000x64xf32>
    %get3A_23 = vector.shape_cast %get3A_22 : vector<1x2000x64xf32> to vector<2000x64xf32>
    %add3A_24 = arith.addf %get3A_18, %get3A_23 : vector<2000x64xf32>
    %get3A_25 = arith.constant 0 : index
    %get3A_26 = arith.constant 0 : index
    %get3A_27 = vector.load %arg3[%get3A_25, %get3A_26] : memref<2000x64xf32, #tpu.memory_space<vmem>>, vector<2000x64xf32>
    %add3A_28 = arith.addf %add3A_24, %get3A_27 : vector<2000x64xf32>
    %mul3A = vector.broadcast %rsqrt3A : vector<2000x1xf32> to vector<2000x64xf32>
    %mul3A_29 = arith.mulf %add3A_28, %mul3A : vector<2000x64xf32>
    %get3A_30 = arith.constant 0 : index
    %get3A_31 = arith.constant 0 : index
    %get3A_32 = vector.load %arg4[%get3A_30, %get3A_31] : memref<1x64xf32, #tpu.memory_space<vmem>>, vector<1x64xf32>
    %add3A_33 = vector.broadcast %get3A_32 : vector<1x64xf32> to vector<2000x64xf32>
    %add3A_34 = arith.addf %mul3A_29, %add3A_33 : vector<2000x64xf32>
    %max3A = arith.constant 0.000000e+00 : f32
    %max3A_35 = vector.broadcast %max3A : f32 to vector<2000x64xf32>
    %max3A_36 = arith.maximumf %add3A_34, %max3A_35 : vector<2000x64xf32>
    %iota3A = tpu.iota {dimensions = array<i32: 1>} : vector<1x64xi32>
    %convert_element_type3A_37 = arith.sitofp %iota3A : vector<1x64xi32> to vector<1x64xf32>
    %get3A_38 = arith.constant 0 : index
    %get3A_39 = arith.constant 0 : index
    %get3A_40 = vector.load %arg5[%get3A_38, %get3A_39] : memref<2000x1xf32, #tpu.memory_space<vmem>>, vector<2000x1xf32>
    %eq3A_41 = vector.broadcast %get3A_40 : vector<2000x1xf32> to vector<2000x64xf32>
    %eq3A_42 = vector.broadcast %convert_element_type3A_37 : vector<1x64xf32> to vector<2000x64xf32>
    %eq3A_43 = arith.cmpf oeq, %eq3A_41, %eq3A_42 : vector<2000x64xf32>
    %jit3A = arith.constant 1.000000e+00 : f32
    %jit3A_44 = arith.constant 0.000000e+00 : f32
    %broadcast_in_dim3A = vector.broadcast %jit3A : f32 to vector<2000x64xf32>
    %broadcast_in_dim3A_45 = vector.broadcast %jit3A_44 : f32 to vector<2000x64xf32>
    %select_n3A = arith.select %eq3A_43, %broadcast_in_dim3A, %broadcast_in_dim3A_45 : vector<2000x64xi1>, vector<2000x64xf32>
    %get3A_46 = arith.constant 0 : index
    %get3A_47 = arith.constant 0 : index
    %get3A_48 = vector.load %arg11[%get3A_46, %get3A_47] : memref<64x64xf32, #tpu.memory_space<vmem>>, vector<64x64xf32>
    %dot_general3A = arith.constant dense<0.000000e+00> : vector<64x64xf32>
    %dot_general3A_49 = tpu.matmul %select_n3A, %max3A_36, %dot_general3A {dimension_numbers = #tpu.dot_dimension_numbers<[0], [0], [1], [1], [0, 1, 1, 1], [], []>, precision = #tpu.contract_precision<fp32>, transpose_lhs_hint = false} : vector<2000x64xf32>, vector<2000x64xf32>, vector<64x64xf32> -> vector<64x64xf32>
    %add3A_50 = arith.addf %get3A_48, %dot_general3A_49 : vector<64x64xf32>
    %swap3A = arith.constant 0 : index
    %swap3A_51 = arith.constant 0 : index
    %swap3A_52 = vector.load %arg11[%swap3A, %swap3A_51] : memref<64x64xf32, #tpu.memory_space<vmem>>, vector<64x64xf32>
    tpu.vector_store %arg11[%swap3A, %swap3A_51], %add3A_50 {strides = array<i32>} : memref<64x64xf32, #tpu.memory_space<vmem>>, vector<64x64xf32>,
    %broadcast_in_dim3A_53 = arith.constant 1.000000e+00 : f32
    %broadcast_in_dim3A_54 = vector.broadcast %broadcast_in_dim3A_53 : f32 to vector<2000x1xf32>
    %get3A_55 = arith.constant 0 : index
    %get3A_56 = arith.constant 0 : index
    %get3A_57 = vector.load %arg12[%get3A_55, %get3A_56] : memref<64x1xf32, #tpu.memory_space<vmem>>, vector<64x1xf32>
    %dot_general3A_58 = arith.constant dense<0.000000e+00> : vector<64x1xf32>
    %dot_general3A_59 = tpu.matmul %select_n3A, %broadcast_in_dim3A_54, %dot_general3A_58 {dimension_numbers = #tpu.dot_dimension_numbers<[0], [0], [1], [1], [0, 1, 1, 1], [], []>, precision = #tpu.contract_precision<fp32>, transpose_lhs_hint = false} : vector<2000x64xf32>, vector<2000x1xf32>, vector<64x1xf32> -> vector<64x1xf32>
    %add3A_60 = arith.addf %get3A_57, %dot_general3A_59 : vector<64x1xf32>
    %swap3A_61 = arith.constant 0 : index
    %swap3A_62 = arith.constant 0 : index
    %swap3A_63 = vector.load %arg12[%swap3A_61, %swap3A_62] : memref<64x1xf32, #tpu.memory_space<vmem>>, vector<64x1xf32>
    tpu.vector_store %arg12[%swap3A_61, %swap3A_62], %add3A_60 {strides = array<i32>} : memref<64x1xf32, #tpu.memory_space<vmem>>, vector<64x1xf32>,
    %eq3A_64 = arith.constant 4 : i32
    %eq3A_65 = arith.cmpi eq, %arg0, %eq3A_64 : i32
    %convert_element_type3A_66 = arith.extui %eq3A_65 : i1 to i32
    %cond3A_67 = arith.constant 0 : i32
    %cond3A_68 = arith.cmpi ne, %convert_element_type3A_66, %cond3A_67 : i32
    scf.if %cond3A_68 {
      %get3A_69 = arith.constant 0 : index
      %get3A_70 = arith.constant 0 : index
      %get3A_71 = vector.load %arg11[%get3A_69, %get3A_70] : memref<64x64xf32, #tpu.memory_space<vmem>>, vector<64x64xf32>
      %get3A_72 = arith.constant 0 : index
      %get3A_73 = arith.constant 0 : index
      %get3A_74 = vector.load %arg12[%get3A_72, %get3A_73] : memref<64x1xf32, #tpu.memory_space<vmem>>, vector<64x1xf32>
      %max3A_75 = arith.constant 1.000000e+00 : f32
      %max3A_76 = vector.broadcast %max3A_75 : f32 to vector<64x1xf32>
      %max3A_77 = arith.maximumf %get3A_74, %max3A_76 : vector<64x1xf32>
      %div3A = vector.broadcast %max3A_77 : vector<64x1xf32> to vector<64x64xf32>
      %div3A_78 = arith.divf %get3A_71, %div3A : vector<64x64xf32>
      %get3A_79 = arith.constant 0 : index
      %get3A_80 = arith.constant 0 : index
      %get3A_81 = vector.load %arg6[%get3A_79, %get3A_80] : memref<64x8xf32, #tpu.memory_space<vmem>>, vector<64x8xf32>
      %dot_general3A_82 = arith.constant dense<0.000000e+00> : vector<64x8xf32>
      %dot_general3A_83 = tpu.matmul %div3A_78, %get3A_81, %dot_general3A_82 {dimension_numbers = #tpu.dot_dimension_numbers<[1], [0], [0], [1], [0, 0, 1, 1], [], []>, transpose_lhs_hint = false} : vector<64x64xf32>, vector<64x8xf32>, vector<64x8xf32> -> vector<64x8xf32>
      %get3A_84 = arith.constant 0 : index
      %get3A_85 = arith.constant 0 : index
      %get3A_86 = vector.load %arg7[%get3A_84, %get3A_85] : memref<1x8xf32, #tpu.memory_space<vmem>>, vector<1x8xf32>
      %add3A_87 = vector.broadcast %get3A_86 : vector<1x8xf32> to vector<64x8xf32>
      %add3A_88 = arith.addf %dot_general3A_83, %add3A_87 : vector<64x8xf32>
      %max3A_89 = arith.constant 0.000000e+00 : f32
      %max3A_90 = vector.broadcast %max3A_89 : f32 to vector<64x8xf32>
      %max3A_91 = arith.maximumf %add3A_88, %max3A_90 : vector<64x8xf32>
      %get3A_92 = arith.constant 0 : index
      %get3A_93 = arith.constant 0 : index
      %get3A_94 = vector.load %arg8[%get3A_92, %get3A_93] : memref<8x1xf32, #tpu.memory_space<vmem>>, vector<8x1xf32>
      %dot_general3A_95 = arith.constant dense<0.000000e+00> : vector<64x1xf32>
      %dot_general3A_96 = tpu.matmul %max3A_91, %get3A_94, %dot_general3A_95 {dimension_numbers = #tpu.dot_dimension_numbers<[1], [0], [0], [1], [0, 0, 1, 1], [], []>, transpose_lhs_hint = false} : vector<64x8xf32>, vector<8x1xf32>, vector<64x1xf32> -> vector<64x1xf32>
      %get3A_97 = arith.constant 0 : index
      %get3A_98 = arith.constant 0 : index
      %get3A_99 = vector.load %arg9[%get3A_97, %get3A_98] : memref<1x1xf32, #tpu.memory_space<vmem>>, vector<1x1xf32>
      %add3A_100 = vector.broadcast %get3A_99 : vector<1x1xf32> to vector<64x1xf32>
      %add3A_101 = arith.addf %dot_general3A_96, %add3A_100 : vector<64x1xf32>
      %swap3A_102 = arith.constant 0 : index
      %swap3A_103 = arith.constant 0 : index
      %swap3A_104 = vector.load %arg10[%swap3A_102, %swap3A_103] : memref<64x1xf32, #tpu.memory_space<vmem>>, vector<64x1xf32>
      tpu.vector_store %arg10[%swap3A_102, %swap3A_103], %add3A_101 {strides = array<i32>} : memref<64x1xf32, #tpu.memory_space<vmem>>, vector<64x1xf32>,
    } else {
    }
    return
  }
  func.func @transform_0(%arg0: i32) -> (i32, i32, i32) {
    %c0_i32 = arith.constant 0 : i32
    %c0_i32_0 = arith.constant 0 : i32
    %c0_i32_1 = arith.constant 0 : i32
    return %c0_i32, %arg0, %c0_i32_0 : i32, i32, i32
  }
  func.func @transform_1(%arg0: i32) -> (i32, i32, i32) {
    %c0_i32 = arith.constant 0 : i32
    %c0_i32_0 = arith.constant 0 : i32
    %c0_i32_1 = arith.constant 0 : i32
    return %c0_i32, %arg0, %c0_i32_0 : i32, i32, i32
  }
  func.func @transform_2(%arg0: i32) -> (i32, i32) {
    %c0_i32 = arith.constant 0 : i32
    %c0_i32_0 = arith.constant 0 : i32
    return %arg0, %c0_i32 : i32, i32
  }
  func.func @transform_3(%arg0: i32) -> (i32, i32) {
    %c0_i32 = arith.constant 0 : i32
    %c0_i32_0 = arith.constant 0 : i32
    %c0_i32_1 = arith.constant 0 : i32
    return %c0_i32, %c0_i32_0 : i32, i32
  }
  func.func @transform_4(%arg0: i32) -> (i32, i32) {
    %c0_i32 = arith.constant 0 : i32
    %c0_i32_0 = arith.constant 0 : i32
    return %arg0, %c0_i32 : i32, i32
  }
  func.func @transform_5(%arg0: i32) -> (i32, i32) {
    %c0_i32 = arith.constant 0 : i32
    %c0_i32_0 = arith.constant 0 : i32
    %c0_i32_1 = arith.constant 0 : i32
    return %c0_i32, %c0_i32_0 : i32, i32
  }
  func.func @transform_6(%arg0: i32) -> (i32, i32) {
    %c0_i32 = arith.constant 0 : i32
    %c0_i32_0 = arith.constant 0 : i32
    %c0_i32_1 = arith.constant 0 : i32
    return %c0_i32, %c0_i32_0 : i32, i32
  }
  func.func @transform_7(%arg0: i32) -> (i32, i32) {
    %c0_i32 = arith.constant 0 : i32
    %c0_i32_0 = arith.constant 0 : i32
    %c0_i32_1 = arith.constant 0 : i32
    return %c0_i32, %c0_i32_0 : i32, i32
  }
  func.func @transform_8(%arg0: i32) -> (i32, i32) {
    %c0_i32 = arith.constant 0 : i32
    %c0_i32_0 = arith.constant 0 : i32
    %c0_i32_1 = arith.constant 0 : i32
    return %c0_i32, %c0_i32_0 : i32, i32
  }
  func.func @transform_9(%arg0: i32) -> (i32, i32) {
    %c0_i32 = arith.constant 0 : i32
    %c0_i32_0 = arith.constant 0 : i32
    %c0_i32_1 = arith.constant 0 : i32
    return %c0_i32, %c0_i32_0 : i32, i32
  }
}

</mosaic_0001>

<sc_bundles>
// kernel: kernel.12.cloned.1.call-start
scs
__scs_entry_jumppad:
0x0: {  	(pc) =	sbr.rel $0x88, $3  }
0x1: {  	(tag) =	ssettag $0x0;
	lr =	simm.s32 $0x1  }
0x2: {  	[smem:$0x3F96] =	sst lr;
	_ =	strace $0xD0000000  }
0x3: {  	_ = 	snop  }
0x4: {  	_ = 	snop  }
0x5: {  	_ = 	snop  }
0x6: {  	_ = 	snop  }
0x7: {  	_ = 	snop  }
__scs_overlays_trampoline_lowered:
0x8: {  	[smem:$0x3FA5] =	sst s0  }
0x9: {  	[smem:$0x3FA6] =	sst s1  }
0xa: {  	[smem:$0x3FA7] =	sst s2  }
0xb: {  	[smem:$0x3FA8] =	sst s3  }
0xc: {  	[smem:$0x3FA9] =	sst s4  }
0xd: {  	[smem:$0x3FAA] =	sst s5  }
0xe: {  	[smem:$0x3FAB] =	sst s6  }
0xf: {  	[smem:$0x3FAC] =	sst s7  }
0x10: {  	[smem:$0x3FAD] =	sst s8  }
0x11: {  	[smem:$0x3FAE] =	sst s9;
	s0 =	simm.s32 @!p0 $0x0  }
0x12: {  	s1 =	sld [smem:$0x3F94];
	s0 =	simm.s32 @p0 $0x1  }
0x13: {  	[smem:$0x3FAF] =	sst s0;
	s0 =	simm.s32 @!p1 $0x0  }
0x14: {  	s2 =	sld [smem:$0x3F93];
	s0 =	simm.s32 @p1 $0x1  }
0x15: {  	[smem:$0x3FB0] =	sst s0;
	s0 =	simm.s32 @!p2 $0x0  }
0x16: {  	s3 =	sld [smem:$0x3FDB];
	s0 =	simm.s32 @p2 $0x1  }
0x17: {  	s4 =	simm.s32 $0x1BF5;
	[smem:$0x3FB2] =	sst s0  }
0x18: {  	s0 =	sld [smem:$0x3F95];
	_ =	swait.ge [sflag:s4], $0x0  }
0x19: {  	s7 =	sld [smem:$0x3F96]  }
0x1a: {  	s8 =	sadd.s32 $0xFFFFE003, lr  }
0x1b: {  	s9 =	sadd.s32 $0xFFFFFEF7, lr;
	s5 =	simm.s32 $0xFFFFFFFF;
	p2 =	slt.u32 s8, $0xFFFFF086  }
0x1c: {  	p1 =	slt.u32 s9, $0xF7A;
	s5 =	simm.s32 @!p2 $0x0  }
0x1d: {  	s5 =	simm.s32 @p1 $0x1;
	p0 =	seq.s32 s7, s2  }
0x1e: {  	s7 =	smul.u32 @!p0 $0xF7A, s2;
	p2 =	seq.s32 @!p0 s5, $0x0  }
0x1f: {  	s9 =	smul.u32 $0xF7A, s1;
	s8 =	simm.s32 @!p0 $0x1BF5;
	p2 =	por !p2, p0  }
0x20: {  	[sflag:s8] =	ssyncset.s32 @!p0 $0xFFFFF086;
	s6 =	sadd.s32 @!p0 s3, s7;
	s7 =	simm.s32 @!p0 $0x108  }
0x21: {  	s3 =	sadd.s32 s3, s9;
	s6 =	sadd.s32 @!p0 $0x88, s6;
	s7 =	simm.s32 @p2 $0x1082  }
0x22: {  	[simem:s7], [sflag:s8] =	dma.local @!p0 [hbm:s6], $0xF7A  }
0x23: {  	s9 =	sor.u32 $0xD0000000, s2;
	s6 =	simm.s32 $0x108;
	_ =	swait.ge @!p0 [sflag:s8], $0x0  }
0x24: {  	s3 =	sadd.s32 $0x88, s3;
	s6 =	simm.s32 @!p1 $0x1082;
	[sflag:s4] =	ssyncset.s32 $0xFFFFF086  }
0x25: {  	[simem:s6], [sflag:s4] =	dma.local [hbm:s3], $0xF7A  }
0x26: {  	[smem:$0x3F96] =	sst s1;
	(tag) =	ssettag s2;
	_ =	strace s9  }
0x27: {  	s1 =	sld [smem:$0x3FA6]  }
0x28: {  	s2 =	sld [smem:$0x3FA7]  }
0x29: {  	s4 =	sld [smem:$0x3FA9]  }
0x2a: {  	p0 =	seq.s32 s5, $0x0;
	s5 =	sld [smem:$0x3FAA]  }
0x2b: {  	s6 =	sld [smem:$0x3FAB]  }
0x2c: {  	s7 =	sld [smem:$0x3FAC]  }
0x2d: {  	s3 =	simm.s32 $0x108;
	s8 =	sld [smem:$0x3FAD]  }
0x2e: {  	s3 =	simm.s32 @!p0 $0x1082;
	s9 =	sld [smem:$0x3FAE]  }
0x2f: {  	lr =	sadd.s32 s0, s3;
	s0 =	sld [smem:$0x3FA5]  }
0x30: {  	s3 =	sld [smem:$0x3FA8]  }
0x31: {  	[smem:$0x3FB1] =	sst s10  }
0x32: {  	s10 =	sld [smem:$0x3FAF];
	_ =	sdelay $0x3  }
0x33: {  	p0 =	seq.s32 s10, $0x1;
	s10 =	sld [smem:$0x3FB1];
	_ =	sdelay $0x3  }
0x34: {  	[smem:$0x3FB1] =	sst s10  }
0x35: {  	s10 =	sld [smem:$0x3FB0];
	_ =	sdelay $0x3  }
0x36: {  	p1 =	seq.s32 s10, $0x1;
	s10 =	sld [smem:$0x3FB1];
	_ =	sdelay $0x3  }
0x37: {  	[smem:$0x3FB1] =	sst s10  }
0x38: {  	s10 =	sld [smem:$0x3FB2]  }
0x39: {  	_ = 	snop;
	(pc) =	sbr.ind lr, $3  }
0x3a: {  	_ = 	snop  }
0x3b: {  	_ = 	snop  }
0x3c: {  	p2 =	seq.s32 s10, $0x1;
	s10 =	sld [smem:$0x3FB1]  }
0x3d: {  	_ =	shalt  }
0x3e: {  	_ =	shalt  }
0x3f: {  	_ =	shalt  }
0x40: {  	_ =	shalt  }
0x41: {  	_ =	shalt  }
0x42: {  	_ =	shalt  }
0x43: {  	_ =	shalt  }
0x44: {  	_ =	shalt  }
0x45: {  	_ =	shalt  }
0x46: {  	_ =	shalt  }
0x47: {  	_ =	shalt  }
0x48: {  	_ =	shalt  }
0x49: {  	_ =	shalt  }
0x4a: {  	_ =	shalt  }
0x4b: {  	_ =	shalt  }
0x4c: {  	_ =	shalt  }
0x4d: {  	_ =	shalt  }
0x4e: {  	_ =	shalt  }
0x4f: {  	_ =	shalt  }
0x50: {  	_ =	shalt  }
0x51: {  	_ =	shalt  }
0x52: {  	_ =	shalt  }
0x53: {  	_ =	shalt  }
0x54: {  	_ =	shalt  }
0x55: {  	_ =	shalt  }
0x56: {  	_ =	shalt  }
0x57: {  	_ =	shalt  }
0x58: {  	_ =	shalt  }
0x59: {  	_ =	shalt  }
0x5a: {  	_ =	shalt  }
0x5b: {  	_ =	shalt  }
0x5c: {  	_ =	shalt  }
0x5d: {  	_ =	shalt  }
0x5e: {  	_ =	shalt  }
0x5f: {  	_ =	shalt  }
0x60: {  	_ =	shalt  }
0x61: {  	_ =	shalt  }
0x62: {  	_ =	shalt  }
0x63: {  	_ =	shalt  }
0x64: {  	_ =	shalt  }
0x65: {  	_ =	shalt  }
0x66: {  	_ =	shalt  }
0x67: {  	_ =	shalt  }
0x68: {  	_ =	shalt  }
0x69: {  	_ =	shalt  }
0x6a: {  	_ =	shalt  }
0x6b: {  	_ =	shalt  }
0x6c: {  	_ =	shalt  }
0x6d: {  	_ =	shalt  }
0x6e: {  	_ =	shalt  }
0x6f: {  	_ =	shalt  }
0x70: {  	_ =	shalt  }
0x71: {  	_ =	shalt  }
0x72: {  	_ =	shalt  }
0x73: {  	_ =	shalt  }
0x74: {  	_ =	shalt  }
0x75: {  	_ =	shalt  }
0x76: {  	_ =	shalt  }
0x77: {  	_ =	shalt  }
0x78: {  	_ =	shalt  }
0x79: {  	_ =	shalt  }
0x7a: {  	_ =	shalt  }
0x7b: {  	_ =	shalt  }
0x7c: {  	_ =	shalt  }
0x7d: {  	_ =	shalt  }
0x7e: {  	_ =	shalt  }
0x7f: {  	_ =	shalt  }
0x80: {  	_ =	shalt  }
0x81: {  	_ =	shalt  }
0x82: {  	_ =	shalt  }
0x83: {  	_ =	shalt  }
0x84: {  	_ =	shalt  }
0x85: {  	_ =	shalt  }
0x86: {  	_ =	shalt  }
0x87: {  	_ =	shalt  }
.Lfunc_end0:
.L_simem_size_0:
called_computation.1_lowered:
.L_overlay_start_0:
0x88: {  	s2 =	sld [smem:$0x3FD9]  }
0x89: {  	s3 =	sld [smem:$0x3FFE];
	_ =	sdelay $0x1  }
0x8a: {  	s1 =	srdreg.scid  }
0x8b: {  	s0 =	sand.u32 $0x1, s1  }
0x8c: {  	s16 =	sshll.u32 s0, $0xA;
	s2 =	sadd.s32 s3, s2  }
0x8d: {  	s2 =	sadd.s32 s2, s16  }
0x8e: {  	[smem:$0x3FBD] =	sst s2  }
0x8f: {  	_ = 	snop  }
0x90: {  	(tm) =	ssettm $0x1  }
0x91: {  	s17 =	sld [smem:$0x3FFB];
	_ =	sdelay $0x3  }
0x92: {  	_ =	strace s17  }
0x93: {  	s2 =	sld [smem:$0x3FFC];
	_ =	sdelay $0x3  }
0x94: {  	_ =	strace s2  }
0x95: {  	s2 =	sld [smem:$0x3FFD];
	_ =	sdelay $0x3  }
0x96: {  	_ =	strace s2  }
0x97: {  	_ =	strace $0x8FFFFFFF  }
0x98: {  	s18 =	sld [smem:$0x3FDB];
	_ =	sdelay $0x1  }
0x99: {  	s19 =	simm.s32 $_scs_section_size  }
0x9a: {  	s4 =	simm.s32 $_size__tile_overlayer_lowered;
	s5 =	simm.s32 $_tile_overlayer_lowered  }
0x9b: {  	s22 =	simm.s32 $0x1BFF;
	s21 =	sshll.u32 s5, $0x1;
	s2 =	sadd.s32 s19, s18  }
0x9c: {  	s6 =	simm.s32 $0x0;
	s20 =	sshll.u32 s4, $0x1;
	s4 =	sadd.s32 s21, s2  }
0x9d: {  	[timem:s6], [sflag:s22] =	dma.local [hbm:s4], s20  }
0x9e: {  	_ =	swait.ge [sflag:s22], s20  }
0x9f: {  	s3 =	ssub.s32 $0x0, s20;
	[sflag:s22] =	ssyncset.done $0x0  }
0xa0: {  	[sflag:s22] =	ssyncadd.s32 s3;
	_ =	sdelay $0x1  }
0xa1: {  	s23 =	simm.s32 $0x1B8B  }
0xa2: {  	_ =	swait.ge [sflag:s23], $0x1  }
0xa3: {  	[sflag:s23] =	ssyncset.done $0x0  }
0xa4: {  	s25 =	simm.s32 $0x1B8E;
	s24 =	sld [smem:$0x3FFE];
	[sflag:s23] =	ssyncadd.s32 $0xFFFFFFFF  }
0xa5: {  	s26 =	simm.s32 $execute0_lowered;
	[smem:$0x3FD2] =	sst s25  }
0xa6: {  	s4 =	sshll.u32 s26, $0x1;
	_ =	strace $0x80000049;
	[dreg:$0x1] =	wrdreg $0xFFFFFFFF  }
0xa7: {  	s28 =	simm.s32 $_size_execute0_lowered;
	s2 =	sadd.s32 s2, s4;
	[dreg:$0x0] =	wrdreg $0x0  }
0xa8: {  	s4 =	sshll.u32 s28, $0x1;
	[dreg:$0x2] =	wrdreg s2  }
0xa9: {  	[dreg:$0x3] =	wrdreg s4  }
0xaa: {  	[dreg:$0x4] =	wrdreg $0xC0  }
0xab: {  	_ =	task [dreg:s6], $0x5FFFF  }
0xac: {  	[dreg:$0x1] =	wrdreg $0xFFFFFFFF  }
0xad: {  	[dreg:$0x0] =	wrdreg $0x60  }
0xae: {  	[dreg:$0x2] =	wrdreg s24  }
0xaf: {  	[dreg:$0x3] =	wrdreg $0xCD000  }
0xb0: {  	[dreg:$0x4] =	wrdreg $0x9  }
0xb1: {  	_ =	task.clear_ibuf [dreg:s6], $0x5FFFF;
	_ =	strace $0x90000049  }
0xb2: {  	s29 =	simm.s32 $0x9;
	_ =	strace $0x8000004B  }
0xb3: {  	_ =	swait.ge [sflag:s29], $0x1  }
0xb4: {  	[sflag:s29] =	ssyncadd.s32 $0xFFFFFFFF  }
0xb5: {  	_ =	strace $0x9000004B  }
0xb6: {  	_ =	sfence  }
0xb7: {  	s30 =	sld [smem:$0x0];
	_ =	sdelay $0x2  }
0xb8: {  	s31 =	sshll.u32 s1, $0xD;
	s1 =	sshrl.u32 s1, $0x2  }
0xb9: {  	s3 =	sand.u32 $0x4000, s31;
	s1 =	sadd.s32 s1, s30  }
0xba: {  	s0 =	sor.u32 s3, s0;
	s1 =	sshll.u32 s1, $0x11  }
0xbb: {  	s0 =	sor.u32 s1, s0  }
0xbc: {  	s0 =	sadd.s32 $0x8F2B, s0  }
0xbd: {  	[sflag:s0] =	ssyncadd.remote.s32 $0x1  }
0xbe: {  	_ =	sfence.sel $0xFFFF  }
0xbf: {  	[dreg:$0x0] =	wrdreg $0xFFFFFFFF;
	(pc) =	sbr.abs _section_cstart, $3  }
0xc0: {  	[dreg:$0x1] =	wrdreg $0xFFFFFFFF  }
0xc1: {  	_ =	task.clear_ibuf [dreg:s6], $0x2FFFF;
	_ =	strace $0x9FFFFFFF  }
0xc2: {  	(tm) =	ssettm $0x7FFFFFFF  }
0xc3: {  	_ =	shalt  }
tec
execute0_lowered:
.L_overlay_start_1:
0x0: {  	(tag) =	ssettag $0x1  }
0x1: {  	s0 =	srdreg.scid;
	s1 =	rddreg [dreg:$0x0]  }
0x2: {  	s10 =	stileid.u32;
	s2 =	rddreg [dreg:$0x1];
	s4 =	simm.s32 $0x0  }
0x3: {  	s15 =	simm.s32 $0x11;
	s17 =	simm.s32 $0x7D;
	s18 =	simm.s32 $0x5000  }
0x4: {  	s20 =	simm.s32 $0x5FA0;
	s24 =	simm.s32 $0x7EE0;
	s29 =	simm.s32 $0x9E20  }
0x5: {  	s31 =	simm.s32 $0xADC0;
	s16 =	simm.s32 $0x2;
	s19 =	simm.s32 $0x4  }
0x6: {  	s21 =	simm.s32 $0x6;
	s22 =	simm.s32 $0x8;
	s0 =	sand.u32 $0x1, s0  }
0x7: {  	[smem:$0x7FF] =	sst s4;
	s5 =	smul.u32 $0x4E00, s10;
	s4 =	sadd.s32 $0x16000, s1  }
0x8: {  	s8 =	sadd.s32 $0x29C00, s1;
	p0 =	seq.s32 s10, $0xF;
	s3 =	sshll.u32 s0, $0x4  }
0x9: {  	_ =	strace $0x8000004A;
	s7 =	ssub.s32 $0x2, s0;
	s0 =	smul.u32 $0x4E200, s0  }
0xa: {  	s3 =	sor.u32 s10, s3;
	s6 =	sshrl.u32 s5, $0x3;
	s9 =	sshrl.u32 s7, $0x1  }
0xb: {  	s3 =	smul.u32 $0x2800, s3;
	s6 =	sadd.s32 s6, s1;
	s7 =	ssub.s32 s7, s9  }
0xc: {  	s9 =	sadd.s32 s5, s2;
	s28 =	sadd.s32 s5, s0;
	s0 =	sshrl.u32 s0, $0x3  }
0xd: {  	s5 =	simm.s32 $0xE;
	s6 =	sadd.s32 $0x1FE00, s6;
	s0 =	sadd.s32 s8, s0  }
0xe: {  	s30 =	smax.u32 s7, $0x1;
	s14 =	sshrl.u32 @!p0 s9, $0x3;
	s7 =	simm.s32 $0x10  }
0xf: {  	s3 =	sshrl.u32 s3, $0x3;
	[dreg:$0x3] =	wrdreg s6;
	s6 =	sadd.s32 $0x49200, s2  }
0x10: {  	s0 =	sadd.s32 $0x9240, s0;
	[dreg:$0x9] =	wrdreg s30;
	s3 =	sadd.s32 s3, s1  }
0x11: {  	s1 =	sadd.s32 $0x29040, s1;
	[dreg:$0x8] =	wrdreg s0;
	s12 =	sshrl.u32 @p0 s6, $0x3  }
.Ltmp0:
0x12: {  	s0 =	sshll.u32 @!p0 s10, $0x6;
	s6 =	simm.s32 $0xF;
	(pc) =	sbr.rel .LBB2_1-.Ltmp0, $4  }
0x13: {  	[dreg:$0x4] =	wrdreg s1;
	s26 =	sadd.s32 $0x2000, s3;
	s3 =	sadd.s32 $0xC000, s3  }
0x14: {  	s1 =	sshrl.u32 s28, $0x3;
	s13 =	sor.u32 @!p0 $0x1C11, s0;
	[dreg:$0x5] =	wrdreg s26  }
0x15: {  	s0 =	simm.s32 $0xBD60;
	[dreg:$0x6] =	wrdreg s3;
	s1 =	sadd.s32 s8, s1  }
0x16: {  	s8 =	simm.s32 $0x0;
	[dreg:$0x7] =	wrdreg s1;
	s1 =	simm.s32 $0x1  }
.LBB2_4:
0x17: {  	s3 =	simm.s32 $0x9  }
0x18: {  	_ =	swait.ge [sflag:s3], $0xFA0  }
0x19: {  	[sflag:s3] =	ssyncset.done $0x0  }
0x1a: {  	s23 =	simm.s32 $0xA;
	[sflag:s3] =	ssyncadd.s32 $0xFFFFF060  }
0x1b: {  	_ =	swait.ge [sflag:s23], $0xFA0  }
0x1c: {  	[sflag:s23] =	ssyncset.done $0x0  }
0x1d: {  	s25 =	simm.s32 $0xB;
	[sflag:s23] =	ssyncadd.s32 $0xFFFFF060  }
0x1e: {  	_ =	swait.ge [sflag:s25], $0xFA0  }
0x1f: {  	[sflag:s25] =	ssyncset.done $0x0  }
0x20: {  	s26 =	simm.s32 $0xC;
	[sflag:s25] =	ssyncadd.s32 $0xFFFFF060  }
0x21: {  	_ =	swait.ge [sflag:s26], $0xFA0  }
0x22: {  	[sflag:s26] =	ssyncset.done $0x0  }
0x23: {  	s28 =	simm.s32 $0xD;
	[sflag:s26] =	ssyncadd.s32 $0xFFFFF060  }
0x24: {  	_ =	swait.ge [sflag:s28], $0xFA0  }
0x25: {  	[sflag:s28] =	ssyncset.done $0x0  }
0x26: {  	[sflag:s28] =	ssyncadd.s32 $0xFFFFF060  }
0x27: {  	_ =	swait.ge [sflag:s5], $0xFA0  }
0x28: {  	[sflag:s5] =	ssyncset.done $0x0  }
0x29: {  	[sflag:s5] =	ssyncadd.s32 $0xFFFFF060  }
0x2a: {  	_ =	swait.ge [sflag:s6], $0xFA0  }
0x2b: {  	[sflag:s6] =	ssyncset.done $0x0  }
0x2c: {  	[sflag:s6] =	ssyncadd.s32 $0xFFFFF060  }
0x2d: {  	_ =	swait.ge [sflag:s7], $0xFA0  }
0x2e: {  	[sflag:s7] =	ssyncset.done $0x0  }
0x2f: {  	[sflag:s7] =	ssyncadd.s32 $0xFFFFF060  }
0x30: {  	[bflag:$0x0] =	sbarrier.arrive $0xFFFF  }
0x31: {  	s3 =	simm.s32 @p0 $0x1FD1;
	s9 =	rddreg [dreg:$0x8]  }
0x32: {  	[hbm:s9], [sflag:s3] =	dma.local @p0 [spmem:s12], $0xA00  }
0x33: {  	s3 =	simm.s32 @p0 $0x11  }
0x34: {  	_ =	swait.ge @p0 [sflag:s3], $0xA00  }
0x35: {  	[sflag:s3] =	ssyncset.done @p0 $0x0  }
0x36: {  	[sflag:s3] =	ssyncadd.s32 @p0 $0xFFFFF600;
	s3 =	rddreg [dreg:$0x7]  }
0x37: {  	[hbm:s3], [sflag:s13] =	dma.local @!p0 [spmem:s14], $0x9C0  }
0x38: {  	s3 =	simm.s32 @!p0 $0x11  }
0x39: {  	_ =	swait.ge @!p0 [sflag:s3], $0x9C0  }
0x3a: {  	s8 =	sadd.s32 $0x1, s8;
	s30 =	rddreg [dreg:$0x9]  }
0x3b: {  	p1 =	sne.s32 s8, s30  }
.Ltmp1:
0x3c: {  	_ = 	snop;
	(pc) =	sbr.rel @!p1 .LBB2_5-.Ltmp1, $3  }
0x3d: {  	_ =	sdelay $0x1  }
0x3e: {  	[sflag:s3] =	ssyncset.done @!p0 $0x0  }
0x3f: {  	[sflag:s3] =	ssyncadd.s32 @!p0 $0xFFFFF640  }
.LBB2_1:
0x40: {  	s3 =	simm.s32 @p0 $0x1FD1;
	s9 =	rddreg [dreg:$0x4]  }
0x41: {  	[spmem:s12], [sflag:s3] =	dma.local @p0 [hbm:s9], $0xA00  }
0x42: {  	s3 =	simm.s32 @p0 $0x11  }
0x43: {  	_ =	swait.ge @p0 [sflag:s3], $0xA00  }
0x44: {  	[sflag:s3] =	ssyncset.done @p0 $0x0  }
0x45: {  	[sflag:s3] =	ssyncadd.s32 @p0 $0xFFFFF600;
	s3 =	rddreg [dreg:$0x3]  }
0x46: {  	[spmem:s14], [sflag:s13] =	dma.local @!p0 [hbm:s3], $0x9C0  }
0x47: {  	s3 =	simm.s32 @!p0 $0x11  }
0x48: {  	_ =	swait.ge @!p0 [sflag:s3], $0x9C0  }
0x49: {  	[sflag:s3] =	ssyncset.done @!p0 $0x0  }
0x4a: {  	s26 =	simm.s32 $0x0;
	s28 =	rddreg [dreg:$0x5];
	[sflag:s3] =	ssyncadd.s32 @!p0 $0xFFFFF640  }
0x4b: {  	[tilespmem:s26], [sflag:$0x11] =	stream.linear.gather [hbm4b:s28+s26], $0x2800, $0x38;
	[tilespmem:$0x11B20] =	vst v63  }
0x4c: {  	_ =	swait.ge [sflag:s15], $0x2800  }
0x4d: {  	[sflag:s15] =	ssyncset.done $0x0  }
0x4e: {  	s10 =	simm.s32 $0x2800;
	s30 =	rddreg [dreg:$0x6];
	[sflag:s15] =	ssyncadd.s32 $0xFFFFD800  }
0x4f: {  	[tilespmem:s10], [sflag:$0x11] =	stream.linear.gather [hbm4b:s30+s26], $0x2800, $0x38;
	[tilespmem:$0x11B20] =	vst v63  }
0x50: {  	_ =	swait.ge [sflag:s15], $0x2800  }
0x51: {  	[sflag:s15] =	ssyncset.done $0x0  }
0x52: {  	[sflag:s15] =	ssyncadd.s32 $0xFFFFD800  }
0x53: {  	[bflag:$0x0] =	sbarrier.arrive $0xFFFF  }
0x54: {  	[tilespmem:s18], [sflag:$0x1] =	stream.indirect.gather [hbm4b:s4+s17], $0x20, s26, s17, $0xb8;
	[tilespmem:$0x11B20] =	vst v63  }
0x55: {  	s9 =	simm.s32 $0x80  }
0x56: {  	[tilespmem:s20], [sflag:$0x2] =	stream.indirect.gather [hbm4b:s4+s17], $0x20, s9, s17, $0xb8;
	[tilespmem:$0x11B20] =	vst v63  }
0x57: {  	s11 =	simm.s32 $0x6F40;
	s10 =	simm.s32 $0x100  }
0x58: {  	[tilespmem:s11], [sflag:$0x3] =	stream.indirect.gather [hbm4b:s4+s17], $0x20, s10, s17, $0xb8;
	[tilespmem:$0x11B20] =	vst v63  }
0x59: {  	s23 =	simm.s32 $0x180  }
0x5a: {  	[tilespmem:s24], [sflag:$0x4] =	stream.indirect.gather [hbm4b:s4+s17], $0x20, s23, s17, $0xb8;
	[tilespmem:$0x11B20] =	vst v63  }
0x5b: {  	s25 =	simm.s32 $0x200;
	s26 =	simm.s32 $0x8E80  }
0x5c: {  	[tilespmem:s26], [sflag:$0x5] =	stream.indirect.gather [hbm4b:s4+s17], $0x20, s25, s17, $0xb8;
	[tilespmem:$0x11B20] =	vst v63  }
0x5d: {  	s28 =	simm.s32 $0x280  }
0x5e: {  	[tilespmem:s29], [sflag:$0x6] =	stream.indirect.gather [hbm4b:s4+s17], $0x20, s28, s17, $0xb8;
	[tilespmem:$0x11B20] =	vst v63  }
0x5f: {  	s30 =	simm.s32 $0x300;
	s9 =	simm.s32 $0x0  }
0x60: {  	[tilespmem:s31], [sflag:$0x7] =	stream.indirect.gather [hbm4b:s4+s17], $0x20, s30, s17, $0xb8;
	[tilespmem:$0x11B20] =	vst v63  }
.LBB2_2:
0x61: {  	_ =	swait.ge [sflag:s1], $0xFA0  }
0x62: {  	s10 =	sshra.s32 s9, $0x2;
	[sflag:s1] =	ssyncset.done $0x0  }
0x63: {  	p1 =	seq.s32 s9, $0x0;
	s3 =	sadd.s32 $0x2800, s10;
	[sflag:s1] =	ssyncadd.s32 $0xFFFFF060  }
0x64: {  	[spmem:s2] =	stream.indirect.scatter.add.f32 [tilespmem:s18], [sflag:$0x9], $0x20, s3, s17, $0xb8;
	[tilespmem:$0x11B20] =	vst v63  }
0x65: {  	s3 =	simm.s32 @!p1 $0x10  }
0x66: {  	_ =	swait.ge @!p1 [sflag:s3], $0xFA0  }
0x67: {  	[sflag:s3] =	ssyncset.done @!p1 $0x0  }
0x68: {  	s26 =	sadd.s32 $0x380, s10;
	[sflag:s3] =	ssyncadd.s32 @!p1 $0xFFFFF060  }
0x69: {  	[tilespmem:s0], [sflag:$0x8] =	stream.indirect.gather [hbm4b:s4+s17], $0x20, s26, s17, $0xb8;
	[tilespmem:$0x11B20] =	vst v63  }
0x6a: {  	_ =	swait.ge [sflag:s16], $0xFA0  }
0x6b: {  	p1 =	seq.s32 s9, $0x9000;
	[sflag:s16] =	ssyncset.done $0x0  }
0x6c: {  	s28 =	sadd.s32 $0x2880, s10;
	s3 =	simm.s32 @p1 $0x3;
	[sflag:s16] =	ssyncadd.s32 $0xFFFFF060  }
0x6d: {  	[spmem:s2] =	stream.indirect.scatter.add.f32 [tilespmem:s20], [sflag:$0xA], $0x20, s28, s17, $0xb8;
	[tilespmem:$0x11B20] =	vst v63  }
0x6e: {  	_ =	swait.ge @p1 [sflag:s3], $0xFA0  }
0x6f: {  	s23 =	sshra.s32 @p1 s9, $0x2;
	s25 =	simm.s32 @p1 $0x7D;
	[sflag:s3] =	ssyncset.done @p1 $0x0  }
0x70: {  	s11 =	simm.s32 @p1 $0x6F40;
	[sflag:s3] =	ssyncadd.s32 @p1 $0xFFFFF060;
	s3 =	sadd.s32 @p1 $0x2900, s23  }
0x71: {  	[spmem:s2] =	stream.indirect.scatter.add.f32 @p1 [tilespmem:s11], [sflag:$0xB], $0x20, s3, s25, $0xb8;
	[tilespmem:$0x11B20] =	vst v63  }
0x72: {  	s3 =	simm.s32 @!p1 $0x9  }
0x73: {  	_ =	swait.ge @!p1 [sflag:s3], $0xFA0  }
0x74: {  	s28 =	simm.s32 @!p1 $0x5000;
	s11 =	sshra.s32 @!p1 s9, $0x2;
	[sflag:s3] =	ssyncset.done @!p1 $0x0  }
0x75: {  	s26 =	sadd.s32 @!p1 $0x400, s11;
	[sflag:s3] =	ssyncadd.s32 @!p1 $0xFFFFF060;
	s3 =	simm.s32 @!p1 $0x7D  }
0x76: {  	[tilespmem:s28], [sflag:$0x1] =	stream.indirect.gather @!p1 [hbm4b:s4+s3], $0x20, s26, s3, $0xb8;
	[tilespmem:$0x11B20] =	vst v63  }
0x77: {  	s26 =	simm.s32 @!p1 $0x3  }
0x78: {  	_ =	swait.ge @!p1 [sflag:s26], $0xFA0  }
0x79: {  	[sflag:s26] =	ssyncset.done @!p1 $0x0  }
0x7a: {  	s28 =	simm.s32 @!p1 $0x6F40;
	[sflag:s26] =	ssyncadd.s32 @!p1 $0xFFFFF060;
	s26 =	sadd.s32 @!p1 $0x2900, s11  }
0x7b: {  	[spmem:s2] =	stream.indirect.scatter.add.f32 @!p1 [tilespmem:s28], [sflag:$0xB], $0x20, s26, s3, $0xb8;
	[tilespmem:$0x11B20] =	vst v63  }
0x7c: {  	s26 =	simm.s32 @!p1 $0xA  }
0x7d: {  	_ =	swait.ge @!p1 [sflag:s26], $0xFA0  }
0x7e: {  	[sflag:s26] =	ssyncset.done @!p1 $0x0  }
0x7f: {  	s30 =	simm.s32 @!p1 $0x5FA0;
	[sflag:s26] =	ssyncadd.s32 @!p1 $0xFFFFF060;
	s26 =	sadd.s32 @!p1 $0x480, s11  }
0x80: {  	[tilespmem:s30], [sflag:$0x2] =	stream.indirect.gather @!p1 [hbm4b:s4+s3], $0x20, s26, s3, $0xb8;
	[tilespmem:$0x11B20] =	vst v63  }
0x81: {  	_ =	swait.ge [sflag:s19], $0xFA0  }
0x82: {  	[sflag:s19] =	ssyncset.done $0x0  }
0x83: {  	s30 =	sadd.s32 $0x2980, s10;
	s26 =	simm.s32 @p1 $0x5;
	[sflag:s19] =	ssyncadd.s32 $0xFFFFF060  }
0x84: {  	[spmem:s2] =	stream.indirect.scatter.add.f32 [tilespmem:s24], [sflag:$0xC], $0x20, s30, s17, $0xb8;
	[tilespmem:$0x11B20] =	vst v63  }
0x85: {  	_ =	swait.ge @p1 [sflag:s26], $0xFA0  }
0x86: {  	[sflag:s26] =	ssyncset.done @p1 $0x0  }
0x87: {  	s30 =	simm.s32 @p1 $0x8E80;
	[sflag:s26] =	ssyncadd.s32 @p1 $0xFFFFF060;
	s26 =	sadd.s32 @p1 $0x2A00, s23  }
0x88: {  	[spmem:s2] =	stream.indirect.scatter.add.f32 @p1 [tilespmem:s30], [sflag:$0xD], $0x20, s26, s25, $0xb8;
	[tilespmem:$0x11B20] =	vst v63  }
0x89: {  	s26 =	simm.s32 @!p1 $0xB  }
0x8a: {  	_ =	swait.ge @!p1 [sflag:s26], $0xFA0  }
0x8b: {  	[sflag:s26] =	ssyncset.done @!p1 $0x0  }
0x8c: {  	[sflag:s26] =	ssyncadd.s32 @!p1 $0xFFFFF060;
	s26 =	sadd.s32 @!p1 $0x500, s11  }
0x8d: {  	[tilespmem:s28], [sflag:$0x3] =	stream.indirect.gather @!p1 [hbm4b:s4+s3], $0x20, s26, s3, $0xb8;
	[tilespmem:$0x11B20] =	vst v63  }
0x8e: {  	s26 =	simm.s32 @!p1 $0x5  }
0x8f: {  	_ =	swait.ge @!p1 [sflag:s26], $0xFA0  }
0x90: {  	[sflag:s26] =	ssyncset.done @!p1 $0x0  }
0x91: {  	s28 =	simm.s32 @!p1 $0x8E80;
	[sflag:s26] =	ssyncadd.s32 @!p1 $0xFFFFF060;
	s26 =	sadd.s32 @!p1 $0x2A00, s11  }
0x92: {  	[spmem:s2] =	stream.indirect.scatter.add.f32 @!p1 [tilespmem:s28], [sflag:$0xD], $0x20, s26, s3, $0xb8;
	[tilespmem:$0x11B20] =	vst v63  }
0x93: {  	s26 =	simm.s32 @!p1 $0xC  }
0x94: {  	_ =	swait.ge @!p1 [sflag:s26], $0xFA0  }
0x95: {  	[sflag:s26] =	ssyncset.done @!p1 $0x0  }
0x96: {  	s30 =	simm.s32 @!p1 $0x7EE0;
	[sflag:s26] =	ssyncadd.s32 @!p1 $0xFFFFF060;
	s26 =	sadd.s32 @!p1 $0x580, s11  }
0x97: {  	[tilespmem:s30], [sflag:$0x4] =	stream.indirect.gather @!p1 [hbm4b:s4+s3], $0x20, s26, s3, $0xb8;
	[tilespmem:$0x11B20] =	vst v63  }
0x98: {  	_ =	swait.ge [sflag:s21], $0xFA0  }
0x99: {  	[sflag:s21] =	ssyncset.done $0x0  }
0x9a: {  	s30 =	sadd.s32 $0x2A80, s10;
	s26 =	simm.s32 @p1 $0x7;
	[sflag:s21] =	ssyncadd.s32 $0xFFFFF060  }
0x9b: {  	[spmem:s2] =	stream.indirect.scatter.add.f32 [tilespmem:s29], [sflag:$0xE], $0x20, s30, s17, $0xb8;
	[tilespmem:$0x11B20] =	vst v63  }
0x9c: {  	_ =	swait.ge @p1 [sflag:s26], $0xFA0  }
0x9d: {  	[sflag:s26] =	ssyncset.done @p1 $0x0  }
0x9e: {  	s23 =	sadd.s32 @p1 $0x2B00, s23;
	[sflag:s26] =	ssyncadd.s32 @p1 $0xFFFFF060;
	s26 =	simm.s32 @p1 $0xADC0  }
0x9f: {  	[spmem:s2] =	stream.indirect.scatter.add.f32 @p1 [tilespmem:s26], [sflag:$0xF], $0x20, s23, s25, $0xb8;
	[tilespmem:$0x11B20] =	vst v63  }
0xa0: {  	s23 =	simm.s32 @!p1 $0xD  }
0xa1: {  	_ =	swait.ge @!p1 [sflag:s23], $0xFA0  }
0xa2: {  	[sflag:s23] =	ssyncset.done @!p1 $0x0  }
0xa3: {  	[sflag:s23] =	ssyncadd.s32 @!p1 $0xFFFFF060;
	s23 =	sadd.s32 @!p1 $0x600, s11  }
0xa4: {  	[tilespmem:s28], [sflag:$0x5] =	stream.indirect.gather @!p1 [hbm4b:s4+s3], $0x20, s23, s3, $0xb8;
	[tilespmem:$0x11B20] =	vst v63  }
0xa5: {  	s23 =	simm.s32 @!p1 $0x7  }
0xa6: {  	_ =	swait.ge @!p1 [sflag:s23], $0xFA0  }
0xa7: {  	[sflag:s23] =	ssyncset.done @!p1 $0x0  }
0xa8: {  	s25 =	simm.s32 @!p1 $0xADC0;
	[sflag:s23] =	ssyncadd.s32 @!p1 $0xFFFFF060;
	s23 =	sadd.s32 @!p1 $0x2B00, s11  }
0xa9: {  	[spmem:s2] =	stream.indirect.scatter.add.f32 @!p1 [tilespmem:s25], [sflag:$0xF], $0x20, s23, s3, $0xb8;
	[tilespmem:$0x11B20] =	vst v63  }
0xaa: {  	s23 =	simm.s32 @!p1 $0xE  }
0xab: {  	_ =	swait.ge @!p1 [sflag:s23], $0xFA0  }
0xac: {  	[sflag:s23] =	ssyncset.done @!p1 $0x0  }
0xad: {  	s11 =	sadd.s32 @!p1 $0x680, s11;
	[sflag:s23] =	ssyncadd.s32 @!p1 $0xFFFFF060;
	s23 =	simm.s32 @!p1 $0x9E20  }
0xae: {  	[tilespmem:s23], [sflag:$0x6] =	stream.indirect.gather @!p1 [hbm4b:s4+s3], $0x20, s11, s3, $0xb8;
	[tilespmem:$0x11B20] =	vst v63  }
.Ltmp2:
0xaf: {  	_ = 	snop;
	(pc) =	sbr.rel @p1 .LBB2_4-.Ltmp2, $4  }
0xb0: {  	_ =	swait.ge [sflag:s22], $0xFA0  }
0xb1: {  	[sflag:s22] =	ssyncset.done $0x0  }
0xb2: {  	s30 =	sadd.s32 $0x2B80, s10;
	[sflag:s22] =	ssyncadd.s32 $0xFFFFF060  }
0xb3: {  	[spmem:s2] =	stream.indirect.scatter.add.f32 [tilespmem:s0], [sflag:$0x10], $0x20, s30, s17, $0xb8;
	[tilespmem:$0x11B20] =	vst v63  }
.Ltmp3:
0xb4: {  	(pc) =	sbr.rel .LBB2_2-.Ltmp3, $4  }
0xb5: {  	_ =	swait.ge [sflag:s6], $0xFA0  }
0xb6: {  	[sflag:s6] =	ssyncset.done $0x0  }
0xb7: {  	s3 =	sadd.s32 $0x700, s10;
	s9 =	sadd.s32 $0x1000, s9;
	[sflag:s6] =	ssyncadd.s32 $0xFFFFF060  }
0xb8: {  	[tilespmem:s31], [sflag:$0x7] =	stream.indirect.gather [hbm4b:s4+s17], $0x20, s3, s17, $0xb8;
	[tilespmem:$0x11B20] =	vst v63  }
.LBB2_5:
0xb9: {  	_ =	sfence.sel $0x180000  }
0xba: {  	[bflag:$0x0] =	sbarrier.arrive $0xFFFF  }
0xbb: {  	_ =	strace $0x9000004A  }
0xbc: {  	s0 =	stileid.u32;
	[bflag:$0x2] =	sbarrier.arrive $0xFFFF  }
0xbd: {  	p0 =	sne.s32 s0, $0x0;
	s0 =	rddreg [dreg:$0x2]  }
0xbe: {  	s0 =	sadd.s32 @!p0 $0x100000, s0  }
0xbf: {  	[sflag:s0] =	ssyncadd.tile.s32 @!p0 $0x1;
	_ =	shalt  }
.Lfunc_end2:
_tile_overlayer_lowered:
.L_overlay_start_2:
0xc0: {  	(tag) =	ssettag $0x2  }
0xc1: {  	s0 =	rddreg [dreg:$0x0];
	s2 =	stileid.u32  }
0xc2: {  	s1 =	rddreg [dreg:$0x1];
	p0 =	sne.s32 s2, $0x0  }
0xc3: {  	s3 =	rddreg [dreg:$0x2];
	[bflag:$0x3] =	sbarrier.arrive $0xFFFF;
	s2 =	simm.s32 @!p0 $0x1C11  }
0xc4: {  	[timem:s3], [sflag:s2] =	dma.local @!p0 [hbm:s0], s1  }
0xc5: {  	s0 =	simm.s32 @!p0 $0x11  }
0xc6: {  	_ =	swait.ge @!p0 [sflag:s0], s1  }
0xc7: {  	s1 =	ssub.s32 @!p0 $0x0, s1;
	[sflag:s0] =	ssyncset.done @!p0 $0x0  }
0xc8: {  	[sflag:s0] =	ssyncadd.s32 @!p0 s1  }
0xc9: {  	[bflag:$0x3] =	sbarrier.arrive $0xFFFF  }
0xca: {  	_ =	shalt  }

// kernel: kernel.15.cloned.1.call-start
scs
__scs_entry_jumppad:
0x0: {  	(pc) =	sbr.rel $0x88, $3  }
0x1: {  	(tag) =	ssettag $0x0;
	lr =	simm.s32 $0x1  }
0x2: {  	[smem:$0x3F96] =	sst lr;
	_ =	strace $0xD0000000  }
0x3: {  	_ = 	snop  }
0x4: {  	_ = 	snop  }
0x5: {  	_ = 	snop  }
0x6: {  	_ = 	snop  }
0x7: {  	_ = 	snop  }
__scs_overlays_trampoline_lowered:
0x8: {  	[smem:$0x3FA5] =	sst s0  }
0x9: {  	[smem:$0x3FA6] =	sst s1  }
0xa: {  	[smem:$0x3FA7] =	sst s2  }
0xb: {  	[smem:$0x3FA8] =	sst s3  }
0xc: {  	[smem:$0x3FA9] =	sst s4  }
0xd: {  	[smem:$0x3FAA] =	sst s5  }
0xe: {  	[smem:$0x3FAB] =	sst s6  }
0xf: {  	[smem:$0x3FAC] =	sst s7  }
0x10: {  	[smem:$0x3FAD] =	sst s8  }
0x11: {  	[smem:$0x3FAE] =	sst s9;
	s0 =	simm.s32 @!p0 $0x0  }
0x12: {  	s1 =	sld [smem:$0x3F94];
	s0 =	simm.s32 @p0 $0x1  }
0x13: {  	[smem:$0x3FAF] =	sst s0;
	s0 =	simm.s32 @!p1 $0x0  }
0x14: {  	s2 =	sld [smem:$0x3F93];
	s0 =	simm.s32 @p1 $0x1  }
0x15: {  	[smem:$0x3FB0] =	sst s0;
	s0 =	simm.s32 @!p2 $0x0  }
0x16: {  	s3 =	sld [smem:$0x3FDB];
	s0 =	simm.s32 @p2 $0x1  }
0x17: {  	s4 =	simm.s32 $0x1BF5;
	[smem:$0x3FB2] =	sst s0  }
0x18: {  	s0 =	sld [smem:$0x3F95];
	_ =	swait.ge [sflag:s4], $0x0  }
0x19: {  	s7 =	sld [smem:$0x3F96]  }
0x1a: {  	s8 =	sadd.s32 $0xFFFFE003, lr  }
0x1b: {  	s9 =	sadd.s32 $0xFFFFFEF7, lr;
	s5 =	simm.s32 $0xFFFFFFFF;
	p2 =	slt.u32 s8, $0xFFFFF086  }
0x1c: {  	p1 =	slt.u32 s9, $0xF7A;
	s5 =	simm.s32 @!p2 $0x0  }
0x1d: {  	s5 =	simm.s32 @p1 $0x1;
	p0 =	seq.s32 s7, s2  }
0x1e: {  	s7 =	smul.u32 @!p0 $0xF7A, s2;
	p2 =	seq.s32 @!p0 s5, $0x0  }
0x1f: {  	s9 =	smul.u32 $0xF7A, s1;
	s8 =	simm.s32 @!p0 $0x1BF5;
	p2 =	por !p2, p0  }
0x20: {  	[sflag:s8] =	ssyncset.s32 @!p0 $0xFFFFF086;
	s6 =	sadd.s32 @!p0 s3, s7;
	s7 =	simm.s32 @!p0 $0x108  }
0x21: {  	s3 =	sadd.s32 s3, s9;
	s6 =	sadd.s32 @!p0 $0x88, s6;
	s7 =	simm.s32 @p2 $0x1082  }
0x22: {  	[simem:s7], [sflag:s8] =	dma.local @!p0 [hbm:s6], $0xF7A  }
0x23: {  	s9 =	sor.u32 $0xD0000000, s2;
	s6 =	simm.s32 $0x108;
	_ =	swait.ge @!p0 [sflag:s8], $0x0  }
0x24: {  	s3 =	sadd.s32 $0x88, s3;
	s6 =	simm.s32 @!p1 $0x1082;
	[sflag:s4] =	ssyncset.s32 $0xFFFFF086  }
0x25: {  	[simem:s6], [sflag:s4] =	dma.local [hbm:s3], $0xF7A  }
0x26: {  	[smem:$0x3F96] =	sst s1;
	(tag) =	ssettag s2;
	_ =	strace s9  }
0x27: {  	s1 =	sld [smem:$0x3FA6]  }
0x28: {  	s2 =	sld [smem:$0x3FA7]  }
0x29: {  	s4 =	sld [smem:$0x3FA9]  }
0x2a: {  	p0 =	seq.s32 s5, $0x0;
	s5 =	sld [smem:$0x3FAA]  }
0x2b: {  	s6 =	sld [smem:$0x3FAB]  }
0x2c: {  	s7 =	sld [smem:$0x3FAC]  }
0x2d: {  	s3 =	simm.s32 $0x108;
	s8 =	sld [smem:$0x3FAD]  }
0x2e: {  	s3 =	simm.s32 @!p0 $0x1082;
	s9 =	sld [smem:$0x3FAE]  }
0x2f: {  	lr =	sadd.s32 s0, s3;
	s0 =	sld [smem:$0x3FA5]  }
0x30: {  	s3 =	sld [smem:$0x3FA8]  }
0x31: {  	[smem:$0x3FB1] =	sst s10  }
0x32: {  	s10 =	sld [smem:$0x3FAF];
	_ =	sdelay $0x3  }
0x33: {  	p0 =	seq.s32 s10, $0x1;
	s10 =	sld [smem:$0x3FB1];
	_ =	sdelay $0x3  }
0x34: {  	[smem:$0x3FB1] =	sst s10  }
0x35: {  	s10 =	sld [smem:$0x3FB0];
	_ =	sdelay $0x3  }
0x36: {  	p1 =	seq.s32 s10, $0x1;
	s10 =	sld [smem:$0x3FB1];
	_ =	sdelay $0x3  }
0x37: {  	[smem:$0x3FB1] =	sst s10  }
0x38: {  	s10 =	sld [smem:$0x3FB2]  }
0x39: {  	_ = 	snop;
	(pc) =	sbr.ind lr, $3  }
0x3a: {  	_ = 	snop  }
0x3b: {  	_ = 	snop  }
0x3c: {  	p2 =	seq.s32 s10, $0x1;
	s10 =	sld [smem:$0x3FB1]  }
0x3d: {  	_ =	shalt  }
0x3e: {  	_ =	shalt  }
0x3f: {  	_ =	shalt  }
0x40: {  	_ =	shalt  }
0x41: {  	_ =	shalt  }
0x42: {  	_ =	shalt  }
0x43: {  	_ =	shalt  }
0x44: {  	_ =	shalt  }
0x45: {  	_ =	shalt  }
0x46: {  	_ =	shalt  }
0x47: {  	_ =	shalt  }
0x48: {  	_ =	shalt  }
0x49: {  	_ =	shalt  }
0x4a: {  	_ =	shalt  }
0x4b: {  	_ =	shalt  }
0x4c: {  	_ =	shalt  }
0x4d: {  	_ =	shalt  }
0x4e: {  	_ =	shalt  }
0x4f: {  	_ =	shalt  }
0x50: {  	_ =	shalt  }
0x51: {  	_ =	shalt  }
0x52: {  	_ =	shalt  }
0x53: {  	_ =	shalt  }
0x54: {  	_ =	shalt  }
0x55: {  	_ =	shalt  }
0x56: {  	_ =	shalt  }
0x57: {  	_ =	shalt  }
0x58: {  	_ =	shalt  }
0x59: {  	_ =	shalt  }
0x5a: {  	_ =	shalt  }
0x5b: {  	_ =	shalt  }
0x5c: {  	_ =	shalt  }
0x5d: {  	_ =	shalt  }
0x5e: {  	_ =	shalt  }
0x5f: {  	_ =	shalt  }
0x60: {  	_ =	shalt  }
0x61: {  	_ =	shalt  }
0x62: {  	_ =	shalt  }
0x63: {  	_ =	shalt  }
0x64: {  	_ =	shalt  }
0x65: {  	_ =	shalt  }
0x66: {  	_ =	shalt  }
0x67: {  	_ =	shalt  }
0x68: {  	_ =	shalt  }
0x69: {  	_ =	shalt  }
0x6a: {  	_ =	shalt  }
0x6b: {  	_ =	shalt  }
0x6c: {  	_ =	shalt  }
0x6d: {  	_ =	shalt  }
0x6e: {  	_ =	shalt  }
0x6f: {  	_ =	shalt  }
0x70: {  	_ =	shalt  }
0x71: {  	_ =	shalt  }
0x72: {  	_ =	shalt  }
0x73: {  	_ =	shalt  }
0x74: {  	_ =	shalt  }
0x75: {  	_ =	shalt  }
0x76: {  	_ =	shalt  }
0x77: {  	_ =	shalt  }
0x78: {  	_ =	shalt  }
0x79: {  	_ =	shalt  }
0x7a: {  	_ =	shalt  }
0x7b: {  	_ =	shalt  }
0x7c: {  	_ =	shalt  }
0x7d: {  	_ =	shalt  }
0x7e: {  	_ =	shalt  }
0x7f: {  	_ =	shalt  }
0x80: {  	_ =	shalt  }
0x81: {  	_ =	shalt  }
0x82: {  	_ =	shalt  }
0x83: {  	_ =	shalt  }
0x84: {  	_ =	shalt  }
0x85: {  	_ =	shalt  }
0x86: {  	_ =	shalt  }
0x87: {  	_ =	shalt  }
.Lfunc_end0:
.L_simem_size_0:
called_computation.2_lowered:
.L_overlay_start_0:
0x88: {  	s2 =	sld [smem:$0x3FD9]  }
0x89: {  	s3 =	sld [smem:$0x3FFE];
	_ =	sdelay $0x1  }
0x8a: {  	s1 =	srdreg.scid  }
0x8b: {  	s0 =	sand.u32 $0x1, s1  }
0x8c: {  	s16 =	sshll.u32 s0, $0xA;
	s2 =	sadd.s32 s3, s2  }
0x8d: {  	s2 =	sadd.s32 s2, s16  }
0x8e: {  	[smem:$0x3FBD] =	sst s2  }
0x8f: {  	_ = 	snop  }
0x90: {  	(tm) =	ssettm $0x1  }
0x91: {  	s17 =	sld [smem:$0x3FFB];
	_ =	sdelay $0x3  }
0x92: {  	_ =	strace s17  }
0x93: {  	s2 =	sld [smem:$0x3FFC];
	_ =	sdelay $0x3  }
0x94: {  	_ =	strace s2  }
0x95: {  	s2 =	sld [smem:$0x3FFD];
	_ =	sdelay $0x3  }
0x96: {  	_ =	strace s2  }
0x97: {  	_ =	strace $0x8FFFFFFF  }
0x98: {  	s18 =	sld [smem:$0x3FDB];
	_ =	sdelay $0x1  }
0x99: {  	s19 =	simm.s32 $_scs_section_size  }
0x9a: {  	s4 =	simm.s32 $_size__tile_overlayer_lowered;
	s5 =	simm.s32 $_tile_overlayer_lowered  }
0x9b: {  	s22 =	simm.s32 $0x1BFF;
	s21 =	sshll.u32 s5, $0x1;
	s2 =	sadd.s32 s19, s18  }
0x9c: {  	s6 =	simm.s32 $0x0;
	s20 =	sshll.u32 s4, $0x1;
	s4 =	sadd.s32 s21, s2  }
0x9d: {  	[timem:s6], [sflag:s22] =	dma.local [hbm:s4], s20  }
0x9e: {  	_ =	swait.ge [sflag:s22], s20  }
0x9f: {  	s3 =	ssub.s32 $0x0, s20;
	[sflag:s22] =	ssyncset.done $0x0  }
0xa0: {  	[sflag:s22] =	ssyncadd.s32 s3;
	_ =	sdelay $0x1  }
0xa1: {  	s23 =	simm.s32 $0x1B8B  }
0xa2: {  	_ =	swait.ge [sflag:s23], $0x1  }
0xa3: {  	[sflag:s23] =	ssyncset.done $0x0  }
0xa4: {  	s25 =	simm.s32 $0x1B8E;
	s24 =	sld [smem:$0x3FFE];
	[sflag:s23] =	ssyncadd.s32 $0xFFFFFFFF  }
0xa5: {  	s26 =	simm.s32 $execute0_lowered;
	[smem:$0x3FD2] =	sst s25  }
0xa6: {  	s4 =	sshll.u32 s26, $0x1;
	_ =	strace $0x8000004C;
	[dreg:$0x1] =	wrdreg $0xFFFFFFFF  }
0xa7: {  	s28 =	simm.s32 $_size_execute0_lowered;
	s2 =	sadd.s32 s2, s4;
	[dreg:$0x0] =	wrdreg $0x0  }
0xa8: {  	s4 =	sshll.u32 s28, $0x1;
	[dreg:$0x2] =	wrdreg s2  }
0xa9: {  	[dreg:$0x3] =	wrdreg s4  }
0xaa: {  	[dreg:$0x4] =	wrdreg $0xC0  }
0xab: {  	_ =	task [dreg:s6], $0x5FFFF  }
0xac: {  	[dreg:$0x1] =	wrdreg $0xFFFFFFFF  }
0xad: {  	[dreg:$0x0] =	wrdreg $0x60  }
0xae: {  	[dreg:$0x2] =	wrdreg s24  }
0xaf: {  	[dreg:$0x3] =	wrdreg $0x14A000  }
0xb0: {  	[dreg:$0x4] =	wrdreg $0x9  }
0xb1: {  	_ =	task.clear_ibuf [dreg:s6], $0x5FFFF;
	_ =	strace $0x9000004C  }
0xb2: {  	s29 =	simm.s32 $0x9;
	_ =	strace $0x8000004E  }
0xb3: {  	_ =	swait.ge [sflag:s29], $0x1  }
0xb4: {  	[sflag:s29] =	ssyncadd.s32 $0xFFFFFFFF  }
0xb5: {  	_ =	strace $0x9000004E  }
0xb6: {  	_ =	sfence  }
0xb7: {  	s30 =	sld [smem:$0x0];
	_ =	sdelay $0x2  }
0xb8: {  	s31 =	sshll.u32 s1, $0xD;
	s1 =	sshrl.u32 s1, $0x2  }
0xb9: {  	s3 =	sand.u32 $0x4000, s31;
	s1 =	sadd.s32 s1, s30  }
0xba: {  	s0 =	sor.u32 s3, s0;
	s1 =	sshll.u32 s1, $0x11  }
0xbb: {  	s0 =	sor.u32 s1, s0  }
0xbc: {  	s0 =	sadd.s32 $0x8F2B, s0  }
0xbd: {  	[sflag:s0] =	ssyncadd.remote.s32 $0x1  }
0xbe: {  	_ =	sfence.sel $0xFFFF  }
0xbf: {  	[dreg:$0x0] =	wrdreg $0xFFFFFFFF;
	(pc) =	sbr.abs _section_cstart, $3  }
0xc0: {  	[dreg:$0x1] =	wrdreg $0xFFFFFFFF  }
0xc1: {  	_ =	task.clear_ibuf [dreg:s6], $0x2FFFF;
	_ =	strace $0x9FFFFFFF  }
0xc2: {  	(tm) =	ssettm $0x7FFFFFFF  }
0xc3: {  	_ =	shalt  }
tec
execute0_lowered:
.L_overlay_start_1:
0x0: {  	(tag) =	ssettag $0x1  }
0x1: {  	s0 =	srdreg.scid;
	s1 =	rddreg [dreg:$0x0]  }
0x2: {  	s10 =	stileid.u32;
	s2 =	rddreg [dreg:$0x1];
	s4 =	simm.s32 $0x0  }
0x3: {  	s15 =	simm.s32 $0x11;
	s17 =	simm.s32 $0x7D;
	s18 =	simm.s32 $0x5000  }
0x4: {  	s20 =	simm.s32 $0x6F40;
	s24 =	simm.s32 $0xADC0;
	s29 =	simm.s32 $0xEC40  }
0x5: {  	s31 =	simm.s32 $0x10B80;
	s16 =	simm.s32 $0x2;
	s19 =	simm.s32 $0x4  }
0x6: {  	s21 =	simm.s32 $0x6;
	s22 =	simm.s32 $0x8;
	s0 =	sand.u32 $0x1, s0  }
0x7: {  	[smem:$0x7FF] =	sst s4;
	s5 =	smul.u32 $0x9C00, s10;
	s4 =	sadd.s32 $0x16000, s1  }
0x8: {  	s8 =	sadd.s32 $0x3D400, s1;
	p0 =	seq.s32 s10, $0xF;
	s3 =	sshll.u32 s0, $0x4  }
0x9: {  	_ =	strace $0x8000004D;
	s7 =	ssub.s32 $0x2, s0;
	s0 =	smul.u32 $0x9C400, s0  }
0xa: {  	s3 =	sor.u32 s10, s3;
	s6 =	sshrl.u32 s5, $0x3;
	s9 =	sshrl.u32 s7, $0x1  }
0xb: {  	s3 =	smul.u32 $0x2800, s3;
	s6 =	sadd.s32 s6, s1;
	s7 =	ssub.s32 s7, s9  }
0xc: {  	s9 =	sadd.s32 s5, s2;
	s28 =	sadd.s32 s5, s0;
	s0 =	sshrl.u32 s0, $0x3  }
0xd: {  	s5 =	simm.s32 $0xE;
	s6 =	sadd.s32 $0x29A00, s6;
	s0 =	sadd.s32 s8, s0  }
0xe: {  	s30 =	smax.u32 s7, $0x1;
	s14 =	sshrl.u32 @!p0 s9, $0x3;
	s7 =	simm.s32 $0x10  }
0xf: {  	s3 =	sshrl.u32 s3, $0x3;
	[dreg:$0x3] =	wrdreg s6;
	s6 =	sadd.s32 $0x92400, s2  }
0x10: {  	s0 =	sadd.s32 $0x12480, s0;
	[dreg:$0x9] =	wrdreg s30;
	s3 =	sadd.s32 s3, s1  }
0x11: {  	s1 =	sadd.s32 $0x3BE80, s1;
	[dreg:$0x8] =	wrdreg s0;
	s12 =	sshrl.u32 @p0 s6, $0x3  }
.Ltmp0:
0x12: {  	s0 =	sshll.u32 @!p0 s10, $0x6;
	s6 =	simm.s32 $0xF;
	(pc) =	sbr.rel .LBB2_1-.Ltmp0, $4  }
0x13: {  	[dreg:$0x4] =	wrdreg s1;
	s26 =	sadd.s32 $0x2000, s3;
	s3 =	sadd.s32 $0xC000, s3  }
0x14: {  	s1 =	sshrl.u32 s28, $0x3;
	s13 =	sor.u32 @!p0 $0x1C11, s0;
	[dreg:$0x5] =	wrdreg s26  }
0x15: {  	s0 =	simm.s32 $0x12AC0;
	[dreg:$0x6] =	wrdreg s3;
	s1 =	sadd.s32 s8, s1  }
0x16: {  	s8 =	simm.s32 $0x0;
	[dreg:$0x7] =	wrdreg s1;
	s1 =	simm.s32 $0x1  }
.LBB2_4:
0x17: {  	s3 =	simm.s32 $0x9  }
0x18: {  	_ =	swait.ge [sflag:s3], $0x1F40  }
0x19: {  	[sflag:s3] =	ssyncset.done $0x0  }
0x1a: {  	s23 =	simm.s32 $0xA;
	[sflag:s3] =	ssyncadd.s32 $0xFFFFE0C0  }
0x1b: {  	_ =	swait.ge [sflag:s23], $0x1F40  }
0x1c: {  	[sflag:s23] =	ssyncset.done $0x0  }
0x1d: {  	s25 =	simm.s32 $0xB;
	[sflag:s23] =	ssyncadd.s32 $0xFFFFE0C0  }
0x1e: {  	_ =	swait.ge [sflag:s25], $0x1F40  }
0x1f: {  	[sflag:s25] =	ssyncset.done $0x0  }
0x20: {  	s26 =	simm.s32 $0xC;
	[sflag:s25] =	ssyncadd.s32 $0xFFFFE0C0  }
0x21: {  	_ =	swait.ge [sflag:s26], $0x1F40  }
0x22: {  	[sflag:s26] =	ssyncset.done $0x0  }
0x23: {  	s28 =	simm.s32 $0xD;
	[sflag:s26] =	ssyncadd.s32 $0xFFFFE0C0  }
0x24: {  	_ =	swait.ge [sflag:s28], $0x1F40  }
0x25: {  	[sflag:s28] =	ssyncset.done $0x0  }
0x26: {  	[sflag:s28] =	ssyncadd.s32 $0xFFFFE0C0  }
0x27: {  	_ =	swait.ge [sflag:s5], $0x1F40  }
0x28: {  	[sflag:s5] =	ssyncset.done $0x0  }
0x29: {  	[sflag:s5] =	ssyncadd.s32 $0xFFFFE0C0  }
0x2a: {  	_ =	swait.ge [sflag:s6], $0x1F40  }
0x2b: {  	[sflag:s6] =	ssyncset.done $0x0  }
0x2c: {  	[sflag:s6] =	ssyncadd.s32 $0xFFFFE0C0  }
0x2d: {  	_ =	swait.ge [sflag:s7], $0x1F40  }
0x2e: {  	[sflag:s7] =	ssyncset.done $0x0  }
0x2f: {  	[sflag:s7] =	ssyncadd.s32 $0xFFFFE0C0  }
0x30: {  	[bflag:$0x0] =	sbarrier.arrive $0xFFFF  }
0x31: {  	s3 =	simm.s32 @p0 $0x1FD1;
	s9 =	rddreg [dreg:$0x8]  }
0x32: {  	[hbm:s9], [sflag:s3] =	dma.local @p0 [spmem:s12], $0x1400  }
0x33: {  	s3 =	simm.s32 @p0 $0x11  }
0x34: {  	_ =	swait.ge @p0 [sflag:s3], $0x1400  }
0x35: {  	[sflag:s3] =	ssyncset.done @p0 $0x0  }
0x36: {  	[sflag:s3] =	ssyncadd.s32 @p0 $0xFFFFEC00;
	s3 =	rddreg [dreg:$0x7]  }
0x37: {  	[hbm:s3], [sflag:s13] =	dma.local @!p0 [spmem:s14], $0x1380  }
0x38: {  	s3 =	simm.s32 @!p0 $0x11  }
0x39: {  	_ =	swait.ge @!p0 [sflag:s3], $0x1380  }
0x3a: {  	s8 =	sadd.s32 $0x1, s8;
	s30 =	rddreg [dreg:$0x9]  }
0x3b: {  	p1 =	sne.s32 s8, s30  }
.Ltmp1:
0x3c: {  	_ = 	snop;
	(pc) =	sbr.rel @!p1 .LBB2_5-.Ltmp1, $3  }
0x3d: {  	_ =	sdelay $0x1  }
0x3e: {  	[sflag:s3] =	ssyncset.done @!p0 $0x0  }
0x3f: {  	[sflag:s3] =	ssyncadd.s32 @!p0 $0xFFFFEC80  }
.LBB2_1:
0x40: {  	s3 =	simm.s32 @p0 $0x1FD1;
	s9 =	rddreg [dreg:$0x4]  }
0x41: {  	[spmem:s12], [sflag:s3] =	dma.local @p0 [hbm:s9], $0x1400  }
0x42: {  	s3 =	simm.s32 @p0 $0x11  }
0x43: {  	_ =	swait.ge @p0 [sflag:s3], $0x1400  }
0x44: {  	[sflag:s3] =	ssyncset.done @p0 $0x0  }
0x45: {  	[sflag:s3] =	ssyncadd.s32 @p0 $0xFFFFEC00;
	s3 =	rddreg [dreg:$0x3]  }
0x46: {  	[spmem:s14], [sflag:s13] =	dma.local @!p0 [hbm:s3], $0x1380  }
0x47: {  	s3 =	simm.s32 @!p0 $0x11  }
0x48: {  	_ =	swait.ge @!p0 [sflag:s3], $0x1380  }
0x49: {  	[sflag:s3] =	ssyncset.done @!p0 $0x0  }
0x4a: {  	s26 =	simm.s32 $0x0;
	s28 =	rddreg [dreg:$0x5];
	[sflag:s3] =	ssyncadd.s32 @!p0 $0xFFFFEC80  }
0x4b: {  	[tilespmem:s26], [sflag:$0x11] =	stream.linear.gather [hbm4b:s28+s26], $0x2800, $0x38;
	[tilespmem:$0x1E640] =	vst v63  }
0x4c: {  	_ =	swait.ge [sflag:s15], $0x2800  }
0x4d: {  	[sflag:s15] =	ssyncset.done $0x0  }
0x4e: {  	s10 =	simm.s32 $0x2800;
	s30 =	rddreg [dreg:$0x6];
	[sflag:s15] =	ssyncadd.s32 $0xFFFFD800  }
0x4f: {  	[tilespmem:s10], [sflag:$0x11] =	stream.linear.gather [hbm4b:s30+s26], $0x2800, $0x38;
	[tilespmem:$0x1E640] =	vst v63  }
0x50: {  	_ =	swait.ge [sflag:s15], $0x2800  }
0x51: {  	[sflag:s15] =	ssyncset.done $0x0  }
0x52: {  	[sflag:s15] =	ssyncadd.s32 $0xFFFFD800  }
0x53: {  	[bflag:$0x0] =	sbarrier.arrive $0xFFFF  }
0x54: {  	[tilespmem:s18], [sflag:$0x1] =	stream.indirect.gather [hbm4b:s4+s17], $0x40, s26, s17, $0xb8;
	[tilespmem:$0x1E640] =	vst v63  }
0x55: {  	s9 =	simm.s32 $0x80  }
0x56: {  	[tilespmem:s20], [sflag:$0x2] =	stream.indirect.gather [hbm4b:s4+s17], $0x40, s9, s17, $0xb8;
	[tilespmem:$0x1E640] =	vst v63  }
0x57: {  	s11 =	simm.s32 $0x8E80;
	s10 =	simm.s32 $0x100  }
0x58: {  	[tilespmem:s11], [sflag:$0x3] =	stream.indirect.gather [hbm4b:s4+s17], $0x40, s10, s17, $0xb8;
	[tilespmem:$0x1E640] =	vst v63  }
0x59: {  	s23 =	simm.s32 $0x180  }
0x5a: {  	[tilespmem:s24], [sflag:$0x4] =	stream.indirect.gather [hbm4b:s4+s17], $0x40, s23, s17, $0xb8;
	[tilespmem:$0x1E640] =	vst v63  }
0x5b: {  	s25 =	simm.s32 $0x200;
	s26 =	simm.s32 $0xCD00  }
0x5c: {  	[tilespmem:s26], [sflag:$0x5] =	stream.indirect.gather [hbm4b:s4+s17], $0x40, s25, s17, $0xb8;
	[tilespmem:$0x1E640] =	vst v63  }
0x5d: {  	s28 =	simm.s32 $0x280  }
0x5e: {  	[tilespmem:s29], [sflag:$0x6] =	stream.indirect.gather [hbm4b:s4+s17], $0x40, s28, s17, $0xb8;
	[tilespmem:$0x1E640] =	vst v63  }
0x5f: {  	s30 =	simm.s32 $0x300;
	s9 =	simm.s32 $0x0  }
0x60: {  	[tilespmem:s31], [sflag:$0x7] =	stream.indirect.gather [hbm4b:s4+s17], $0x40, s30, s17, $0xb8;
	[tilespmem:$0x1E640] =	vst v63  }
.LBB2_2:
0x61: {  	_ =	swait.ge [sflag:s1], $0x1F40  }
0x62: {  	s10 =	sshra.s32 s9, $0x2;
	[sflag:s1] =	ssyncset.done $0x0  }
0x63: {  	p1 =	seq.s32 s9, $0x0;
	s3 =	sadd.s32 $0x2800, s10;
	[sflag:s1] =	ssyncadd.s32 $0xFFFFE0C0  }
0x64: {  	[spmem:s2] =	stream.indirect.scatter.add.f32 [tilespmem:s18], [sflag:$0x9], $0x40, s3, s17, $0xb8;
	[tilespmem:$0x1E640] =	vst v63  }
0x65: {  	s3 =	simm.s32 @!p1 $0x10  }
0x66: {  	_ =	swait.ge @!p1 [sflag:s3], $0x1F40  }
0x67: {  	[sflag:s3] =	ssyncset.done @!p1 $0x0  }
0x68: {  	s26 =	sadd.s32 $0x380, s10;
	[sflag:s3] =	ssyncadd.s32 @!p1 $0xFFFFE0C0  }
0x69: {  	[tilespmem:s0], [sflag:$0x8] =	stream.indirect.gather [hbm4b:s4+s17], $0x40, s26, s17, $0xb8;
	[tilespmem:$0x1E640] =	vst v63  }
0x6a: {  	_ =	swait.ge [sflag:s16], $0x1F40  }
0x6b: {  	p1 =	seq.s32 s9, $0x9000;
	[sflag:s16] =	ssyncset.done $0x0  }
0x6c: {  	s28 =	sadd.s32 $0x2880, s10;
	s3 =	simm.s32 @p1 $0x3;
	[sflag:s16] =	ssyncadd.s32 $0xFFFFE0C0  }
0x6d: {  	[spmem:s2] =	stream.indirect.scatter.add.f32 [tilespmem:s20], [sflag:$0xA], $0x40, s28, s17, $0xb8;
	[tilespmem:$0x1E640] =	vst v63  }
0x6e: {  	_ =	swait.ge @p1 [sflag:s3], $0x1F40  }
0x6f: {  	s23 =	sshra.s32 @p1 s9, $0x2;
	s25 =	simm.s32 @p1 $0x7D;
	[sflag:s3] =	ssyncset.done @p1 $0x0  }
0x70: {  	s11 =	simm.s32 @p1 $0x8E80;
	[sflag:s3] =	ssyncadd.s32 @p1 $0xFFFFE0C0;
	s3 =	sadd.s32 @p1 $0x2900, s23  }
0x71: {  	[spmem:s2] =	stream.indirect.scatter.add.f32 @p1 [tilespmem:s11], [sflag:$0xB], $0x40, s3, s25, $0xb8;
	[tilespmem:$0x1E640] =	vst v63  }
0x72: {  	s3 =	simm.s32 @!p1 $0x9  }
0x73: {  	_ =	swait.ge @!p1 [sflag:s3], $0x1F40  }
0x74: {  	s28 =	simm.s32 @!p1 $0x5000;
	s11 =	sshra.s32 @!p1 s9, $0x2;
	[sflag:s3] =	ssyncset.done @!p1 $0x0  }
0x75: {  	s26 =	sadd.s32 @!p1 $0x400, s11;
	[sflag:s3] =	ssyncadd.s32 @!p1 $0xFFFFE0C0;
	s3 =	simm.s32 @!p1 $0x7D  }
0x76: {  	[tilespmem:s28], [sflag:$0x1] =	stream.indirect.gather @!p1 [hbm4b:s4+s3], $0x40, s26, s3, $0xb8;
	[tilespmem:$0x1E640] =	vst v63  }
0x77: {  	s26 =	simm.s32 @!p1 $0x3  }
0x78: {  	_ =	swait.ge @!p1 [sflag:s26], $0x1F40  }
0x79: {  	[sflag:s26] =	ssyncset.done @!p1 $0x0  }
0x7a: {  	s28 =	simm.s32 @!p1 $0x8E80;
	[sflag:s26] =	ssyncadd.s32 @!p1 $0xFFFFE0C0;
	s26 =	sadd.s32 @!p1 $0x2900, s11  }
0x7b: {  	[spmem:s2] =	stream.indirect.scatter.add.f32 @!p1 [tilespmem:s28], [sflag:$0xB], $0x40, s26, s3, $0xb8;
	[tilespmem:$0x1E640] =	vst v63  }
0x7c: {  	s26 =	simm.s32 @!p1 $0xA  }
0x7d: {  	_ =	swait.ge @!p1 [sflag:s26], $0x1F40  }
0x7e: {  	[sflag:s26] =	ssyncset.done @!p1 $0x0  }
0x7f: {  	s30 =	simm.s32 @!p1 $0x6F40;
	[sflag:s26] =	ssyncadd.s32 @!p1 $0xFFFFE0C0;
	s26 =	sadd.s32 @!p1 $0x480, s11  }
0x80: {  	[tilespmem:s30], [sflag:$0x2] =	stream.indirect.gather @!p1 [hbm4b:s4+s3], $0x40, s26, s3, $0xb8;
	[tilespmem:$0x1E640] =	vst v63  }
0x81: {  	_ =	swait.ge [sflag:s19], $0x1F40  }
0x82: {  	[sflag:s19] =	ssyncset.done $0x0  }
0x83: {  	s30 =	sadd.s32 $0x2980, s10;
	s26 =	simm.s32 @p1 $0x5;
	[sflag:s19] =	ssyncadd.s32 $0xFFFFE0C0  }
0x84: {  	[spmem:s2] =	stream.indirect.scatter.add.f32 [tilespmem:s24], [sflag:$0xC], $0x40, s30, s17, $0xb8;
	[tilespmem:$0x1E640] =	vst v63  }
0x85: {  	_ =	swait.ge @p1 [sflag:s26], $0x1F40  }
0x86: {  	[sflag:s26] =	ssyncset.done @p1 $0x0  }
0x87: {  	s30 =	simm.s32 @p1 $0xCD00;
	[sflag:s26] =	ssyncadd.s32 @p1 $0xFFFFE0C0;
	s26 =	sadd.s32 @p1 $0x2A00, s23  }
0x88: {  	[spmem:s2] =	stream.indirect.scatter.add.f32 @p1 [tilespmem:s30], [sflag:$0xD], $0x40, s26, s25, $0xb8;
	[tilespmem:$0x1E640] =	vst v63  }
0x89: {  	s26 =	simm.s32 @!p1 $0xB  }
0x8a: {  	_ =	swait.ge @!p1 [sflag:s26], $0x1F40  }
0x8b: {  	[sflag:s26] =	ssyncset.done @!p1 $0x0  }
0x8c: {  	[sflag:s26] =	ssyncadd.s32 @!p1 $0xFFFFE0C0;
	s26 =	sadd.s32 @!p1 $0x500, s11  }
0x8d: {  	[tilespmem:s28], [sflag:$0x3] =	stream.indirect.gather @!p1 [hbm4b:s4+s3], $0x40, s26, s3, $0xb8;
	[tilespmem:$0x1E640] =	vst v63  }
0x8e: {  	s26 =	simm.s32 @!p1 $0x5  }
0x8f: {  	_ =	swait.ge @!p1 [sflag:s26], $0x1F40  }
0x90: {  	[sflag:s26] =	ssyncset.done @!p1 $0x0  }
0x91: {  	s28 =	simm.s32 @!p1 $0xCD00;
	[sflag:s26] =	ssyncadd.s32 @!p1 $0xFFFFE0C0;
	s26 =	sadd.s32 @!p1 $0x2A00, s11  }
0x92: {  	[spmem:s2] =	stream.indirect.scatter.add.f32 @!p1 [tilespmem:s28], [sflag:$0xD], $0x40, s26, s3, $0xb8;
	[tilespmem:$0x1E640] =	vst v63  }
0x93: {  	s26 =	simm.s32 @!p1 $0xC  }
0x94: {  	_ =	swait.ge @!p1 [sflag:s26], $0x1F40  }
0x95: {  	[sflag:s26] =	ssyncset.done @!p1 $0x0  }
0x96: {  	s30 =	simm.s32 @!p1 $0xADC0;
	[sflag:s26] =	ssyncadd.s32 @!p1 $0xFFFFE0C0;
	s26 =	sadd.s32 @!p1 $0x580, s11  }
0x97: {  	[tilespmem:s30], [sflag:$0x4] =	stream.indirect.gather @!p1 [hbm4b:s4+s3], $0x40, s26, s3, $0xb8;
	[tilespmem:$0x1E640] =	vst v63  }
0x98: {  	_ =	swait.ge [sflag:s21], $0x1F40  }
0x99: {  	[sflag:s21] =	ssyncset.done $0x0  }
0x9a: {  	s30 =	sadd.s32 $0x2A80, s10;
	s26 =	simm.s32 @p1 $0x7;
	[sflag:s21] =	ssyncadd.s32 $0xFFFFE0C0  }
0x9b: {  	[spmem:s2] =	stream.indirect.scatter.add.f32 [tilespmem:s29], [sflag:$0xE], $0x40, s30, s17, $0xb8;
	[tilespmem:$0x1E640] =	vst v63  }
0x9c: {  	_ =	swait.ge @p1 [sflag:s26], $0x1F40  }
0x9d: {  	[sflag:s26] =	ssyncset.done @p1 $0x0  }
0x9e: {  	s23 =	sadd.s32 @p1 $0x2B00, s23;
	[sflag:s26] =	ssyncadd.s32 @p1 $0xFFFFE0C0;
	s26 =	simm.s32 @p1 $0x10B80  }
0x9f: {  	[spmem:s2] =	stream.indirect.scatter.add.f32 @p1 [tilespmem:s26], [sflag:$0xF], $0x40, s23, s25, $0xb8;
	[tilespmem:$0x1E640] =	vst v63  }
0xa0: {  	s23 =	simm.s32 @!p1 $0xD  }
0xa1: {  	_ =	swait.ge @!p1 [sflag:s23], $0x1F40  }
0xa2: {  	[sflag:s23] =	ssyncset.done @!p1 $0x0  }
0xa3: {  	[sflag:s23] =	ssyncadd.s32 @!p1 $0xFFFFE0C0;
	s23 =	sadd.s32 @!p1 $0x600, s11  }
0xa4: {  	[tilespmem:s28], [sflag:$0x5] =	stream.indirect.gather @!p1 [hbm4b:s4+s3], $0x40, s23, s3, $0xb8;
	[tilespmem:$0x1E640] =	vst v63  }
0xa5: {  	s23 =	simm.s32 @!p1 $0x7  }
0xa6: {  	_ =	swait.ge @!p1 [sflag:s23], $0x1F40  }
0xa7: {  	[sflag:s23] =	ssyncset.done @!p1 $0x0  }
0xa8: {  	s25 =	simm.s32 @!p1 $0x10B80;
	[sflag:s23] =	ssyncadd.s32 @!p1 $0xFFFFE0C0;
	s23 =	sadd.s32 @!p1 $0x2B00, s11  }
0xa9: {  	[spmem:s2] =	stream.indirect.scatter.add.f32 @!p1 [tilespmem:s25], [sflag:$0xF], $0x40, s23, s3, $0xb8;
	[tilespmem:$0x1E640] =	vst v63  }
0xaa: {  	s23 =	simm.s32 @!p1 $0xE  }
0xab: {  	_ =	swait.ge @!p1 [sflag:s23], $0x1F40  }
0xac: {  	[sflag:s23] =	ssyncset.done @!p1 $0x0  }
0xad: {  	s11 =	sadd.s32 @!p1 $0x680, s11;
	[sflag:s23] =	ssyncadd.s32 @!p1 $0xFFFFE0C0;
	s23 =	simm.s32 @!p1 $0xEC40  }
0xae: {  	[tilespmem:s23], [sflag:$0x6] =	stream.indirect.gather @!p1 [hbm4b:s4+s3], $0x40, s11, s3, $0xb8;
	[tilespmem:$0x1E640] =	vst v63  }
.Ltmp2:
0xaf: {  	_ = 	snop;
	(pc) =	sbr.rel @p1 .LBB2_4-.Ltmp2, $4  }
0xb0: {  	_ =	swait.ge [sflag:s22], $0x1F40  }
0xb1: {  	[sflag:s22] =	ssyncset.done $0x0  }
0xb2: {  	s30 =	sadd.s32 $0x2B80, s10;
	[sflag:s22] =	ssyncadd.s32 $0xFFFFE0C0  }
0xb3: {  	[spmem:s2] =	stream.indirect.scatter.add.f32 [tilespmem:s0], [sflag:$0x10], $0x40, s30, s17, $0xb8;
	[tilespmem:$0x1E640] =	vst v63  }
.Ltmp3:
0xb4: {  	(pc) =	sbr.rel .LBB2_2-.Ltmp3, $4  }
0xb5: {  	_ =	swait.ge [sflag:s6], $0x1F40  }
0xb6: {  	[sflag:s6] =	ssyncset.done $0x0  }
0xb7: {  	s3 =	sadd.s32 $0x700, s10;
	s9 =	sadd.s32 $0x1000, s9;
	[sflag:s6] =	ssyncadd.s32 $0xFFFFE0C0  }
0xb8: {  	[tilespmem:s31], [sflag:$0x7] =	stream.indirect.gather [hbm4b:s4+s17], $0x40, s3, s17, $0xb8;
	[tilespmem:$0x1E640] =	vst v63  }
.LBB2_5:
0xb9: {  	_ =	sfence.sel $0x180000  }
0xba: {  	[bflag:$0x0] =	sbarrier.arrive $0xFFFF  }
0xbb: {  	_ =	strace $0x9000004D  }
0xbc: {  	s0 =	stileid.u32;
	[bflag:$0x2] =	sbarrier.arrive $0xFFFF  }
0xbd: {  	p0 =	sne.s32 s0, $0x0;
	s0 =	rddreg [dreg:$0x2]  }
0xbe: {  	s0 =	sadd.s32 @!p0 $0x100000, s0  }
0xbf: {  	[sflag:s0] =	ssyncadd.tile.s32 @!p0 $0x1;
	_ =	shalt  }
.Lfunc_end2:
_tile_overlayer_lowered:
.L_overlay_start_2:
0xc0: {  	(tag) =	ssettag $0x2  }
0xc1: {  	s0 =	rddreg [dreg:$0x0];
	s2 =	stileid.u32  }
0xc2: {  	s1 =	rddreg [dreg:$0x1];
	p0 =	sne.s32 s2, $0x0  }
0xc3: {  	s3 =	rddreg [dreg:$0x2];
	[bflag:$0x3] =	sbarrier.arrive $0xFFFF;
	s2 =	simm.s32 @!p0 $0x1C11  }
0xc4: {  	[timem:s3], [sflag:s2] =	dma.local @!p0 [hbm:s0], s1  }
0xc5: {  	s0 =	simm.s32 @!p0 $0x11  }
0xc6: {  	_ =	swait.ge @!p0 [sflag:s0], s1  }
0xc7: {  	s1 =	ssub.s32 @!p0 $0x0, s1;
	[sflag:s0] =	ssyncset.done @!p0 $0x0  }
0xc8: {  	[sflag:s0] =	ssyncadd.s32 @!p0 s1  }
0xc9: {  	[bflag:$0x3] =	sbarrier.arrive $0xFFFF  }
0xca: {  	_ =	shalt  }

// kernel: kernel.9.cloned.1.call-start
scs
__scs_entry_jumppad:
0x0: {  	(pc) =	sbr.rel $0x88, $3  }
0x1: {  	(tag) =	ssettag $0x0;
	lr =	simm.s32 $0x1  }
0x2: {  	[smem:$0x3F96] =	sst lr;
	_ =	strace $0xD0000000  }
0x3: {  	_ = 	snop  }
0x4: {  	_ = 	snop  }
0x5: {  	_ = 	snop  }
0x6: {  	_ = 	snop  }
0x7: {  	_ = 	snop  }
__scs_overlays_trampoline_lowered:
0x8: {  	[smem:$0x3FA5] =	sst s0  }
0x9: {  	[smem:$0x3FA6] =	sst s1  }
0xa: {  	[smem:$0x3FA7] =	sst s2  }
0xb: {  	[smem:$0x3FA8] =	sst s3  }
0xc: {  	[smem:$0x3FA9] =	sst s4  }
0xd: {  	[smem:$0x3FAA] =	sst s5  }
0xe: {  	[smem:$0x3FAB] =	sst s6  }
0xf: {  	[smem:$0x3FAC] =	sst s7  }
0x10: {  	[smem:$0x3FAD] =	sst s8  }
0x11: {  	[smem:$0x3FAE] =	sst s9;
	s0 =	simm.s32 @!p0 $0x0  }
0x12: {  	s1 =	sld [smem:$0x3F94];
	s0 =	simm.s32 @p0 $0x1  }
0x13: {  	[smem:$0x3FAF] =	sst s0;
	s0 =	simm.s32 @!p1 $0x0  }
0x14: {  	s2 =	sld [smem:$0x3F93];
	s0 =	simm.s32 @p1 $0x1  }
0x15: {  	[smem:$0x3FB0] =	sst s0;
	s0 =	simm.s32 @!p2 $0x0  }
0x16: {  	s3 =	sld [smem:$0x3FDB];
	s0 =	simm.s32 @p2 $0x1  }
0x17: {  	s4 =	simm.s32 $0x1BF5;
	[smem:$0x3FB2] =	sst s0  }
0x18: {  	s0 =	sld [smem:$0x3F95];
	_ =	swait.ge [sflag:s4], $0x0  }
0x19: {  	s7 =	sld [smem:$0x3F96]  }
0x1a: {  	s8 =	sadd.s32 $0xFFFFE003, lr  }
0x1b: {  	s9 =	sadd.s32 $0xFFFFFEF7, lr;
	s5 =	simm.s32 $0xFFFFFFFF;
	p2 =	slt.u32 s8, $0xFFFFF086  }
0x1c: {  	p1 =	slt.u32 s9, $0xF7A;
	s5 =	simm.s32 @!p2 $0x0  }
0x1d: {  	s5 =	simm.s32 @p1 $0x1;
	p0 =	seq.s32 s7, s2  }
0x1e: {  	s7 =	smul.u32 @!p0 $0xF7A, s2;
	p2 =	seq.s32 @!p0 s5, $0x0  }
0x1f: {  	s9 =	smul.u32 $0xF7A, s1;
	s8 =	simm.s32 @!p0 $0x1BF5;
	p2 =	por !p2, p0  }
0x20: {  	[sflag:s8] =	ssyncset.s32 @!p0 $0xFFFFF086;
	s6 =	sadd.s32 @!p0 s3, s7;
	s7 =	simm.s32 @!p0 $0x108  }
0x21: {  	s3 =	sadd.s32 s3, s9;
	s6 =	sadd.s32 @!p0 $0x88, s6;
	s7 =	simm.s32 @p2 $0x1082  }
0x22: {  	[simem:s7], [sflag:s8] =	dma.local @!p0 [hbm:s6], $0xF7A  }
0x23: {  	s9 =	sor.u32 $0xD0000000, s2;
	s6 =	simm.s32 $0x108;
	_ =	swait.ge @!p0 [sflag:s8], $0x0  }
0x24: {  	s3 =	sadd.s32 $0x88, s3;
	s6 =	simm.s32 @!p1 $0x1082;
	[sflag:s4] =	ssyncset.s32 $0xFFFFF086  }
0x25: {  	[simem:s6], [sflag:s4] =	dma.local [hbm:s3], $0xF7A  }
0x26: {  	[smem:$0x3F96] =	sst s1;
	(tag) =	ssettag s2;
	_ =	strace s9  }
0x27: {  	s1 =	sld [smem:$0x3FA6]  }
0x28: {  	s2 =	sld [smem:$0x3FA7]  }
0x29: {  	s4 =	sld [smem:$0x3FA9]  }
0x2a: {  	p0 =	seq.s32 s5, $0x0;
	s5 =	sld [smem:$0x3FAA]  }
0x2b: {  	s6 =	sld [smem:$0x3FAB]  }
0x2c: {  	s7 =	sld [smem:$0x3FAC]  }
0x2d: {  	s3 =	simm.s32 $0x108;
	s8 =	sld [smem:$0x3FAD]  }
0x2e: {  	s3 =	simm.s32 @!p0 $0x1082;
	s9 =	sld [smem:$0x3FAE]  }
0x2f: {  	lr =	sadd.s32 s0, s3;
	s0 =	sld [smem:$0x3FA5]  }
0x30: {  	s3 =	sld [smem:$0x3FA8]  }
0x31: {  	[smem:$0x3FB1] =	sst s10  }
0x32: {  	s10 =	sld [smem:$0x3FAF];
	_ =	sdelay $0x3  }
0x33: {  	p0 =	seq.s32 s10, $0x1;
	s10 =	sld [smem:$0x3FB1];
	_ =	sdelay $0x3  }
0x34: {  	[smem:$0x3FB1] =	sst s10  }
0x35: {  	s10 =	sld [smem:$0x3FB0];
	_ =	sdelay $0x3  }
0x36: {  	p1 =	seq.s32 s10, $0x1;
	s10 =	sld [smem:$0x3FB1];
	_ =	sdelay $0x3  }
0x37: {  	[smem:$0x3FB1] =	sst s10  }
0x38: {  	s10 =	sld [smem:$0x3FB2]  }
0x39: {  	_ = 	snop;
	(pc) =	sbr.ind lr, $3  }
0x3a: {  	_ = 	snop  }
0x3b: {  	_ = 	snop  }
0x3c: {  	p2 =	seq.s32 s10, $0x1;
	s10 =	sld [smem:$0x3FB1]  }
0x3d: {  	_ =	shalt  }
0x3e: {  	_ =	shalt  }
0x3f: {  	_ =	shalt  }
0x40: {  	_ =	shalt  }
0x41: {  	_ =	shalt  }
0x42: {  	_ =	shalt  }
0x43: {  	_ =	shalt  }
0x44: {  	_ =	shalt  }
0x45: {  	_ =	shalt  }
0x46: {  	_ =	shalt  }
0x47: {  	_ =	shalt  }
0x48: {  	_ =	shalt  }
0x49: {  	_ =	shalt  }
0x4a: {  	_ =	shalt  }
0x4b: {  	_ =	shalt  }
0x4c: {  	_ =	shalt  }
0x4d: {  	_ =	shalt  }
0x4e: {  	_ =	shalt  }
0x4f: {  	_ =	shalt  }
0x50: {  	_ =	shalt  }
0x51: {  	_ =	shalt  }
0x52: {  	_ =	shalt  }
0x53: {  	_ =	shalt  }
0x54: {  	_ =	shalt  }
0x55: {  	_ =	shalt  }
0x56: {  	_ =	shalt  }
0x57: {  	_ =	shalt  }
0x58: {  	_ =	shalt  }
0x59: {  	_ =	shalt  }
0x5a: {  	_ =	shalt  }
0x5b: {  	_ =	shalt  }
0x5c: {  	_ =	shalt  }
0x5d: {  	_ =	shalt  }
0x5e: {  	_ =	shalt  }
0x5f: {  	_ =	shalt  }
0x60: {  	_ =	shalt  }
0x61: {  	_ =	shalt  }
0x62: {  	_ =	shalt  }
0x63: {  	_ =	shalt  }
0x64: {  	_ =	shalt  }
0x65: {  	_ =	shalt  }
0x66: {  	_ =	shalt  }
0x67: {  	_ =	shalt  }
0x68: {  	_ =	shalt  }
0x69: {  	_ =	shalt  }
0x6a: {  	_ =	shalt  }
0x6b: {  	_ =	shalt  }
0x6c: {  	_ =	shalt  }
0x6d: {  	_ =	shalt  }
0x6e: {  	_ =	shalt  }
0x6f: {  	_ =	shalt  }
0x70: {  	_ =	shalt  }
0x71: {  	_ =	shalt  }
0x72: {  	_ =	shalt  }
0x73: {  	_ =	shalt  }
0x74: {  	_ =	shalt  }
0x75: {  	_ =	shalt  }
0x76: {  	_ =	shalt  }
0x77: {  	_ =	shalt  }
0x78: {  	_ =	shalt  }
0x79: {  	_ =	shalt  }
0x7a: {  	_ =	shalt  }
0x7b: {  	_ =	shalt  }
0x7c: {  	_ =	shalt  }
0x7d: {  	_ =	shalt  }
0x7e: {  	_ =	shalt  }
0x7f: {  	_ =	shalt  }
0x80: {  	_ =	shalt  }
0x81: {  	_ =	shalt  }
0x82: {  	_ =	shalt  }
0x83: {  	_ =	shalt  }
0x84: {  	_ =	shalt  }
0x85: {  	_ =	shalt  }
0x86: {  	_ =	shalt  }
0x87: {  	_ =	shalt  }
.Lfunc_end0:
.L_simem_size_0:
called_computation_lowered:
.L_overlay_start_0:
0x88: {  	s2 =	sld [smem:$0x3FD9]  }
0x89: {  	s3 =	sld [smem:$0x3FFE];
	_ =	sdelay $0x1  }
0x8a: {  	s1 =	srdreg.scid  }
0x8b: {  	s0 =	sand.u32 $0x1, s1  }
0x8c: {  	s16 =	sshll.u32 s0, $0xA;
	s2 =	sadd.s32 s3, s2  }
0x8d: {  	s2 =	sadd.s32 s2, s16  }
0x8e: {  	[smem:$0x3FBD] =	sst s2  }
0x8f: {  	_ = 	snop  }
0x90: {  	(tm) =	ssettm $0x1  }
0x91: {  	s17 =	sld [smem:$0x3FFB];
	_ =	sdelay $0x3  }
0x92: {  	_ =	strace s17  }
0x93: {  	s2 =	sld [smem:$0x3FFC];
	_ =	sdelay $0x3  }
0x94: {  	_ =	strace s2  }
0x95: {  	s2 =	sld [smem:$0x3FFD];
	_ =	sdelay $0x3  }
0x96: {  	_ =	strace s2  }
0x97: {  	_ =	strace $0x8FFFFFFF  }
0x98: {  	s18 =	sld [smem:$0x3FDB];
	_ =	sdelay $0x1  }
0x99: {  	s19 =	simm.s32 $_scs_section_size  }
0x9a: {  	s4 =	simm.s32 $_size__tile_overlayer_lowered;
	s5 =	simm.s32 $_tile_overlayer_lowered  }
0x9b: {  	s22 =	simm.s32 $0x1BFF;
	s21 =	sshll.u32 s5, $0x1;
	s2 =	sadd.s32 s19, s18  }
0x9c: {  	s6 =	simm.s32 $0x0;
	s20 =	sshll.u32 s4, $0x1;
	s4 =	sadd.s32 s21, s2  }
0x9d: {  	[timem:s6], [sflag:s22] =	dma.local [hbm:s4], s20  }
0x9e: {  	_ =	swait.ge [sflag:s22], s20  }
0x9f: {  	s3 =	ssub.s32 $0x0, s20;
	[sflag:s22] =	ssyncset.done $0x0  }
0xa0: {  	[sflag:s22] =	ssyncadd.s32 s3;
	_ =	sdelay $0x1  }
0xa1: {  	s23 =	simm.s32 $0x1B8B  }
0xa2: {  	_ =	swait.ge [sflag:s23], $0x1  }
0xa3: {  	[sflag:s23] =	ssyncset.done $0x0  }
0xa4: {  	s25 =	simm.s32 $0x1B8E;
	s24 =	sld [smem:$0x3FFE];
	[sflag:s23] =	ssyncadd.s32 $0xFFFFFFFF  }
0xa5: {  	s26 =	simm.s32 $execute0_lowered;
	[smem:$0x3FD2] =	sst s25  }
0xa6: {  	s4 =	sshll.u32 s26, $0x1;
	_ =	strace $0x80000046;
	[dreg:$0x1] =	wrdreg $0xFFFFFFFF  }
0xa7: {  	s28 =	simm.s32 $_size_execute0_lowered;
	s2 =	sadd.s32 s2, s4;
	[dreg:$0x0] =	wrdreg $0x0  }
0xa8: {  	s4 =	sshll.u32 s28, $0x1;
	[dreg:$0x2] =	wrdreg s2  }
0xa9: {  	[dreg:$0x3] =	wrdreg s4  }
0xaa: {  	[dreg:$0x4] =	wrdreg $0xC0  }
0xab: {  	_ =	task [dreg:s6], $0x5FFFF  }
0xac: {  	[dreg:$0x1] =	wrdreg $0xFFFFFFFF  }
0xad: {  	[dreg:$0x0] =	wrdreg $0x60  }
0xae: {  	[dreg:$0x2] =	wrdreg s24  }
0xaf: {  	[dreg:$0x3] =	wrdreg $0x2FD00  }
0xb0: {  	[dreg:$0x4] =	wrdreg $0x9  }
0xb1: {  	_ =	task.clear_ibuf [dreg:s6], $0x5FFFF;
	_ =	strace $0x90000046  }
0xb2: {  	s29 =	simm.s32 $0x9;
	_ =	strace $0x80000048  }
0xb3: {  	_ =	swait.ge [sflag:s29], $0x1  }
0xb4: {  	[sflag:s29] =	ssyncadd.s32 $0xFFFFFFFF  }
0xb5: {  	_ =	strace $0x90000048  }
0xb6: {  	_ =	sfence  }
0xb7: {  	s30 =	sld [smem:$0x0];
	_ =	sdelay $0x2  }
0xb8: {  	s31 =	sshll.u32 s1, $0xD;
	s1 =	sshrl.u32 s1, $0x2  }
0xb9: {  	s3 =	sand.u32 $0x4000, s31;
	s1 =	sadd.s32 s1, s30  }
0xba: {  	s0 =	sor.u32 s3, s0;
	s1 =	sshll.u32 s1, $0x11  }
0xbb: {  	s0 =	sor.u32 s1, s0  }
0xbc: {  	s0 =	sadd.s32 $0x8F2B, s0  }
0xbd: {  	[sflag:s0] =	ssyncadd.remote.s32 $0x1  }
0xbe: {  	_ =	sfence.sel $0xFFFF  }
0xbf: {  	[dreg:$0x0] =	wrdreg $0xFFFFFFFF;
	(pc) =	sbr.abs _section_cstart, $3  }
0xc0: {  	[dreg:$0x1] =	wrdreg $0xFFFFFFFF  }
0xc1: {  	_ =	task.clear_ibuf [dreg:s6], $0x2FFFF;
	_ =	strace $0x9FFFFFFF  }
0xc2: {  	(tm) =	ssettm $0x7FFFFFFF  }
0xc3: {  	_ =	shalt  }
tec
execute0_lowered:
.L_overlay_start_1:
0x0: {  	(tag) =	ssettag $0x1  }
0x1: {  	s7 =	rddreg [dreg:$0x0]  }
0x2: {  	s2 =	rddreg [dreg:$0x1]  }
0x3: {  	s0 =	rddreg [dreg:$0x2];
	s3 =	simm.s32 $0x0;
	s1 =	stileid.u32  }
0x4: {  	s5 =	srdreg.scid;
	s15 =	simm.s32 $0x1;
	s16 =	simm.s32 $0x7D  }
0x5: {  	s17 =	simm.s32 $0x0;
	[smem:$0x7FF] =	sst s3;
	s8 =	smul.u32 $0x2700, s1  }
0x6: {  	s4 =	sadd.s32 $0x1B000, s7;
	s6 =	sand.u32 $0x1, s5;
	s12 =	sadd.s32 $0x1B200, s7  }
0x7: {  	s14 =	sadd.s32 $0x24900, s2;
	p0 =	seq.s32 s1, $0xF;
	_ =	strace $0x80000047  }
0x8: {  	s9 =	ssub.s32 $0x2, s6;
	s10 =	sshll.u32 s6, $0x4;
	s30 =	smul.u32 $0x27100, s6  }
0x9: {  	s6 =	sadd.s32 $0x1A920, s7;
	s28 =	sshrl.u32 s8, $0x3;
	s11 =	sshrl.u32 s9, $0x1  }
0xa: {  	s10 =	sor.u32 s1, s10;
	s13 =	sadd.s32 s8, s2;
	s5 =	sadd.s32 s28, s7  }
0xb: {  	s11 =	ssub.s32 s9, s11;
	s29 =	smul.u32 $0x2800, s10;
	s8 =	sadd.s32 s8, s30  }
0xc: {  	s31 =	sshrl.u32 s30, $0x3;
	s13 =	sshrl.u32 @!p0 s13, $0x3;
	s5 =	sadd.s32 $0x16000, s5  }
0xd: {  	s8 =	sshrl.u32 s8, $0x3;
	s10 =	smax.u32 s11, $0x1;
	s11 =	sshrl.u32 @p0 s14, $0x3  }
0xe: {  	s14 =	simm.s32 $0x2800;
	s9 =	sshrl.u32 s29, $0x3;
	s8 =	sadd.s32 s12, s8  }
0xf: {  	s7 =	sadd.s32 s7, s9;
	s9 =	sadd.s32 s12, s31;
	s12 =	sshll.u32 @!p0 s1, $0x6  }
0x10: {  	s7 =	sadd.s32 $0xC000, s7;
	s9 =	sadd.s32 $0x4920, s9;
	s12 =	sor.u32 @!p0 $0x1C01, s12  }
.LBB2_1:
0x11: {  	s18 =	simm.s32 @p0 $0x1FC1  }
0x12: {  	[spmem:s11], [sflag:s18] =	dma.local @p0 [hbm:s6], $0x500  }
0x13: {  	s18 =	simm.s32 @p0 $0x1  }
0x14: {  	_ =	swait.ge @p0 [sflag:s18], $0x500  }
0x15: {  	[sflag:s18] =	ssyncset.done @p0 $0x0  }
0x16: {  	[sflag:s18] =	ssyncadd.s32 @p0 $0xFFFFFB00;
	s18 =	simm.s32 @!p0 $0x1  }
0x17: {  	[spmem:s13], [sflag:s12] =	dma.local @!p0 [hbm:s5], $0x4E0  }
0x18: {  	_ =	swait.ge @!p0 [sflag:s18], $0x4E0  }
0x19: {  	[sflag:s18] =	ssyncset.done @!p0 $0x0  }
0x1a: {  	[sflag:s18] =	ssyncadd.s32 @!p0 $0xFFFFFB20  }
0x1b: {  	[tilespmem:s14], [sflag:$0x1] =	stream.linear.gather [hbm4b:s4+s3], $0x7D0, $0x38;
	[tilespmem:$0x56E0] =	vst v63  }
0x1c: {  	_ =	swait.ge [sflag:s15], $0x7D0  }
0x1d: {  	[sflag:s15] =	ssyncset.done $0x0  }
0x1e: {  	[sflag:s15] =	ssyncadd.s32 $0xFFFFF830  }
0x1f: {  	[tilespmem:s3], [sflag:$0x1] =	stream.linear.gather [hbm4b:s7+s3], $0x2800, $0x38;
	[tilespmem:$0x56E0] =	vst v63  }
0x20: {  	_ =	swait.ge [sflag:s15], $0x2800  }
0x21: {  	[sflag:s15] =	ssyncset.done $0x0  }
0x22: {  	[sflag:s15] =	ssyncadd.s32 $0xFFFFD800  }
0x23: {  	s31 =	simm.s32 $0x0;
	[bflag:$0x0] =	sbarrier.arrive $0xFFFF  }
0x24: {  	[spmem:s2] =	stream.indirect.scatter.add.f32 [tilespmem:s14], [sflag:$0x1], $0x10, s31, s16, $0xb8;
	[tilespmem:$0x56E0] =	vst v63  }
0x25: {  	_ =	swait.ge [sflag:s15], $0x7D0  }
0x26: {  	s18 =	simm.s32 $0x200;
	[sflag:s15] =	ssyncset.done $0x0  }
.LBB2_2:
0x27: {  	s19 =	sshra.s32 s18, $0x2;
	[sflag:s15] =	ssyncadd.s32 $0xFFFFF830;
	p1 =	sne.s32 s18, $0x9E00  }
0x28: {  	[spmem:s2] =	stream.indirect.scatter.add.f32 [tilespmem:s14], [sflag:$0x1], $0x10, s19, s16, $0xb8;
	[tilespmem:$0x56E0] =	vst v63  }
.Ltmp0:
0x29: {  	_ = 	snop;
	(pc) =	sbr.rel @p1 .LBB2_2-.Ltmp0, $4  }
0x2a: {  	_ = 	snop  }
0x2b: {  	s18 =	sadd.s32 $0x200, s18  }
0x2c: {  	_ =	swait.ge [sflag:s15], $0x7D0  }
0x2d: {  	[sflag:s15] =	ssyncset.done $0x0  }
0x2e: {  	[sflag:s15] =	ssyncadd.s32 $0xFFFFF830  }
0x2f: {  	s18 =	simm.s32 @p0 $0x1FC1;
	[bflag:$0x0] =	sbarrier.arrive $0xFFFF  }
0x30: {  	[hbm:s9], [sflag:s18] =	dma.local @p0 [spmem:s11], $0x500  }
0x31: {  	s18 =	simm.s32 @p0 $0x1  }
0x32: {  	s17 =	sadd.s32 $0x1, s17;
	_ =	swait.ge @p0 [sflag:s18], $0x500  }
0x33: {  	p1 =	sne.s32 s17, s10;
	[sflag:s18] =	ssyncset.done @p0 $0x0  }
.Ltmp1:
0x34: {  	[sflag:s18] =	ssyncadd.s32 @p0 $0xFFFFFB00;
	s18 =	simm.s32 @!p0 $0x1;
	(pc) =	sbr.rel @p1 .LBB2_1-.Ltmp1, $4  }
0x35: {  	[hbm:s8], [sflag:s12] =	dma.local @!p0 [spmem:s13], $0x4E0  }
0x36: {  	_ =	swait.ge @!p0 [sflag:s18], $0x4E0  }
0x37: {  	[sflag:s18] =	ssyncset.done @!p0 $0x0  }
0x38: {  	[sflag:s18] =	ssyncadd.s32 @!p0 $0xFFFFFB20  }
0x39: {  	_ =	sfence.sel $0x180000  }
0x3a: {  	[bflag:$0x0] =	sbarrier.arrive $0xFFFF  }
0x3b: {  	p0 =	sne.s32 s1, $0x0;
	_ =	strace $0x90000047  }
0x3c: {  	s0 =	sadd.s32 @!p0 $0x100000, s0;
	[bflag:$0x2] =	sbarrier.arrive $0xFFFF  }
0x3d: {  	[sflag:s0] =	ssyncadd.tile.s32 @!p0 $0x1;
	_ =	shalt  }
.Lfunc_end2:
_tile_overlayer_lowered:
.L_overlay_start_2:
0x3e: {  	(tag) =	ssettag $0x2  }
0x3f: {  	s0 =	rddreg [dreg:$0x0];
	s2 =	stileid.u32  }
0x40: {  	s1 =	rddreg [dreg:$0x1];
	p0 =	sne.s32 s2, $0x0  }
0x41: {  	s3 =	rddreg [dreg:$0x2];
	[bflag:$0x3] =	sbarrier.arrive $0xFFFF;
	s2 =	simm.s32 @!p0 $0x1C01  }
0x42: {  	[timem:s3], [sflag:s2] =	dma.local @!p0 [hbm:s0], s1  }
0x43: {  	s0 =	simm.s32 @!p0 $0x1  }
0x44: {  	_ =	swait.ge @!p0 [sflag:s0], s1  }
0x45: {  	s1 =	ssub.s32 @!p0 $0x0, s1;
	[sflag:s0] =	ssyncset.done @!p0 $0x0  }
0x46: {  	[sflag:s0] =	ssyncadd.s32 @!p0 s1  }
0x47: {  	[bflag:$0x3] =	sbarrier.arrive $0xFFFF  }
0x48: {  	_ =	shalt  }

</sc_bundles>
